<compile_context>
chip_gen: v7x
topology: tpu7x:2x2x1
jax: 0.10.2.dev20260603
libtpu: 0.0.44.dev20260713+nightly
codegen_flags: <defaults>
</compile_context>

<pallas_src>
import functools

import jax
import jax.numpy as jnp
from jax import lax
from jax.experimental import pallas as pl
from jax.experimental.pallas import tpu as pltpu
from jax.experimental.pallas import tpu_sc as plsc

N_NODES = 10000
D = 128
E = 320000

NP = 10112
NW = 32
K = 128
CH = 80
EP = NW * CH * K
ROWS_PER_TILE = NP // 16
DEG_W = 16



@functools.lru_cache(maxsize=None)
def _make_sc_kernel(with_deg):
  mesh = plsc.VectorSubcoreMesh(core_axis_name="c", subcore_axis_name="s",
                                num_cores=2, num_subcores=16)

  out_type = [jax.ShapeDtypeStruct((2, NP, D), jnp.float32)]
  scratch = [
      pltpu.VMEM_SHARED((NP, D), jnp.float32),
      pltpu.VMEM((2, K), jnp.int32),
      pltpu.VMEM((K, D), jnp.float32),
      pltpu.VMEM((K, DEG_W), jnp.float32),
  ]
  if with_deg:
    out_type.append(jax.ShapeDtypeStruct((2, NP, DEG_W), jnp.float32))
    scratch += [
        pltpu.VMEM_SHARED((NP, DEG_W), jnp.float32),
        pltpu.VMEM((K, DEG_W), jnp.float32),
    ]

  row_chunks = []
  off = 0
  while off < ROWS_PER_TILE:
    sz = min(K, ROWS_PER_TILE - off)
    row_chunks.append((off, sz))
    off += sz

  def _fill(ref, rows, cols, value):
    def rowfn(i, carry):
      for j in range(cols // 16):
        ref[i, pl.ds(j * 16, 16)] = jnp.full((16,), value, jnp.float32)
      return carry
    lax.fori_loop(0, rows, rowfn, 0)

  def body(table, idx_i, *refs):
    if with_deg:
      acc_out, deg_out, acc, idx_v, gbuf, sbuf, deg_acc, ones_v = refs
    else:
      acc_out, acc, idx_v, gbuf, sbuf = refs
      deg_out = deg_acc = ones_v = None

    c = lax.axis_index("c")
    s = lax.axis_index("s")
    w = s * 2 + c
    r0 = s * ROWS_PER_TILE

    _fill(gbuf, K, D, 0.0)
    for off, sz in row_chunks:
      pltpu.sync_copy(gbuf.at[pl.ds(0, sz)], acc.at[pl.ds(r0 + off, sz)])
    if with_deg:
      _fill(sbuf, K, DEG_W, 0.0)
      _fill(ones_v, K, DEG_W, 1.0)
      for off, sz in row_chunks:
        pltpu.sync_copy(sbuf.at[pl.ds(0, sz)],
                        deg_acc.at[pl.ds(r0 + off, sz)])
    plsc.subcore_barrier()

    def step(j, carry):
      pltpu.sync_copy(idx_i.at[w * CH + j], idx_v)
      pltpu.sync_copy(table.at[idx_v.at[0]], gbuf)
      pltpu.sync_copy(gbuf, acc.at[idx_v.at[1]], add=True)
      if with_deg:
        pltpu.sync_copy(ones_v, deg_acc.at[idx_v.at[1]], add=True)
      return carry

    lax.fori_loop(0, CH, step, 0)

    plsc.subcore_barrier()
    for off, sz in row_chunks:
      pltpu.sync_copy(acc.at[pl.ds(r0 + off, sz)], gbuf.at[pl.ds(0, sz)])
      pltpu.sync_copy(gbuf.at[pl.ds(0, sz)],
                      acc_out.at[c, pl.ds(r0 + off, sz)])
    if with_deg:
      for off, sz in row_chunks:
        pltpu.sync_copy(deg_acc.at[pl.ds(r0 + off, sz)],
                        sbuf.at[pl.ds(0, sz)])
        pltpu.sync_copy(sbuf.at[pl.ds(0, sz)],
                        deg_out.at[c, pl.ds(r0 + off, sz)])

  return pl.kernel(body, out_type=tuple(out_type), mesh=mesh,
                   scratch_types=scratch,
                   compiler_params=pltpu.CompilerParams(
                       use_tc_tiling_on_sc=False))


def _sc_scatter_deg(*args):
  return _make_sc_kernel(True)(*args)


def _sc_scatter(*args):
  return _make_sc_kernel(False)(*args)



_BLK = 1264


def _mm_body(x_ref, w_ref, o_ref):
  o_ref[...] = jnp.dot(x_ref[...], w_ref[...],
                       preferred_element_type=jnp.float32)


def _tc_matmul(x, w):
  return pl.pallas_call(
      _mm_body,
      grid=(NP // _BLK,),
      in_specs=[
          pl.BlockSpec((_BLK, D), lambda i: (i, 0)),
          pl.BlockSpec((D, D), lambda i: (0, 0)),
      ],
      out_specs=pl.BlockSpec((_BLK, D), lambda i: (i, 0)),
      out_shape=jax.ShapeDtypeStruct((NP, D), jnp.float32),
  )(x, w)


def _norm_relu_mm_body(a0, a1, d0, d1, w, o):
  a = a0[...] + a1[...]
  d = d0[...][:, 0:1] + d1[...][:, 0:1]
  h = jnp.maximum(a / jnp.maximum(d, 1.0), 0.0)
  o[...] = jnp.dot(h, w[...], preferred_element_type=jnp.float32)


def _tc_norm_relu_matmul(acc, deg, w):
  return pl.pallas_call(
      _norm_relu_mm_body,
      grid=(NP // _BLK,),
      in_specs=[
          pl.BlockSpec((_BLK, D), lambda i: (i, 0)),
          pl.BlockSpec((_BLK, D), lambda i: (i, 0)),
          pl.BlockSpec((_BLK, DEG_W), lambda i: (i, 0)),
          pl.BlockSpec((_BLK, DEG_W), lambda i: (i, 0)),
          pl.BlockSpec((D, D), lambda i: (0, 0)),
      ],
      out_specs=pl.BlockSpec((_BLK, D), lambda i: (i, 0)),
      out_shape=jax.ShapeDtypeStruct((NP, D), jnp.float32),
  )(acc[0], acc[1], deg[0], deg[1], w)


def _norm_relu_body(a0, a1, d0, d1, o):
  a = a0[...] + a1[...]
  d = d0[...][:, 0:1] + d1[...][:, 0:1]
  o[...] = jnp.maximum(a / jnp.maximum(d, 1.0), 0.0)


def _tc_norm_relu(acc, deg):
  return pl.pallas_call(
      _norm_relu_body,
      grid=(NP // _BLK,),
      in_specs=[
          pl.BlockSpec((_BLK, D), lambda i: (i, 0)),
          pl.BlockSpec((_BLK, D), lambda i: (i, 0)),
          pl.BlockSpec((_BLK, DEG_W), lambda i: (i, 0)),
          pl.BlockSpec((_BLK, DEG_W), lambda i: (i, 0)),
      ],
      out_specs=pl.BlockSpec((_BLK, D), lambda i: (i, 0)),
      out_shape=jax.ShapeDtypeStruct((NP, D), jnp.float32),
  )(acc[0], acc[1], deg[0], deg[1])



@jax.jit
def kernel(x, edge_index, W0, W1):
  src = edge_index[0].astype(jnp.int32)
  dst = edge_index[1].astype(jnp.int32)
  src_p = jnp.concatenate(
      [src, jnp.zeros((EP - E,), jnp.int32)]).reshape(NW, CH, 1, K)
  dst_p = jnp.concatenate(
      [dst, jnp.full((EP - E,), NP - 1, jnp.int32)]).reshape(NW, CH, 1, K)
  idx_p = jnp.concatenate([src_p, dst_p], axis=2).reshape(NW * CH, 2, K)
  xp = jnp.pad(x, ((0, NP - N_NODES), (0, 0)))

  y0 = _tc_matmul(xp, W0)
  acc1, deg1 = _sc_scatter_deg(y0, idx_p)
  t2 = _tc_norm_relu_matmul(acc1, deg1, W1)
  (acc2,) = _sc_scatter(t2, idx_p)
  out = _tc_norm_relu(acc2, deg1)
  return out[:N_NODES]

# --- scband reference (transcript-rebuilt; emitter-appended) ---
"""Pipeline reference for scband-topo-tune-82111184765389 (READ-ONLY COPY).

The authoritative reference and input builder live on the scoring server;
editing this copy changes nothing except your own understanding.
"""

import jax, jax.numpy as jnp
import numpy as np

N_NODES = 10000
N_EDGES = 320000
D_FEAT = 128
N_LAYERS = 2


def setup_inputs(seed: int = 0) -> dict:
    key = jax.random.key(seed)
    k1, k2, k3, k4, k5 = jax.random.split(key, 5)
    x = jax.random.normal(k1, (N_NODES, D_FEAT), dtype=jnp.float32)
    src = jax.random.randint(k2, (N_EDGES,), 0, N_NODES)
    dst = jax.random.randint(k3, (N_EDGES,), 0, N_NODES)
    edge_index = jnp.stack([src, dst]).astype(jnp.int64)
    scale = 1.0 / np.sqrt(D_FEAT)
    W0 = jax.random.normal(k4, (D_FEAT, D_FEAT), dtype=jnp.float32) * scale
    W1 = jax.random.normal(k5, (D_FEAT, D_FEAT), dtype=jnp.float32) * scale
    return {"x": x, "edge_index": edge_index, "W0": W0, "W1": W1}


def _gcn_route(h, src, dst, W, n_nodes):
    # Intrarank Hasse-graph GNN: gather messages from src cells,
    # scatter-add into dst cells (segment_sum), mean-normalize by in-degree,
    # then linear transform. This is the per-route GNN applied by TopoTune.
    msg = h[src]
    agg = jax.ops.segment_sum(msg, dst, num_segments=n_nodes)
    deg = jax.ops.segment_sum(jnp.ones(dst.shape[0], dtype=jnp.float32), dst, num_segments=n_nodes)
    agg = agg / jnp.clip(deg, 1.0)[:, None]
    return agg @ W


def reference(x, edge_index, W0, W1):
    # TopoTune forward with neighborhoods=["up_adjacency-0"] -> single
    # intrarank route (0,0). Per layer: run the route GNN on the rank-0
    # Hasse graph, aggregate route outputs (single route -> identity),
    # then apply the activation ('relu') between TopoTune layers.
    n_nodes = x.shape[0]
    src = edge_index[0]
    dst = edge_index[1]
    h = x
    for W in (W0, W1):
        out = _gcn_route(h, src, dst, W, n_nodes)
        h = jax.nn.relu(out)
    return h

if __name__ == "__main__":
    import jax
    _d = setup_inputs()
    print(jax.jit(kernel)(*tuple(_d.values())))

</pallas_src>

<mosaic_0001>
#map = affine_map<(d0, d1) -> (0, 0)>
#map1 = affine_map<(d0, d1) -> (0, 0, 0)>
module attributes {stable_mosaic.version = 14 : i64} {
  func.func @body(%arg0: i32, %arg1: i32, %arg2: memref<10112x128xf32, #tpu.memory_space<hbm>>, %arg3: memref<2560x2x128xi32, #tpu.memory_space<hbm>>, %arg4: memref<2x10112x128xf32, #tpu.memory_space<hbm>>, %arg5: memref<2x10112x16xf32, #tpu.memory_space<hbm>>, %arg6: memref<10112x128xf32, #tpu.memory_space<vmem_shared>>, %arg7: memref<2x128xi32, #tpu.memory_space<vmem>>, %arg8: memref<128x128xf32, #tpu.memory_space<vmem>>, %arg9: memref<128x16xf32, #tpu.memory_space<vmem>>, %arg10: memref<10112x16xf32, #tpu.memory_space<vmem_shared>>, %arg11: memref<128x16xf32, #tpu.memory_space<vmem>>) attributes {dimension_semantics = [#tpu.dimension_semantics<core_parallel>, #tpu.dimension_semantics<subcore_parallel>], iteration_bounds = array<i64: 2, 16>, scalar_prefetch = 0 : i64, scratch_operands = 6 : i64, tpu.core_type = #tpu.core_type<sc_vector_subcore>, window_params = [{transform_indices = #map}, {transform_indices = #map1}, {transform_indices = #map1}, {transform_indices = #map1}]} {
    %mul3A = arith.constant 2 : i32
    %mul3A_0 = arith.muli %arg1, %mul3A : i32
    %add3A = arith.addi %mul3A_0, %arg0 : i32
    %mul3A_1 = arith.constant 632 : i32
    %mul3A_2 = arith.muli %arg1, %mul3A_1 : i32
    %scan3A = arith.constant 0 : i32
    %scan3A_3 = arith.constant 0 : i32
    %scan3A_4 = arith.constant 128 : i32
    %scan3A_5 = arith.addi %scan3A_3, %scan3A_4 : i32
    %scan3A_6 = arith.constant 1 : i32
    scf.for %scan3A_87 = %scan3A_3 to %scan3A_5 step %scan3A_6  : i32 {
      %broadcast_in_dim3A = arith.constant 0.000000e+00 : f32
      %broadcast_in_dim3A_88 = vector.broadcast %broadcast_in_dim3A : f32 to vector<16xf32>
      %swap3A = arith.index_cast %scan3A_87 : i32 to index
      %swap3A_89 = arith.constant 0 : index
      %swap3A_90 = tpu.vector_load %arg8[%swap3A, %swap3A_89] {strides = array<i32>} : memref<128x128xf32, #tpu.memory_space<vmem>>, vector<1x16xf32>,
      %swap3A_91 = vector.shape_cast %swap3A_90 : vector<1x16xf32> to vector<16xf32>
      %swap3A_92 = vector.shape_cast %broadcast_in_dim3A_88 : vector<16xf32> to vector<1x16xf32>
      tpu.vector_store %arg8[%swap3A, %swap3A_89], %swap3A_92 {strides = array<i32>} : memref<128x128xf32, #tpu.memory_space<vmem>>, vector<1x16xf32>,
      %broadcast_in_dim3A_93 = arith.constant 0.000000e+00 : f32
      %broadcast_in_dim3A_94 = vector.broadcast %broadcast_in_dim3A_93 : f32 to vector<16xf32>
      %swap3A_95 = arith.index_cast %scan3A_87 : i32 to index
      %swap3A_96 = arith.constant 16 : index
      %swap3A_97 = tpu.vector_load %arg8[%swap3A_95, %swap3A_96] {strides = array<i32>} : memref<128x128xf32, #tpu.memory_space<vmem>>, vector<1x16xf32>,
      %swap3A_98 = vector.shape_cast %swap3A_97 : vector<1x16xf32> to vector<16xf32>
      %swap3A_99 = vector.shape_cast %broadcast_in_dim3A_94 : vector<16xf32> to vector<1x16xf32>
      tpu.vector_store %arg8[%swap3A_95, %swap3A_96], %swap3A_99 {strides = array<i32>} : memref<128x128xf32, #tpu.memory_space<vmem>>, vector<1x16xf32>,
      %broadcast_in_dim3A_100 = arith.constant 0.000000e+00 : f32
      %broadcast_in_dim3A_101 = vector.broadcast %broadcast_in_dim3A_100 : f32 to vector<16xf32>
      %swap3A_102 = arith.index_cast %scan3A_87 : i32 to index
      %swap3A_103 = arith.constant 32 : index
      %swap3A_104 = tpu.vector_load %arg8[%swap3A_102, %swap3A_103] {strides = array<i32>} : memref<128x128xf32, #tpu.memory_space<vmem>>, vector<1x16xf32>,
      %swap3A_105 = vector.shape_cast %swap3A_104 : vector<1x16xf32> to vector<16xf32>
      %swap3A_106 = vector.shape_cast %broadcast_in_dim3A_101 : vector<16xf32> to vector<1x16xf32>
      tpu.vector_store %arg8[%swap3A_102, %swap3A_103], %swap3A_106 {strides = array<i32>} : memref<128x128xf32, #tpu.memory_space<vmem>>, vector<1x16xf32>,
      %broadcast_in_dim3A_107 = arith.constant 0.000000e+00 : f32
      %broadcast_in_dim3A_108 = vector.broadcast %broadcast_in_dim3A_107 : f32 to vector<16xf32>
      %swap3A_109 = arith.index_cast %scan3A_87 : i32 to index
      %swap3A_110 = arith.constant 48 : index
      %swap3A_111 = tpu.vector_load %arg8[%swap3A_109, %swap3A_110] {strides = array<i32>} : memref<128x128xf32, #tpu.memory_space<vmem>>, vector<1x16xf32>,
      %swap3A_112 = vector.shape_cast %swap3A_111 : vector<1x16xf32> to vector<16xf32>
      %swap3A_113 = vector.shape_cast %broadcast_in_dim3A_108 : vector<16xf32> to vector<1x16xf32>
      tpu.vector_store %arg8[%swap3A_109, %swap3A_110], %swap3A_113 {strides = array<i32>} : memref<128x128xf32, #tpu.memory_space<vmem>>, vector<1x16xf32>,
      %broadcast_in_dim3A_114 = arith.constant 0.000000e+00 : f32
      %broadcast_in_dim3A_115 = vector.broadcast %broadcast_in_dim3A_114 : f32 to vector<16xf32>
      %swap3A_116 = arith.index_cast %scan3A_87 : i32 to index
      %swap3A_117 = arith.constant 64 : index
      %swap3A_118 = tpu.vector_load %arg8[%swap3A_116, %swap3A_117] {strides = array<i32>} : memref<128x128xf32, #tpu.memory_space<vmem>>, vector<1x16xf32>,
      %swap3A_119 = vector.shape_cast %swap3A_118 : vector<1x16xf32> to vector<16xf32>
      %swap3A_120 = vector.shape_cast %broadcast_in_dim3A_115 : vector<16xf32> to vector<1x16xf32>
      tpu.vector_store %arg8[%swap3A_116, %swap3A_117], %swap3A_120 {strides = array<i32>} : memref<128x128xf32, #tpu.memory_space<vmem>>, vector<1x16xf32>,
      %broadcast_in_dim3A_121 = arith.constant 0.000000e+00 : f32
      %broadcast_in_dim3A_122 = vector.broadcast %broadcast_in_dim3A_121 : f32 to vector<16xf32>
      %swap3A_123 = arith.index_cast %scan3A_87 : i32 to index
      %swap3A_124 = arith.constant 80 : index
      %swap3A_125 = tpu.vector_load %arg8[%swap3A_123, %swap3A_124] {strides = array<i32>} : memref<128x128xf32, #tpu.memory_space<vmem>>, vector<1x16xf32>,
      %swap3A_126 = vector.shape_cast %swap3A_125 : vector<1x16xf32> to vector<16xf32>
      %swap3A_127 = vector.shape_cast %broadcast_in_dim3A_122 : vector<16xf32> to vector<1x16xf32>
      tpu.vector_store %arg8[%swap3A_123, %swap3A_124], %swap3A_127 {strides = array<i32>} : memref<128x128xf32, #tpu.memory_space<vmem>>, vector<1x16xf32>,
      %broadcast_in_dim3A_128 = arith.constant 0.000000e+00 : f32
      %broadcast_in_dim3A_129 = vector.broadcast %broadcast_in_dim3A_128 : f32 to vector<16xf32>
      %swap3A_130 = arith.index_cast %scan3A_87 : i32 to index
      %swap3A_131 = arith.constant 96 : index
      %swap3A_132 = tpu.vector_load %arg8[%swap3A_130, %swap3A_131] {strides = array<i32>} : memref<128x128xf32, #tpu.memory_space<vmem>>, vector<1x16xf32>,
      %swap3A_133 = vector.shape_cast %swap3A_132 : vector<1x16xf32> to vector<16xf32>
      %swap3A_134 = vector.shape_cast %broadcast_in_dim3A_129 : vector<16xf32> to vector<1x16xf32>
      tpu.vector_store %arg8[%swap3A_130, %swap3A_131], %swap3A_134 {strides = array<i32>} : memref<128x128xf32, #tpu.memory_space<vmem>>, vector<1x16xf32>,
      %broadcast_in_dim3A_135 = arith.constant 0.000000e+00 : f32
      %broadcast_in_dim3A_136 = vector.broadcast %broadcast_in_dim3A_135 : f32 to vector<16xf32>
      %swap3A_137 = arith.index_cast %scan3A_87 : i32 to index
      %swap3A_138 = arith.constant 112 : index
      %swap3A_139 = tpu.vector_load %arg8[%swap3A_137, %swap3A_138] {strides = array<i32>} : memref<128x128xf32, #tpu.memory_space<vmem>>, vector<1x16xf32>,
      %swap3A_140 = vector.shape_cast %swap3A_139 : vector<1x16xf32> to vector<16xf32>
      %swap3A_141 = vector.shape_cast %broadcast_in_dim3A_136 : vector<16xf32> to vector<1x16xf32>
      tpu.vector_store %arg8[%swap3A_137, %swap3A_138], %swap3A_141 {strides = array<i32>} : memref<128x128xf32, #tpu.memory_space<vmem>>, vector<1x16xf32>,
    }
    %scan3A_7 = arith.constant 128 : i32
    %add3A_8 = arith.constant 0 : i32
    %add3A_9 = arith.addi %mul3A_2, %add3A_8 : i32
    "tpu.region"() ({
      %run_scoped3A = tpu.sem_alloc : memref<!tpu.dma_semaphore, #tpu.memory_space<semaphore_mem>>
      %dma_start3A = arith.constant 0 : i32
      %dma_start3A_87 = arith.constant 0 : i32
      %dma_start3A_88 = tpu.memref_slice %arg8[%dma_start3A, %dma_start3A_87] : memref<128x128xf32, #tpu.memory_space<vmem>> -> memref<128x128xf32, #tpu.memory_space<vmem>>
      %dma_start3A_89 = arith.constant 0 : i32
      %dma_start3A_90 = tpu.memref_slice %arg6[%add3A_9, %dma_start3A_89] : memref<10112x128xf32, #tpu.memory_space<vmem_shared>> -> memref<128x128xf32, #tpu.memory_space<vmem_shared>>
      %dma_start3A_91 = arith.constant 0 : i32
      %dma_start3A_92 = tpu.memref_slice %arg6[%add3A_9, %dma_start3A_91] : memref<10112x128xf32, #tpu.memory_space<vmem_shared>> -> memref<128x128xf32, #tpu.memory_space<vmem_shared>>
      %dma_start3A_93 = arith.constant 0 : i32
      %dma_start3A_94 = arith.constant 0 : i32
      %dma_start3A_95 = tpu.memref_slice %arg8[%dma_start3A_93, %dma_start3A_94] : memref<128x128xf32, #tpu.memory_space<vmem>> -> memref<128x128xf32, #tpu.memory_space<vmem>>
      tpu.enqueue_dma source(%dma_start3A_95 : memref<128x128xf32, #tpu.memory_space<vmem>>) target(%dma_start3A_92 : memref<128x128xf32, #tpu.memory_space<vmem_shared>>) target_semaphore(%run_scoped3A : memref<!tpu.dma_semaphore, #tpu.memory_space<semaphore_mem>>)
      %dma_wait3A = arith.constant 0 : i32
      %dma_wait3A_96 = arith.constant 0 : i32
      %dma_wait3A_97 = tpu.memref_slice %arg8[%dma_wait3A, %dma_wait3A_96] : memref<128x128xf32, #tpu.memory_space<vmem>> -> memref<128x128xf32, #tpu.memory_space<vmem>>
      %dma_wait3A_98 = arith.constant 0 : i32
      %dma_wait3A_99 = tpu.memref_slice %arg6[%add3A_9, %dma_wait3A_98] : memref<10112x128xf32, #tpu.memory_space<vmem_shared>> -> memref<128x128xf32, #tpu.memory_space<vmem_shared>>
      %dma_wait3A_100 = arith.constant 0 : i32
      %dma_wait3A_101 = tpu.memref_slice %arg6[%add3A_9, %dma_wait3A_100] : memref<10112x128xf32, #tpu.memory_space<vmem_shared>> -> memref<128x128xf32, #tpu.memory_space<vmem_shared>>
      %dma_wait3A_102 = arith.constant 0 : i32
      %dma_wait3A_103 = arith.constant 0 : i32
      %dma_wait3A_104 = tpu.memref_slice %arg8[%dma_wait3A_102, %dma_wait3A_103] : memref<128x128xf32, #tpu.memory_space<vmem>> -> memref<128x128xf32, #tpu.memory_space<vmem>>
      tpu.wait_dma2 semaphore(%run_scoped3A : memref<!tpu.dma_semaphore, #tpu.memory_space<semaphore_mem>>) src(%dma_wait3A_104 : memref<128x128xf32, #tpu.memory_space<vmem>>) dst(%dma_wait3A_101 : memref<128x128xf32, #tpu.memory_space<vmem_shared>>)
      tpu.yield
    }) : () -> ()
    %add3A_10 = arith.constant 128 : i32
    %add3A_11 = arith.addi %mul3A_2, %add3A_10 : i32
    "tpu.region"() ({
      %run_scoped3A = tpu.sem_alloc : memref<!tpu.dma_semaphore, #tpu.memory_space<semaphore_mem>>
      %dma_start3A = arith.constant 0 : i32
      %dma_start3A_87 = arith.constant 0 : i32
      %dma_start3A_88 = tpu.memref_slice %arg8[%dma_start3A, %dma_start3A_87] : memref<128x128xf32, #tpu.memory_space<vmem>> -> memref<128x128xf32, #tpu.memory_space<vmem>>
      %dma_start3A_89 = arith.constant 0 : i32
      %dma_start3A_90 = tpu.memref_slice %arg6[%add3A_11, %dma_start3A_89] : memref<10112x128xf32, #tpu.memory_space<vmem_shared>> -> memref<128x128xf32, #tpu.memory_space<vmem_shared>>
      %dma_start3A_91 = arith.constant 0 : i32
      %dma_start3A_92 = tpu.memref_slice %arg6[%add3A_11, %dma_start3A_91] : memref<10112x128xf32, #tpu.memory_space<vmem_shared>> -> memref<128x128xf32, #tpu.memory_space<vmem_shared>>
      %dma_start3A_93 = arith.constant 0 : i32
      %dma_start3A_94 = arith.constant 0 : i32
      %dma_start3A_95 = tpu.memref_slice %arg8[%dma_start3A_93, %dma_start3A_94] : memref<128x128xf32, #tpu.memory_space<vmem>> -> memref<128x128xf32, #tpu.memory_space<vmem>>
      tpu.enqueue_dma source(%dma_start3A_95 : memref<128x128xf32, #tpu.memory_space<vmem>>) target(%dma_start3A_92 : memref<128x128xf32, #tpu.memory_space<vmem_shared>>) target_semaphore(%run_scoped3A : memref<!tpu.dma_semaphore, #tpu.memory_space<semaphore_mem>>)
      %dma_wait3A = arith.constant 0 : i32
      %dma_wait3A_96 = arith.constant 0 : i32
      %dma_wait3A_97 = tpu.memref_slice %arg8[%dma_wait3A, %dma_wait3A_96] : memref<128x128xf32, #tpu.memory_space<vmem>> -> memref<128x128xf32, #tpu.memory_space<vmem>>
      %dma_wait3A_98 = arith.constant 0 : i32
      %dma_wait3A_99 = tpu.memref_slice %arg6[%add3A_11, %dma_wait3A_98] : memref<10112x128xf32, #tpu.memory_space<vmem_shared>> -> memref<128x128xf32, #tpu.memory_space<vmem_shared>>
      %dma_wait3A_100 = arith.constant 0 : i32
      %dma_wait3A_101 = tpu.memref_slice %arg6[%add3A_11, %dma_wait3A_100] : memref<10112x128xf32, #tpu.memory_space<vmem_shared>> -> memref<128x128xf32, #tpu.memory_space<vmem_shared>>
      %dma_wait3A_102 = arith.constant 0 : i32
      %dma_wait3A_103 = arith.constant 0 : i32
      %dma_wait3A_104 = tpu.memref_slice %arg8[%dma_wait3A_102, %dma_wait3A_103] : memref<128x128xf32, #tpu.memory_space<vmem>> -> memref<128x128xf32, #tpu.memory_space<vmem>>
      tpu.wait_dma2 semaphore(%run_scoped3A : memref<!tpu.dma_semaphore, #tpu.memory_space<semaphore_mem>>) src(%dma_wait3A_104 : memref<128x128xf32, #tpu.memory_space<vmem>>) dst(%dma_wait3A_101 : memref<128x128xf32, #tpu.memory_space<vmem_shared>>)
      tpu.yield
    }) : () -> ()
    %add3A_12 = arith.constant 256 : i32
    %add3A_13 = arith.addi %mul3A_2, %add3A_12 : i32
    "tpu.region"() ({
      %run_scoped3A = tpu.sem_alloc : memref<!tpu.dma_semaphore, #tpu.memory_space<semaphore_mem>>
      %dma_start3A = arith.constant 0 : i32
      %dma_start3A_87 = arith.constant 0 : i32
      %dma_start3A_88 = tpu.memref_slice %arg8[%dma_start3A, %dma_start3A_87] : memref<128x128xf32, #tpu.memory_space<vmem>> -> memref<128x128xf32, #tpu.memory_space<vmem>>
      %dma_start3A_89 = arith.constant 0 : i32
      %dma_start3A_90 = tpu.memref_slice %arg6[%add3A_13, %dma_start3A_89] : memref<10112x128xf32, #tpu.memory_space<vmem_shared>> -> memref<128x128xf32, #tpu.memory_space<vmem_shared>>
      %dma_start3A_91 = arith.constant 0 : i32
      %dma_start3A_92 = tpu.memref_slice %arg6[%add3A_13, %dma_start3A_91] : memref<10112x128xf32, #tpu.memory_space<vmem_shared>> -> memref<128x128xf32, #tpu.memory_space<vmem_shared>>
      %dma_start3A_93 = arith.constant 0 : i32
      %dma_start3A_94 = arith.constant 0 : i32
      %dma_start3A_95 = tpu.memref_slice %arg8[%dma_start3A_93, %dma_start3A_94] : memref<128x128xf32, #tpu.memory_space<vmem>> -> memref<128x128xf32, #tpu.memory_space<vmem>>
      tpu.enqueue_dma source(%dma_start3A_95 : memref<128x128xf32, #tpu.memory_space<vmem>>) target(%dma_start3A_92 : memref<128x128xf32, #tpu.memory_space<vmem_shared>>) target_semaphore(%run_scoped3A : memref<!tpu.dma_semaphore, #tpu.memory_space<semaphore_mem>>)
      %dma_wait3A = arith.constant 0 : i32
      %dma_wait3A_96 = arith.constant 0 : i32
      %dma_wait3A_97 = tpu.memref_slice %arg8[%dma_wait3A, %dma_wait3A_96] : memref<128x128xf32, #tpu.memory_space<vmem>> -> memref<128x128xf32, #tpu.memory_space<vmem>>
      %dma_wait3A_98 = arith.constant 0 : i32
      %dma_wait3A_99 = tpu.memref_slice %arg6[%add3A_13, %dma_wait3A_98] : memref<10112x128xf32, #tpu.memory_space<vmem_shared>> -> memref<128x128xf32, #tpu.memory_space<vmem_shared>>
      %dma_wait3A_100 = arith.constant 0 : i32
      %dma_wait3A_101 = tpu.memref_slice %arg6[%add3A_13, %dma_wait3A_100] : memref<10112x128xf32, #tpu.memory_space<vmem_shared>> -> memref<128x128xf32, #tpu.memory_space<vmem_shared>>
      %dma_wait3A_102 = arith.constant 0 : i32
      %dma_wait3A_103 = arith.constant 0 : i32
      %dma_wait3A_104 = tpu.memref_slice %arg8[%dma_wait3A_102, %dma_wait3A_103] : memref<128x128xf32, #tpu.memory_space<vmem>> -> memref<128x128xf32, #tpu.memory_space<vmem>>
      tpu.wait_dma2 semaphore(%run_scoped3A : memref<!tpu.dma_semaphore, #tpu.memory_space<semaphore_mem>>) src(%dma_wait3A_104 : memref<128x128xf32, #tpu.memory_space<vmem>>) dst(%dma_wait3A_101 : memref<128x128xf32, #tpu.memory_space<vmem_shared>>)
      tpu.yield
    }) : () -> ()
    %add3A_14 = arith.constant 384 : i32
    %add3A_15 = arith.addi %mul3A_2, %add3A_14 : i32
    "tpu.region"() ({
      %run_scoped3A = tpu.sem_alloc : memref<!tpu.dma_semaphore, #tpu.memory_space<semaphore_mem>>
      %dma_start3A = arith.constant 0 : i32
      %dma_start3A_87 = arith.constant 0 : i32
      %dma_start3A_88 = tpu.memref_slice %arg8[%dma_start3A, %dma_start3A_87] : memref<128x128xf32, #tpu.memory_space<vmem>> -> memref<128x128xf32, #tpu.memory_space<vmem>>
      %dma_start3A_89 = arith.constant 0 : i32
      %dma_start3A_90 = tpu.memref_slice %arg6[%add3A_15, %dma_start3A_89] : memref<10112x128xf32, #tpu.memory_space<vmem_shared>> -> memref<128x128xf32, #tpu.memory_space<vmem_shared>>
      %dma_start3A_91 = arith.constant 0 : i32
      %dma_start3A_92 = tpu.memref_slice %arg6[%add3A_15, %dma_start3A_91] : memref<10112x128xf32, #tpu.memory_space<vmem_shared>> -> memref<128x128xf32, #tpu.memory_space<vmem_shared>>
      %dma_start3A_93 = arith.constant 0 : i32
      %dma_start3A_94 = arith.constant 0 : i32
      %dma_start3A_95 = tpu.memref_slice %arg8[%dma_start3A_93, %dma_start3A_94] : memref<128x128xf32, #tpu.memory_space<vmem>> -> memref<128x128xf32, #tpu.memory_space<vmem>>
      tpu.enqueue_dma source(%dma_start3A_95 : memref<128x128xf32, #tpu.memory_space<vmem>>) target(%dma_start3A_92 : memref<128x128xf32, #tpu.memory_space<vmem_shared>>) target_semaphore(%run_scoped3A : memref<!tpu.dma_semaphore, #tpu.memory_space<semaphore_mem>>)
      %dma_wait3A = arith.constant 0 : i32
      %dma_wait3A_96 = arith.constant 0 : i32
      %dma_wait3A_97 = tpu.memref_slice %arg8[%dma_wait3A, %dma_wait3A_96] : memref<128x128xf32, #tpu.memory_space<vmem>> -> memref<128x128xf32, #tpu.memory_space<vmem>>
      %dma_wait3A_98 = arith.constant 0 : i32
      %dma_wait3A_99 = tpu.memref_slice %arg6[%add3A_15, %dma_wait3A_98] : memref<10112x128xf32, #tpu.memory_space<vmem_shared>> -> memref<128x128xf32, #tpu.memory_space<vmem_shared>>
      %dma_wait3A_100 = arith.constant 0 : i32
      %dma_wait3A_101 = tpu.memref_slice %arg6[%add3A_15, %dma_wait3A_100] : memref<10112x128xf32, #tpu.memory_space<vmem_shared>> -> memref<128x128xf32, #tpu.memory_space<vmem_shared>>
      %dma_wait3A_102 = arith.constant 0 : i32
      %dma_wait3A_103 = arith.constant 0 : i32
      %dma_wait3A_104 = tpu.memref_slice %arg8[%dma_wait3A_102, %dma_wait3A_103] : memref<128x128xf32, #tpu.memory_space<vmem>> -> memref<128x128xf32, #tpu.memory_space<vmem>>
      tpu.wait_dma2 semaphore(%run_scoped3A : memref<!tpu.dma_semaphore, #tpu.memory_space<semaphore_mem>>) src(%dma_wait3A_104 : memref<128x128xf32, #tpu.memory_space<vmem>>) dst(%dma_wait3A_101 : memref<128x128xf32, #tpu.memory_space<vmem_shared>>)
      tpu.yield
    }) : () -> ()
    %add3A_16 = arith.constant 512 : i32
    %add3A_17 = arith.addi %mul3A_2, %add3A_16 : i32
    "tpu.region"() ({
      %run_scoped3A = tpu.sem_alloc : memref<!tpu.dma_semaphore, #tpu.memory_space<semaphore_mem>>
      %dma_start3A = arith.constant 0 : i32
      %dma_start3A_87 = arith.constant 0 : i32
      %dma_start3A_88 = tpu.memref_slice %arg8[%dma_start3A, %dma_start3A_87] : memref<128x128xf32, #tpu.memory_space<vmem>> -> memref<120x128xf32, #tpu.memory_space<vmem>>
      %dma_start3A_89 = arith.constant 0 : i32
      %dma_start3A_90 = tpu.memref_slice %arg6[%add3A_17, %dma_start3A_89] : memref<10112x128xf32, #tpu.memory_space<vmem_shared>> -> memref<120x128xf32, #tpu.memory_space<vmem_shared>>
      %dma_start3A_91 = arith.constant 0 : i32
      %dma_start3A_92 = tpu.memref_slice %arg6[%add3A_17, %dma_start3A_91] : memref<10112x128xf32, #tpu.memory_space<vmem_shared>> -> memref<120x128xf32, #tpu.memory_space<vmem_shared>>
      %dma_start3A_93 = arith.constant 0 : i32
      %dma_start3A_94 = arith.constant 0 : i32
      %dma_start3A_95 = tpu.memref_slice %arg8[%dma_start3A_93, %dma_start3A_94] : memref<128x128xf32, #tpu.memory_space<vmem>> -> memref<120x128xf32, #tpu.memory_space<vmem>>
      tpu.enqueue_dma source(%dma_start3A_95 : memref<120x128xf32, #tpu.memory_space<vmem>>) target(%dma_start3A_92 : memref<120x128xf32, #tpu.memory_space<vmem_shared>>) target_semaphore(%run_scoped3A : memref<!tpu.dma_semaphore, #tpu.memory_space<semaphore_mem>>)
      %dma_wait3A = arith.constant 0 : i32
      %dma_wait3A_96 = arith.constant 0 : i32
      %dma_wait3A_97 = tpu.memref_slice %arg8[%dma_wait3A, %dma_wait3A_96] : memref<128x128xf32, #tpu.memory_space<vmem>> -> memref<120x128xf32, #tpu.memory_space<vmem>>
      %dma_wait3A_98 = arith.constant 0 : i32
      %dma_wait3A_99 = tpu.memref_slice %arg6[%add3A_17, %dma_wait3A_98] : memref<10112x128xf32, #tpu.memory_space<vmem_shared>> -> memref<120x128xf32, #tpu.memory_space<vmem_shared>>
      %dma_wait3A_100 = arith.constant 0 : i32
      %dma_wait3A_101 = tpu.memref_slice %arg6[%add3A_17, %dma_wait3A_100] : memref<10112x128xf32, #tpu.memory_space<vmem_shared>> -> memref<120x128xf32, #tpu.memory_space<vmem_shared>>
      %dma_wait3A_102 = arith.constant 0 : i32
      %dma_wait3A_103 = arith.constant 0 : i32
      %dma_wait3A_104 = tpu.memref_slice %arg8[%dma_wait3A_102, %dma_wait3A_103] : memref<128x128xf32, #tpu.memory_space<vmem>> -> memref<120x128xf32, #tpu.memory_space<vmem>>
      tpu.wait_dma2 semaphore(%run_scoped3A : memref<!tpu.dma_semaphore, #tpu.memory_space<semaphore_mem>>) src(%dma_wait3A_104 : memref<120x128xf32, #tpu.memory_space<vmem>>) dst(%dma_wait3A_101 : memref<120x128xf32, #tpu.memory_space<vmem_shared>>)
      tpu.yield
    }) : () -> ()
    %scan3A_18 = arith.constant 0 : i32
    %scan3A_19 = arith.constant 0 : i32
    %scan3A_20 = arith.constant 128 : i32
    %scan3A_21 = arith.addi %scan3A_19, %scan3A_20 : i32
    %scan3A_22 = arith.constant 1 : i32
    scf.for %scan3A_87 = %scan3A_19 to %scan3A_21 step %scan3A_22  : i32 {
      %broadcast_in_dim3A = arith.constant 0.000000e+00 : f32
      %broadcast_in_dim3A_88 = vector.broadcast %broadcast_in_dim3A : f32 to vector<16xf32>
      %swap3A = arith.index_cast %scan3A_87 : i32 to index
      %swap3A_89 = arith.constant 0 : index
      %swap3A_90 = tpu.vector_load %arg9[%swap3A, %swap3A_89] {strides = array<i32>} : memref<128x16xf32, #tpu.memory_space<vmem>>, vector<1x16xf32>,
      %swap3A_91 = vector.shape_cast %swap3A_90 : vector<1x16xf32> to vector<16xf32>
      %swap3A_92 = vector.shape_cast %broadcast_in_dim3A_88 : vector<16xf32> to vector<1x16xf32>
      tpu.vector_store %arg9[%swap3A, %swap3A_89], %swap3A_92 {strides = array<i32>} : memref<128x16xf32, #tpu.memory_space<vmem>>, vector<1x16xf32>,
    }
    %scan3A_23 = arith.constant 128 : i32
    %scan3A_24 = arith.constant 0 : i32
    %scan3A_25 = arith.constant 0 : i32
    %scan3A_26 = arith.constant 128 : i32
    %scan3A_27 = arith.addi %scan3A_25, %scan3A_26 : i32
    %scan3A_28 = arith.constant 1 : i32
    scf.for %scan3A_87 = %scan3A_25 to %scan3A_27 step %scan3A_28  : i32 {
      %broadcast_in_dim3A = arith.constant 1.000000e+00 : f32
      %broadcast_in_dim3A_88 = vector.broadcast %broadcast_in_dim3A : f32 to vector<16xf32>
      %swap3A = arith.index_cast %scan3A_87 : i32 to index
      %swap3A_89 = arith.constant 0 : index
      %swap3A_90 = tpu.vector_load %arg11[%swap3A, %swap3A_89] {strides = array<i32>} : memref<128x16xf32, #tpu.memory_space<vmem>>, vector<1x16xf32>,
      %swap3A_91 = vector.shape_cast %swap3A_90 : vector<1x16xf32> to vector<16xf32>
      %swap3A_92 = vector.shape_cast %broadcast_in_dim3A_88 : vector<16xf32> to vector<1x16xf32>
      tpu.vector_store %arg11[%swap3A, %swap3A_89], %swap3A_92 {strides = array<i32>} : memref<128x16xf32, #tpu.memory_space<vmem>>, vector<1x16xf32>,
    }
    %scan3A_29 = arith.constant 128 : i32
    %add3A_30 = arith.constant 0 : i32
    %add3A_31 = arith.addi %mul3A_2, %add3A_30 : i32
    "tpu.region"() ({
      %run_scoped3A = tpu.sem_alloc : memref<!tpu.dma_semaphore, #tpu.memory_space<semaphore_mem>>
      %dma_start3A = arith.constant 0 : i32
      %dma_start3A_87 = arith.constant 0 : i32
      %dma_start3A_88 = tpu.memref_slice %arg9[%dma_start3A, %dma_start3A_87] : memref<128x16xf32, #tpu.memory_space<vmem>> -> memref<128x16xf32, #tpu.memory_space<vmem>>
      %dma_start3A_89 = arith.constant 0 : i32
      %dma_start3A_90 = tpu.memref_slice %arg10[%add3A_31, %dma_start3A_89] : memref<10112x16xf32, #tpu.memory_space<vmem_shared>> -> memref<128x16xf32, #tpu.memory_space<vmem_shared>>
      %dma_start3A_91 = arith.constant 0 : i32
      %dma_start3A_92 = tpu.memref_slice %arg10[%add3A_31, %dma_start3A_91] : memref<10112x16xf32, #tpu.memory_space<vmem_shared>> -> memref<128x16xf32, #tpu.memory_space<vmem_shared>>
      %dma_start3A_93 = arith.constant 0 : i32
      %dma_start3A_94 = arith.constant 0 : i32
      %dma_start3A_95 = tpu.memref_slice %arg9[%dma_start3A_93, %dma_start3A_94] : memref<128x16xf32, #tpu.memory_space<vmem>> -> memref<128x16xf32, #tpu.memory_space<vmem>>
      tpu.enqueue_dma source(%dma_start3A_95 : memref<128x16xf32, #tpu.memory_space<vmem>>) target(%dma_start3A_92 : memref<128x16xf32, #tpu.memory_space<vmem_shared>>) target_semaphore(%run_scoped3A : memref<!tpu.dma_semaphore, #tpu.memory_space<semaphore_mem>>)
      %dma_wait3A = arith.constant 0 : i32
      %dma_wait3A_96 = arith.constant 0 : i32
      %dma_wait3A_97 = tpu.memref_slice %arg9[%dma_wait3A, %dma_wait3A_96] : memref<128x16xf32, #tpu.memory_space<vmem>> -> memref<128x16xf32, #tpu.memory_space<vmem>>
      %dma_wait3A_98 = arith.constant 0 : i32
      %dma_wait3A_99 = tpu.memref_slice %arg10[%add3A_31, %dma_wait3A_98] : memref<10112x16xf32, #tpu.memory_space<vmem_shared>> -> memref<128x16xf32, #tpu.memory_space<vmem_shared>>
      %dma_wait3A_100 = arith.constant 0 : i32
      %dma_wait3A_101 = tpu.memref_slice %arg10[%add3A_31, %dma_wait3A_100] : memref<10112x16xf32, #tpu.memory_space<vmem_shared>> -> memref<128x16xf32, #tpu.memory_space<vmem_shared>>
      %dma_wait3A_102 = arith.constant 0 : i32
      %dma_wait3A_103 = arith.constant 0 : i32
      %dma_wait3A_104 = tpu.memref_slice %arg9[%dma_wait3A_102, %dma_wait3A_103] : memref<128x16xf32, #tpu.memory_space<vmem>> -> memref<128x16xf32, #tpu.memory_space<vmem>>
      tpu.wait_dma2 semaphore(%run_scoped3A : memref<!tpu.dma_semaphore, #tpu.memory_space<semaphore_mem>>) src(%dma_wait3A_104 : memref<128x16xf32, #tpu.memory_space<vmem>>) dst(%dma_wait3A_101 : memref<128x16xf32, #tpu.memory_space<vmem_shared>>)
      tpu.yield
    }) : () -> ()
    %add3A_32 = arith.constant 128 : i32
    %add3A_33 = arith.addi %mul3A_2, %add3A_32 : i32
    "tpu.region"() ({
      %run_scoped3A = tpu.sem_alloc : memref<!tpu.dma_semaphore, #tpu.memory_space<semaphore_mem>>
      %dma_start3A = arith.constant 0 : i32
      %dma_start3A_87 = arith.constant 0 : i32
      %dma_start3A_88 = tpu.memref_slice %arg9[%dma_start3A, %dma_start3A_87] : memref<128x16xf32, #tpu.memory_space<vmem>> -> memref<128x16xf32, #tpu.memory_space<vmem>>
      %dma_start3A_89 = arith.constant 0 : i32
      %dma_start3A_90 = tpu.memref_slice %arg10[%add3A_33, %dma_start3A_89] : memref<10112x16xf32, #tpu.memory_space<vmem_shared>> -> memref<128x16xf32, #tpu.memory_space<vmem_shared>>
      %dma_start3A_91 = arith.constant 0 : i32
      %dma_start3A_92 = tpu.memref_slice %arg10[%add3A_33, %dma_start3A_91] : memref<10112x16xf32, #tpu.memory_space<vmem_shared>> -> memref<128x16xf32, #tpu.memory_space<vmem_shared>>
      %dma_start3A_93 = arith.constant 0 : i32
      %dma_start3A_94 = arith.constant 0 : i32
      %dma_start3A_95 = tpu.memref_slice %arg9[%dma_start3A_93, %dma_start3A_94] : memref<128x16xf32, #tpu.memory_space<vmem>> -> memref<128x16xf32, #tpu.memory_space<vmem>>
      tpu.enqueue_dma source(%dma_start3A_95 : memref<128x16xf32, #tpu.memory_space<vmem>>) target(%dma_start3A_92 : memref<128x16xf32, #tpu.memory_space<vmem_shared>>) target_semaphore(%run_scoped3A : memref<!tpu.dma_semaphore, #tpu.memory_space<semaphore_mem>>)
      %dma_wait3A = arith.constant 0 : i32
      %dma_wait3A_96 = arith.constant 0 : i32
      %dma_wait3A_97 = tpu.memref_slice %arg9[%dma_wait3A, %dma_wait3A_96] : memref<128x16xf32, #tpu.memory_space<vmem>> -> memref<128x16xf32, #tpu.memory_space<vmem>>
      %dma_wait3A_98 = arith.constant 0 : i32
      %dma_wait3A_99 = tpu.memref_slice %arg10[%add3A_33, %dma_wait3A_98] : memref<10112x16xf32, #tpu.memory_space<vmem_shared>> -> memref<128x16xf32, #tpu.memory_space<vmem_shared>>
      %dma_wait3A_100 = arith.constant 0 : i32
      %dma_wait3A_101 = tpu.memref_slice %arg10[%add3A_33, %dma_wait3A_100] : memref<10112x16xf32, #tpu.memory_space<vmem_shared>> -> memref<128x16xf32, #tpu.memory_space<vmem_shared>>
      %dma_wait3A_102 = arith.constant 0 : i32
      %dma_wait3A_103 = arith.constant 0 : i32
      %dma_wait3A_104 = tpu.memref_slice %arg9[%dma_wait3A_102, %dma_wait3A_103] : memref<128x16xf32, #tpu.memory_space<vmem>> -> memref<128x16xf32, #tpu.memory_space<vmem>>
      tpu.wait_dma2 semaphore(%run_scoped3A : memref<!tpu.dma_semaphore, #tpu.memory_space<semaphore_mem>>) src(%dma_wait3A_104 : memref<128x16xf32, #tpu.memory_space<vmem>>) dst(%dma_wait3A_101 : memref<128x16xf32, #tpu.memory_space<vmem_shared>>)
      tpu.yield
    }) : () -> ()
    %add3A_34 = arith.constant 256 : i32
    %add3A_35 = arith.addi %mul3A_2, %add3A_34 : i32
    "tpu.region"() ({
      %run_scoped3A = tpu.sem_alloc : memref<!tpu.dma_semaphore, #tpu.memory_space<semaphore_mem>>
      %dma_start3A = arith.constant 0 : i32
      %dma_start3A_87 = arith.constant 0 : i32
      %dma_start3A_88 = tpu.memref_slice %arg9[%dma_start3A, %dma_start3A_87] : memref<128x16xf32, #tpu.memory_space<vmem>> -> memref<128x16xf32, #tpu.memory_space<vmem>>
      %dma_start3A_89 = arith.constant 0 : i32
      %dma_start3A_90 = tpu.memref_slice %arg10[%add3A_35, %dma_start3A_89] : memref<10112x16xf32, #tpu.memory_space<vmem_shared>> -> memref<128x16xf32, #tpu.memory_space<vmem_shared>>
      %dma_start3A_91 = arith.constant 0 : i32
      %dma_start3A_92 = tpu.memref_slice %arg10[%add3A_35, %dma_start3A_91] : memref<10112x16xf32, #tpu.memory_space<vmem_shared>> -> memref<128x16xf32, #tpu.memory_space<vmem_shared>>
      %dma_start3A_93 = arith.constant 0 : i32
      %dma_start3A_94 = arith.constant 0 : i32
      %dma_start3A_95 = tpu.memref_slice %arg9[%dma_start3A_93, %dma_start3A_94] : memref<128x16xf32, #tpu.memory_space<vmem>> -> memref<128x16xf32, #tpu.memory_space<vmem>>
      tpu.enqueue_dma source(%dma_start3A_95 : memref<128x16xf32, #tpu.memory_space<vmem>>) target(%dma_start3A_92 : memref<128x16xf32, #tpu.memory_space<vmem_shared>>) target_semaphore(%run_scoped3A : memref<!tpu.dma_semaphore, #tpu.memory_space<semaphore_mem>>)
      %dma_wait3A = arith.constant 0 : i32
      %dma_wait3A_96 = arith.constant 0 : i32
      %dma_wait3A_97 = tpu.memref_slice %arg9[%dma_wait3A, %dma_wait3A_96] : memref<128x16xf32, #tpu.memory_space<vmem>> -> memref<128x16xf32, #tpu.memory_space<vmem>>
      %dma_wait3A_98 = arith.constant 0 : i32
      %dma_wait3A_99 = tpu.memref_slice %arg10[%add3A_35, %dma_wait3A_98] : memref<10112x16xf32, #tpu.memory_space<vmem_shared>> -> memref<128x16xf32, #tpu.memory_space<vmem_shared>>
      %dma_wait3A_100 = arith.constant 0 : i32
      %dma_wait3A_101 = tpu.memref_slice %arg10[%add3A_35, %dma_wait3A_100] : memref<10112x16xf32, #tpu.memory_space<vmem_shared>> -> memref<128x16xf32, #tpu.memory_space<vmem_shared>>
      %dma_wait3A_102 = arith.constant 0 : i32
      %dma_wait3A_103 = arith.constant 0 : i32
      %dma_wait3A_104 = tpu.memref_slice %arg9[%dma_wait3A_102, %dma_wait3A_103] : memref<128x16xf32, #tpu.memory_space<vmem>> -> memref<128x16xf32, #tpu.memory_space<vmem>>
      tpu.wait_dma2 semaphore(%run_scoped3A : memref<!tpu.dma_semaphore, #tpu.memory_space<semaphore_mem>>) src(%dma_wait3A_104 : memref<128x16xf32, #tpu.memory_space<vmem>>) dst(%dma_wait3A_101 : memref<128x16xf32, #tpu.memory_space<vmem_shared>>)
      tpu.yield
    }) : () -> ()
    %add3A_36 = arith.constant 384 : i32
    %add3A_37 = arith.addi %mul3A_2, %add3A_36 : i32
    "tpu.region"() ({
      %run_scoped3A = tpu.sem_alloc : memref<!tpu.dma_semaphore, #tpu.memory_space<semaphore_mem>>
      %dma_start3A = arith.constant 0 : i32
      %dma_start3A_87 = arith.constant 0 : i32
      %dma_start3A_88 = tpu.memref_slice %arg9[%dma_start3A, %dma_start3A_87] : memref<128x16xf32, #tpu.memory_space<vmem>> -> memref<128x16xf32, #tpu.memory_space<vmem>>
      %dma_start3A_89 = arith.constant 0 : i32
      %dma_start3A_90 = tpu.memref_slice %arg10[%add3A_37, %dma_start3A_89] : memref<10112x16xf32, #tpu.memory_space<vmem_shared>> -> memref<128x16xf32, #tpu.memory_space<vmem_shared>>
      %dma_start3A_91 = arith.constant 0 : i32
      %dma_start3A_92 = tpu.memref_slice %arg10[%add3A_37, %dma_start3A_91] : memref<10112x16xf32, #tpu.memory_space<vmem_shared>> -> memref<128x16xf32, #tpu.memory_space<vmem_shared>>
      %dma_start3A_93 = arith.constant 0 : i32
      %dma_start3A_94 = arith.constant 0 : i32
      %dma_start3A_95 = tpu.memref_slice %arg9[%dma_start3A_93, %dma_start3A_94] : memref<128x16xf32, #tpu.memory_space<vmem>> -> memref<128x16xf32, #tpu.memory_space<vmem>>
      tpu.enqueue_dma source(%dma_start3A_95 : memref<128x16xf32, #tpu.memory_space<vmem>>) target(%dma_start3A_92 : memref<128x16xf32, #tpu.memory_space<vmem_shared>>) target_semaphore(%run_scoped3A : memref<!tpu.dma_semaphore, #tpu.memory_space<semaphore_mem>>)
      %dma_wait3A = arith.constant 0 : i32
      %dma_wait3A_96 = arith.constant 0 : i32
      %dma_wait3A_97 = tpu.memref_slice %arg9[%dma_wait3A, %dma_wait3A_96] : memref<128x16xf32, #tpu.memory_space<vmem>> -> memref<128x16xf32, #tpu.memory_space<vmem>>
      %dma_wait3A_98 = arith.constant 0 : i32
      %dma_wait3A_99 = tpu.memref_slice %arg10[%add3A_37, %dma_wait3A_98] : memref<10112x16xf32, #tpu.memory_space<vmem_shared>> -> memref<128x16xf32, #tpu.memory_space<vmem_shared>>
      %dma_wait3A_100 = arith.constant 0 : i32
      %dma_wait3A_101 = tpu.memref_slice %arg10[%add3A_37, %dma_wait3A_100] : memref<10112x16xf32, #tpu.memory_space<vmem_shared>> -> memref<128x16xf32, #tpu.memory_space<vmem_shared>>
      %dma_wait3A_102 = arith.constant 0 : i32
      %dma_wait3A_103 = arith.constant 0 : i32
      %dma_wait3A_104 = tpu.memref_slice %arg9[%dma_wait3A_102, %dma_wait3A_103] : memref<128x16xf32, #tpu.memory_space<vmem>> -> memref<128x16xf32, #tpu.memory_space<vmem>>
      tpu.wait_dma2 semaphore(%run_scoped3A : memref<!tpu.dma_semaphore, #tpu.memory_space<semaphore_mem>>) src(%dma_wait3A_104 : memref<128x16xf32, #tpu.memory_space<vmem>>) dst(%dma_wait3A_101 : memref<128x16xf32, #tpu.memory_space<vmem_shared>>)
      tpu.yield
    }) : () -> ()
    %add3A_38 = arith.constant 512 : i32
    %add3A_39 = arith.addi %mul3A_2, %add3A_38 : i32
    "tpu.region"() ({
      %run_scoped3A = tpu.sem_alloc : memref<!tpu.dma_semaphore, #tpu.memory_space<semaphore_mem>>
      %dma_start3A = arith.constant 0 : i32
      %dma_start3A_87 = arith.constant 0 : i32
      %dma_start3A_88 = tpu.memref_slice %arg9[%dma_start3A, %dma_start3A_87] : memref<128x16xf32, #tpu.memory_space<vmem>> -> memref<120x16xf32, #tpu.memory_space<vmem>>
      %dma_start3A_89 = arith.constant 0 : i32
      %dma_start3A_90 = tpu.memref_slice %arg10[%add3A_39, %dma_start3A_89] : memref<10112x16xf32, #tpu.memory_space<vmem_shared>> -> memref<120x16xf32, #tpu.memory_space<vmem_shared>>
      %dma_start3A_91 = arith.constant 0 : i32
      %dma_start3A_92 = tpu.memref_slice %arg10[%add3A_39, %dma_start3A_91] : memref<10112x16xf32, #tpu.memory_space<vmem_shared>> -> memref<120x16xf32, #tpu.memory_space<vmem_shared>>
      %dma_start3A_93 = arith.constant 0 : i32
      %dma_start3A_94 = arith.constant 0 : i32
      %dma_start3A_95 = tpu.memref_slice %arg9[%dma_start3A_93, %dma_start3A_94] : memref<128x16xf32, #tpu.memory_space<vmem>> -> memref<120x16xf32, #tpu.memory_space<vmem>>
      tpu.enqueue_dma source(%dma_start3A_95 : memref<120x16xf32, #tpu.memory_space<vmem>>) target(%dma_start3A_92 : memref<120x16xf32, #tpu.memory_space<vmem_shared>>) target_semaphore(%run_scoped3A : memref<!tpu.dma_semaphore, #tpu.memory_space<semaphore_mem>>)
      %dma_wait3A = arith.constant 0 : i32
      %dma_wait3A_96 = arith.constant 0 : i32
      %dma_wait3A_97 = tpu.memref_slice %arg9[%dma_wait3A, %dma_wait3A_96] : memref<128x16xf32, #tpu.memory_space<vmem>> -> memref<120x16xf32, #tpu.memory_space<vmem>>
      %dma_wait3A_98 = arith.constant 0 : i32
      %dma_wait3A_99 = tpu.memref_slice %arg10[%add3A_39, %dma_wait3A_98] : memref<10112x16xf32, #tpu.memory_space<vmem_shared>> -> memref<120x16xf32, #tpu.memory_space<vmem_shared>>
      %dma_wait3A_100 = arith.constant 0 : i32
      %dma_wait3A_101 = tpu.memref_slice %arg10[%add3A_39, %dma_wait3A_100] : memref<10112x16xf32, #tpu.memory_space<vmem_shared>> -> memref<120x16xf32, #tpu.memory_space<vmem_shared>>
      %dma_wait3A_102 = arith.constant 0 : i32
      %dma_wait3A_103 = arith.constant 0 : i32
      %dma_wait3A_104 = tpu.memref_slice %arg9[%dma_wait3A_102, %dma_wait3A_103] : memref<128x16xf32, #tpu.memory_space<vmem>> -> memref<120x16xf32, #tpu.memory_space<vmem>>
      tpu.wait_dma2 semaphore(%run_scoped3A : memref<!tpu.dma_semaphore, #tpu.memory_space<semaphore_mem>>) src(%dma_wait3A_104 : memref<120x16xf32, #tpu.memory_space<vmem>>) dst(%dma_wait3A_101 : memref<120x16xf32, #tpu.memory_space<vmem_shared>>)
      tpu.yield
    }) : () -> ()
    %barrier3A = arith.constant 0 : index
    tpu.barrier barrier_id(%barrier3A)
    %scan3A_40 = arith.constant 0 : i32
    %scan3A_41 = arith.constant 0 : i32
    %scan3A_42 = arith.constant 80 : i32
    %scan3A_43 = arith.addi %scan3A_41, %scan3A_42 : i32
    %scan3A_44 = arith.constant 1 : i32
    scf.for %scan3A_87 = %scan3A_41 to %scan3A_43 step %scan3A_44  : i32 {
      %mul3A_88 = arith.constant 80 : i32
      %mul3A_89 = arith.muli %add3A, %mul3A_88 : i32
      %add3A_90 = arith.addi %mul3A_89, %scan3A_87 : i32
      "tpu.region"() ({
        %run_scoped3A_93 = tpu.sem_alloc : memref<!tpu.dma_semaphore, #tpu.memory_space<semaphore_mem>>
        %dma_start3A = arith.constant 0 : i32
        %dma_start3A_94 = arith.constant 0 : i32
        %dma_start3A_95 = tpu.memref_slice %arg3[%add3A_90, %dma_start3A, %dma_start3A_94] : memref<2560x2x128xi32, #tpu.memory_space<hbm>> -> memref<1x2x128xi32, #tpu.memory_space<hbm>>
        %dma_start3A_96 = tpu.memref_squeeze %dma_start3A_95 : memref<1x2x128xi32, #tpu.memory_space<hbm>> -> memref<2x128xi32, #tpu.memory_space<hbm>>
        %dma_start3A_97 = arith.constant 0 : i32
        %dma_start3A_98 = arith.constant 0 : i32
        %dma_start3A_99 = tpu.memref_slice %arg3[%add3A_90, %dma_start3A_97, %dma_start3A_98] : memref<2560x2x128xi32, #tpu.memory_space<hbm>> -> memref<1x2x128xi32, #tpu.memory_space<hbm>>
        %dma_start3A_100 = tpu.memref_squeeze %dma_start3A_99 : memref<1x2x128xi32, #tpu.memory_space<hbm>> -> memref<2x128xi32, #tpu.memory_space<hbm>>
        tpu.enqueue_dma source(%dma_start3A_100 : memref<2x128xi32, #tpu.memory_space<hbm>>) target(%arg7 : memref<2x128xi32, #tpu.memory_space<vmem>>) target_semaphore(%run_scoped3A_93 : memref<!tpu.dma_semaphore, #tpu.memory_space<semaphore_mem>>)
        %dma_wait3A = arith.constant 0 : i32
        %dma_wait3A_101 = arith.constant 0 : i32
        %dma_wait3A_102 = tpu.memref_slice %arg3[%add3A_90, %dma_wait3A, %dma_wait3A_101] : memref<2560x2x128xi32, #tpu.memory_space<hbm>> -> memref<1x2x128xi32, #tpu.memory_space<hbm>>
        %dma_wait3A_103 = tpu.memref_squeeze %dma_wait3A_102 : memref<1x2x128xi32, #tpu.memory_space<hbm>> -> memref<2x128xi32, #tpu.memory_space<hbm>>
        %dma_wait3A_104 = arith.constant 0 : i32
        %dma_wait3A_105 = arith.constant 0 : i32
        %dma_wait3A_106 = tpu.memref_slice %arg3[%add3A_90, %dma_wait3A_104, %dma_wait3A_105] : memref<2560x2x128xi32, #tpu.memory_space<hbm>> -> memref<1x2x128xi32, #tpu.memory_space<hbm>>
        %dma_wait3A_107 = tpu.memref_squeeze %dma_wait3A_106 : memref<1x2x128xi32, #tpu.memory_space<hbm>> -> memref<2x128xi32, #tpu.memory_space<hbm>>
        tpu.wait_dma2 semaphore(%run_scoped3A_93 : memref<!tpu.dma_semaphore, #tpu.memory_space<semaphore_mem>>) src(%dma_wait3A_107 : memref<2x128xi32, #tpu.memory_space<hbm>>) dst(%arg7 : memref<2x128xi32, #tpu.memory_space<vmem>>)
        tpu.yield
      }) : () -> ()
      %run_scoped3A = arith.constant 0 : i32
      "tpu.region"() ({
        %run_scoped3A_93 = tpu.sem_alloc : memref<!tpu.dma_semaphore, #tpu.memory_space<semaphore_mem>>
        %dma_start3A = arith.constant 0 : i32
        %dma_start3A_94 = tpu.memref_slice %arg7[%run_scoped3A, %dma_start3A] : memref<2x128xi32, #tpu.memory_space<vmem>> -> memref<1x128xi32, #tpu.memory_space<vmem>>
        %dma_start3A_95 = tpu.memref_squeeze %dma_start3A_94 : memref<1x128xi32, #tpu.memory_space<vmem>> -> memref<128xi32, #tpu.memory_space<vmem>>
        %dma_start3A_96 = arith.constant 0 : i32
        %dma_start3A_97 = arith.constant 0 : i32
        %dma_start3A_98 = tpu.memref_slice %arg2[%dma_start3A_96, %dma_start3A_97] : memref<10112x128xf32, #tpu.memory_space<hbm>> -> memref<10112x128xf32, #tpu.memory_space<hbm>>
        tpu.enqueue_indirect_dma source(%dma_start3A_98 : memref<10112x128xf32, #tpu.memory_space<hbm>>) target(%arg8 : memref<128x128xf32, #tpu.memory_space<vmem>>) offsets(%dma_start3A_95 : memref<128xi32, #tpu.memory_space<vmem>>) semaphore(%run_scoped3A_93 : memref<!tpu.dma_semaphore, #tpu.memory_space<semaphore_mem>>)
        %dma_wait3A = arith.constant 0 : i32
        %dma_wait3A_99 = tpu.memref_slice %arg7[%run_scoped3A, %dma_wait3A] : memref<2x128xi32, #tpu.memory_space<vmem>> -> memref<1x128xi32, #tpu.memory_space<vmem>>
        %dma_wait3A_100 = tpu.memref_squeeze %dma_wait3A_99 : memref<1x128xi32, #tpu.memory_space<vmem>> -> memref<128xi32, #tpu.memory_space<vmem>>
        %dma_wait3A_101 = arith.constant 0 : i32
        %dma_wait3A_102 = arith.constant 0 : i32
        %dma_wait3A_103 = tpu.memref_slice %arg2[%dma_wait3A_101, %dma_wait3A_102] : memref<10112x128xf32, #tpu.memory_space<hbm>> -> memref<10112x128xf32, #tpu.memory_space<hbm>>
        tpu.wait_indirect_dma semaphore(%run_scoped3A_93 : memref<!tpu.dma_semaphore, #tpu.memory_space<semaphore_mem>>) src(%dma_wait3A_103 : memref<10112x128xf32, #tpu.memory_space<hbm>>) dst(%arg8 : memref<128x128xf32, #tpu.memory_space<vmem>>)
        tpu.yield
      }) : () -> ()
      %run_scoped3A_91 = arith.constant 1 : i32
      "tpu.region"() ({
        %run_scoped3A_93 = tpu.sem_alloc : memref<!tpu.dma_semaphore, #tpu.memory_space<semaphore_mem>>
        %dma_start3A = arith.constant 0 : i32
        %dma_start3A_94 = tpu.memref_slice %arg7[%run_scoped3A_91, %dma_start3A] : memref<2x128xi32, #tpu.memory_space<vmem>> -> memref<1x128xi32, #tpu.memory_space<vmem>>
        %dma_start3A_95 = tpu.memref_squeeze %dma_start3A_94 : memref<1x128xi32, #tpu.memory_space<vmem>> -> memref<128xi32, #tpu.memory_space<vmem>>
        %dma_start3A_96 = arith.constant 0 : i32
        %dma_start3A_97 = arith.constant 0 : i32
        %dma_start3A_98 = tpu.memref_slice %arg6[%dma_start3A_96, %dma_start3A_97] : memref<10112x128xf32, #tpu.memory_space<vmem_shared>> -> memref<10112x128xf32, #tpu.memory_space<vmem_shared>>
        tpu.enqueue_indirect_dma source(%arg8 : memref<128x128xf32, #tpu.memory_space<vmem>>) target(%dma_start3A_98 : memref<10112x128xf32, #tpu.memory_space<vmem_shared>>) offsets(%dma_start3A_95 : memref<128xi32, #tpu.memory_space<vmem>>) semaphore(%run_scoped3A_93 : memref<!tpu.dma_semaphore, #tpu.memory_space<semaphore_mem>>) {add = true}
        %dma_wait3A = arith.constant 0 : i32
        %dma_wait3A_99 = tpu.memref_slice %arg7[%run_scoped3A_91, %dma_wait3A] : memref<2x128xi32, #tpu.memory_space<vmem>> -> memref<1x128xi32, #tpu.memory_space<vmem>>
        %dma_wait3A_100 = tpu.memref_squeeze %dma_wait3A_99 : memref<1x128xi32, #tpu.memory_space<vmem>> -> memref<128xi32, #tpu.memory_space<vmem>>
        %dma_wait3A_101 = arith.constant 0 : i32
        %dma_wait3A_102 = arith.constant 0 : i32
        %dma_wait3A_103 = tpu.memref_slice %arg6[%dma_wait3A_101, %dma_wait3A_102] : memref<10112x128xf32, #tpu.memory_space<vmem_shared>> -> memref<10112x128xf32, #tpu.memory_space<vmem_shared>>
        tpu.wait_indirect_dma semaphore(%run_scoped3A_93 : memref<!tpu.dma_semaphore, #tpu.memory_space<semaphore_mem>>) src(%arg8 : memref<128x128xf32, #tpu.memory_space<vmem>>) dst(%dma_wait3A_103 : memref<10112x128xf32, #tpu.memory_space<vmem_shared>>)
        tpu.yield
      }) : () -> ()
      %run_scoped3A_92 = arith.constant 1 : i32
      "tpu.region"() ({
        %run_scoped3A_93 = tpu.sem_alloc : memref<!tpu.dma_semaphore, #tpu.memory_space<semaphore_mem>>
        %dma_start3A = arith.constant 0 : i32
        %dma_start3A_94 = tpu.memref_slice %arg7[%run_scoped3A_92, %dma_start3A] : memref<2x128xi32, #tpu.memory_space<vmem>> -> memref<1x128xi32, #tpu.memory_space<vmem>>
        %dma_start3A_95 = tpu.memref_squeeze %dma_start3A_94 : memref<1x128xi32, #tpu.memory_space<vmem>> -> memref<128xi32, #tpu.memory_space<vmem>>
        %dma_start3A_96 = arith.constant 0 : i32
        %dma_start3A_97 = arith.constant 0 : i32
        %dma_start3A_98 = tpu.memref_slice %arg10[%dma_start3A_96, %dma_start3A_97] : memref<10112x16xf32, #tpu.memory_space<vmem_shared>> -> memref<10112x16xf32, #tpu.memory_space<vmem_shared>>
        tpu.enqueue_indirect_dma source(%arg11 : memref<128x16xf32, #tpu.memory_space<vmem>>) target(%dma_start3A_98 : memref<10112x16xf32, #tpu.memory_space<vmem_shared>>) offsets(%dma_start3A_95 : memref<128xi32, #tpu.memory_space<vmem>>) semaphore(%run_scoped3A_93 : memref<!tpu.dma_semaphore, #tpu.memory_space<semaphore_mem>>) {add = true}
        %dma_wait3A = arith.constant 0 : i32
        %dma_wait3A_99 = tpu.memref_slice %arg7[%run_scoped3A_92, %dma_wait3A] : memref<2x128xi32, #tpu.memory_space<vmem>> -> memref<1x128xi32, #tpu.memory_space<vmem>>
        %dma_wait3A_100 = tpu.memref_squeeze %dma_wait3A_99 : memref<1x128xi32, #tpu.memory_space<vmem>> -> memref<128xi32, #tpu.memory_space<vmem>>
        %dma_wait3A_101 = arith.constant 0 : i32
        %dma_wait3A_102 = arith.constant 0 : i32
        %dma_wait3A_103 = tpu.memref_slice %arg10[%dma_wait3A_101, %dma_wait3A_102] : memref<10112x16xf32, #tpu.memory_space<vmem_shared>> -> memref<10112x16xf32, #tpu.memory_space<vmem_shared>>
        tpu.wait_indirect_dma semaphore(%run_scoped3A_93 : memref<!tpu.dma_semaphore, #tpu.memory_space<semaphore_mem>>) src(%arg11 : memref<128x16xf32, #tpu.memory_space<vmem>>) dst(%dma_wait3A_103 : memref<10112x16xf32, #tpu.memory_space<vmem_shared>>)
        tpu.yield
      }) : () -> ()
    }
    %scan3A_45 = arith.constant 80 : i32
    %barrier3A_46 = arith.constant 0 : index
    tpu.barrier barrier_id(%barrier3A_46)
    %add3A_47 = arith.constant 0 : i32
    %add3A_48 = arith.addi %mul3A_2, %add3A_47 : i32
    "tpu.region"() ({
      %run_scoped3A = tpu.sem_alloc : memref<!tpu.dma_semaphore, #tpu.memory_space<semaphore_mem>>
      %dma_start3A = arith.constant 0 : i32
      %dma_start3A_87 = arith.constant 0 : i32
      %dma_start3A_88 = tpu.memref_slice %arg8[%dma_start3A, %dma_start3A_87] : memref<128x128xf32, #tpu.memory_space<vmem>> -> memref<128x128xf32, #tpu.memory_space<vmem>>
      %dma_start3A_89 = arith.constant 0 : i32
      %dma_start3A_90 = tpu.memref_slice %arg6[%add3A_48, %dma_start3A_89] : memref<10112x128xf32, #tpu.memory_space<vmem_shared>> -> memref<128x128xf32, #tpu.memory_space<vmem_shared>>
      %dma_start3A_91 = arith.constant 0 : i32
      %dma_start3A_92 = arith.constant 0 : i32
      %dma_start3A_93 = tpu.memref_slice %arg8[%dma_start3A_91, %dma_start3A_92] : memref<128x128xf32, #tpu.memory_space<vmem>> -> memref<128x128xf32, #tpu.memory_space<vmem>>
      %dma_start3A_94 = arith.constant 0 : i32
      %dma_start3A_95 = tpu.memref_slice %arg6[%add3A_48, %dma_start3A_94] : memref<10112x128xf32, #tpu.memory_space<vmem_shared>> -> memref<128x128xf32, #tpu.memory_space<vmem_shared>>
      tpu.enqueue_dma source(%dma_start3A_95 : memref<128x128xf32, #tpu.memory_space<vmem_shared>>) target(%dma_start3A_93 : memref<128x128xf32, #tpu.memory_space<vmem>>) target_semaphore(%run_scoped3A : memref<!tpu.dma_semaphore, #tpu.memory_space<semaphore_mem>>)
      %dma_wait3A = arith.constant 0 : i32
      %dma_wait3A_96 = arith.constant 0 : i32
      %dma_wait3A_97 = tpu.memref_slice %arg8[%dma_wait3A, %dma_wait3A_96] : memref<128x128xf32, #tpu.memory_space<vmem>> -> memref<128x128xf32, #tpu.memory_space<vmem>>
      %dma_wait3A_98 = arith.constant 0 : i32
      %dma_wait3A_99 = tpu.memref_slice %arg6[%add3A_48, %dma_wait3A_98] : memref<10112x128xf32, #tpu.memory_space<vmem_shared>> -> memref<128x128xf32, #tpu.memory_space<vmem_shared>>
      %dma_wait3A_100 = arith.constant 0 : i32
      %dma_wait3A_101 = arith.constant 0 : i32
      %dma_wait3A_102 = tpu.memref_slice %arg8[%dma_wait3A_100, %dma_wait3A_101] : memref<128x128xf32, #tpu.memory_space<vmem>> -> memref<128x128xf32, #tpu.memory_space<vmem>>
      %dma_wait3A_103 = arith.constant 0 : i32
      %dma_wait3A_104 = tpu.memref_slice %arg6[%add3A_48, %dma_wait3A_103] : memref<10112x128xf32, #tpu.memory_space<vmem_shared>> -> memref<128x128xf32, #tpu.memory_space<vmem_shared>>
      tpu.wait_dma2 semaphore(%run_scoped3A : memref<!tpu.dma_semaphore, #tpu.memory_space<semaphore_mem>>) src(%dma_wait3A_104 : memref<128x128xf32, #tpu.memory_space<vmem_shared>>) dst(%dma_wait3A_102 : memref<128x128xf32, #tpu.memory_space<vmem>>)
      tpu.yield
    }) : () -> ()
    %add3A_49 = arith.constant 0 : i32
    %add3A_50 = arith.addi %mul3A_2, %add3A_49 : i32
    "tpu.region"() ({
      %run_scoped3A = tpu.sem_alloc : memref<!tpu.dma_semaphore, #tpu.memory_space<semaphore_mem>>
      %dma_start3A = arith.constant 0 : i32
      %dma_start3A_87 = arith.constant 0 : i32
      %dma_start3A_88 = tpu.memref_slice %arg8[%dma_start3A, %dma_start3A_87] : memref<128x128xf32, #tpu.memory_space<vmem>> -> memref<128x128xf32, #tpu.memory_space<vmem>>
      %dma_start3A_89 = arith.constant 0 : i32
      %dma_start3A_90 = tpu.memref_slice %arg4[%arg0, %add3A_50, %dma_start3A_89] : memref<2x10112x128xf32, #tpu.memory_space<hbm>> -> memref<1x128x128xf32, #tpu.memory_space<hbm>>
      %dma_start3A_91 = tpu.memref_squeeze %dma_start3A_90 : memref<1x128x128xf32, #tpu.memory_space<hbm>> -> memref<128x128xf32, #tpu.memory_space<hbm>>
      %dma_start3A_92 = arith.constant 0 : i32
      %dma_start3A_93 = tpu.memref_slice %arg4[%arg0, %add3A_50, %dma_start3A_92] : memref<2x10112x128xf32, #tpu.memory_space<hbm>> -> memref<1x128x128xf32, #tpu.memory_space<hbm>>
      %dma_start3A_94 = tpu.memref_squeeze %dma_start3A_93 : memref<1x128x128xf32, #tpu.memory_space<hbm>> -> memref<128x128xf32, #tpu.memory_space<hbm>>
      %dma_start3A_95 = arith.constant 0 : i32
      %dma_start3A_96 = arith.constant 0 : i32
      %dma_start3A_97 = tpu.memref_slice %arg8[%dma_start3A_95, %dma_start3A_96] : memref<128x128xf32, #tpu.memory_space<vmem>> -> memref<128x128xf32, #tpu.memory_space<vmem>>
      tpu.enqueue_dma source(%dma_start3A_97 : memref<128x128xf32, #tpu.memory_space<vmem>>) target(%dma_start3A_94 : memref<128x128xf32, #tpu.memory_space<hbm>>) target_semaphore(%run_scoped3A : memref<!tpu.dma_semaphore, #tpu.memory_space<semaphore_mem>>)
      %dma_wait3A = arith.constant 0 : i32
      %dma_wait3A_98 = arith.constant 0 : i32
      %dma_wait3A_99 = tpu.memref_slice %arg8[%dma_wait3A, %dma_wait3A_98] : memref<128x128xf32, #tpu.memory_space<vmem>> -> memref<128x128xf32, #tpu.memory_space<vmem>>
      %dma_wait3A_100 = arith.constant 0 : i32
      %dma_wait3A_101 = tpu.memref_slice %arg4[%arg0, %add3A_50, %dma_wait3A_100] : memref<2x10112x128xf32, #tpu.memory_space<hbm>> -> memref<1x128x128xf32, #tpu.memory_space<hbm>>
      %dma_wait3A_102 = tpu.memref_squeeze %dma_wait3A_101 : memref<1x128x128xf32, #tpu.memory_space<hbm>> -> memref<128x128xf32, #tpu.memory_space<hbm>>
      %dma_wait3A_103 = arith.constant 0 : i32
      %dma_wait3A_104 = tpu.memref_slice %arg4[%arg0, %add3A_50, %dma_wait3A_103] : memref<2x10112x128xf32, #tpu.memory_space<hbm>> -> memref<1x128x128xf32, #tpu.memory_space<hbm>>
      %dma_wait3A_105 = tpu.memref_squeeze %dma_wait3A_104 : memref<1x128x128xf32, #tpu.memory_space<hbm>> -> memref<128x128xf32, #tpu.memory_space<hbm>>
      %dma_wait3A_106 = arith.constant 0 : i32
      %dma_wait3A_107 = arith.constant 0 : i32
      %dma_wait3A_108 = tpu.memref_slice %arg8[%dma_wait3A_106, %dma_wait3A_107] : memref<128x128xf32, #tpu.memory_space<vmem>> -> memref<128x128xf32, #tpu.memory_space<vmem>>
      tpu.wait_dma2 semaphore(%run_scoped3A : memref<!tpu.dma_semaphore, #tpu.memory_space<semaphore_mem>>) src(%dma_wait3A_108 : memref<128x128xf32, #tpu.memory_space<vmem>>) dst(%dma_wait3A_105 : memref<128x128xf32, #tpu.memory_space<hbm>>)
      tpu.yield
    }) : () -> ()
    %add3A_51 = arith.constant 128 : i32
    %add3A_52 = arith.addi %mul3A_2, %add3A_51 : i32
    "tpu.region"() ({
      %run_scoped3A = tpu.sem_alloc : memref<!tpu.dma_semaphore, #tpu.memory_space<semaphore_mem>>
      %dma_start3A = arith.constant 0 : i32
      %dma_start3A_87 = arith.constant 0 : i32
      %dma_start3A_88 = tpu.memref_slice %arg8[%dma_start3A, %dma_start3A_87] : memref<128x128xf32, #tpu.memory_space<vmem>> -> memref<128x128xf32, #tpu.memory_space<vmem>>
      %dma_start3A_89 = arith.constant 0 : i32
      %dma_start3A_90 = tpu.memref_slice %arg6[%add3A_52, %dma_start3A_89] : memref<10112x128xf32, #tpu.memory_space<vmem_shared>> -> memref<128x128xf32, #tpu.memory_space<vmem_shared>>
      %dma_start3A_91 = arith.constant 0 : i32
      %dma_start3A_92 = arith.constant 0 : i32
      %dma_start3A_93 = tpu.memref_slice %arg8[%dma_start3A_91, %dma_start3A_92] : memref<128x128xf32, #tpu.memory_space<vmem>> -> memref<128x128xf32, #tpu.memory_space<vmem>>
      %dma_start3A_94 = arith.constant 0 : i32
      %dma_start3A_95 = tpu.memref_slice %arg6[%add3A_52, %dma_start3A_94] : memref<10112x128xf32, #tpu.memory_space<vmem_shared>> -> memref<128x128xf32, #tpu.memory_space<vmem_shared>>
      tpu.enqueue_dma source(%dma_start3A_95 : memref<128x128xf32, #tpu.memory_space<vmem_shared>>) target(%dma_start3A_93 : memref<128x128xf32, #tpu.memory_space<vmem>>) target_semaphore(%run_scoped3A : memref<!tpu.dma_semaphore, #tpu.memory_space<semaphore_mem>>)
      %dma_wait3A = arith.constant 0 : i32
      %dma_wait3A_96 = arith.constant 0 : i32
      %dma_wait3A_97 = tpu.memref_slice %arg8[%dma_wait3A, %dma_wait3A_96] : memref<128x128xf32, #tpu.memory_space<vmem>> -> memref<128x128xf32, #tpu.memory_space<vmem>>
      %dma_wait3A_98 = arith.constant 0 : i32
      %dma_wait3A_99 = tpu.memref_slice %arg6[%add3A_52, %dma_wait3A_98] : memref<10112x128xf32, #tpu.memory_space<vmem_shared>> -> memref<128x128xf32, #tpu.memory_space<vmem_shared>>
      %dma_wait3A_100 = arith.constant 0 : i32
      %dma_wait3A_101 = arith.constant 0 : i32
      %dma_wait3A_102 = tpu.memref_slice %arg8[%dma_wait3A_100, %dma_wait3A_101] : memref<128x128xf32, #tpu.memory_space<vmem>> -> memref<128x128xf32, #tpu.memory_space<vmem>>
      %dma_wait3A_103 = arith.constant 0 : i32
      %dma_wait3A_104 = tpu.memref_slice %arg6[%add3A_52, %dma_wait3A_103] : memref<10112x128xf32, #tpu.memory_space<vmem_shared>> -> memref<128x128xf32, #tpu.memory_space<vmem_shared>>
      tpu.wait_dma2 semaphore(%run_scoped3A : memref<!tpu.dma_semaphore, #tpu.memory_space<semaphore_mem>>) src(%dma_wait3A_104 : memref<128x128xf32, #tpu.memory_space<vmem_shared>>) dst(%dma_wait3A_102 : memref<128x128xf32, #tpu.memory_space<vmem>>)
      tpu.yield
    }) : () -> ()
    %add3A_53 = arith.constant 128 : i32
    %add3A_54 = arith.addi %mul3A_2, %add3A_53 : i32
    "tpu.region"() ({
      %run_scoped3A = tpu.sem_alloc : memref<!tpu.dma_semaphore, #tpu.memory_space<semaphore_mem>>
      %dma_start3A = arith.constant 0 : i32
      %dma_start3A_87 = arith.constant 0 : i32
      %dma_start3A_88 = tpu.memref_slice %arg8[%dma_start3A, %dma_start3A_87] : memref<128x128xf32, #tpu.memory_space<vmem>> -> memref<128x128xf32, #tpu.memory_space<vmem>>
      %dma_start3A_89 = arith.constant 0 : i32
      %dma_start3A_90 = tpu.memref_slice %arg4[%arg0, %add3A_54, %dma_start3A_89] : memref<2x10112x128xf32, #tpu.memory_space<hbm>> -> memref<1x128x128xf32, #tpu.memory_space<hbm>>
      %dma_start3A_91 = tpu.memref_squeeze %dma_start3A_90 : memref<1x128x128xf32, #tpu.memory_space<hbm>> -> memref<128x128xf32, #tpu.memory_space<hbm>>
      %dma_start3A_92 = arith.constant 0 : i32
      %dma_start3A_93 = tpu.memref_slice %arg4[%arg0, %add3A_54, %dma_start3A_92] : memref<2x10112x128xf32, #tpu.memory_space<hbm>> -> memref<1x128x128xf32, #tpu.memory_space<hbm>>
      %dma_start3A_94 = tpu.memref_squeeze %dma_start3A_93 : memref<1x128x128xf32, #tpu.memory_space<hbm>> -> memref<128x128xf32, #tpu.memory_space<hbm>>
      %dma_start3A_95 = arith.constant 0 : i32
      %dma_start3A_96 = arith.constant 0 : i32
      %dma_start3A_97 = tpu.memref_slice %arg8[%dma_start3A_95, %dma_start3A_96] : memref<128x128xf32, #tpu.memory_space<vmem>> -> memref<128x128xf32, #tpu.memory_space<vmem>>
      tpu.enqueue_dma source(%dma_start3A_97 : memref<128x128xf32, #tpu.memory_space<vmem>>) target(%dma_start3A_94 : memref<128x128xf32, #tpu.memory_space<hbm>>) target_semaphore(%run_scoped3A : memref<!tpu.dma_semaphore, #tpu.memory_space<semaphore_mem>>)
      %dma_wait3A = arith.constant 0 : i32
      %dma_wait3A_98 = arith.constant 0 : i32
      %dma_wait3A_99 = tpu.memref_slice %arg8[%dma_wait3A, %dma_wait3A_98] : memref<128x128xf32, #tpu.memory_space<vmem>> -> memref<128x128xf32, #tpu.memory_space<vmem>>
      %dma_wait3A_100 = arith.constant 0 : i32
      %dma_wait3A_101 = tpu.memref_slice %arg4[%arg0, %add3A_54, %dma_wait3A_100] : memref<2x10112x128xf32, #tpu.memory_space<hbm>> -> memref<1x128x128xf32, #tpu.memory_space<hbm>>
      %dma_wait3A_102 = tpu.memref_squeeze %dma_wait3A_101 : memref<1x128x128xf32, #tpu.memory_space<hbm>> -> memref<128x128xf32, #tpu.memory_space<hbm>>
      %dma_wait3A_103 = arith.constant 0 : i32
      %dma_wait3A_104 = tpu.memref_slice %arg4[%arg0, %add3A_54, %dma_wait3A_103] : memref<2x10112x128xf32, #tpu.memory_space<hbm>> -> memref<1x128x128xf32, #tpu.memory_space<hbm>>
      %dma_wait3A_105 = tpu.memref_squeeze %dma_wait3A_104 : memref<1x128x128xf32, #tpu.memory_space<hbm>> -> memref<128x128xf32, #tpu.memory_space<hbm>>
      %dma_wait3A_106 = arith.constant 0 : i32
      %dma_wait3A_107 = arith.constant 0 : i32
      %dma_wait3A_108 = tpu.memref_slice %arg8[%dma_wait3A_106, %dma_wait3A_107] : memref<128x128xf32, #tpu.memory_space<vmem>> -> memref<128x128xf32, #tpu.memory_space<vmem>>
      tpu.wait_dma2 semaphore(%run_scoped3A : memref<!tpu.dma_semaphore, #tpu.memory_space<semaphore_mem>>) src(%dma_wait3A_108 : memref<128x128xf32, #tpu.memory_space<vmem>>) dst(%dma_wait3A_105 : memref<128x128xf32, #tpu.memory_space<hbm>>)
      tpu.yield
    }) : () -> ()
    %add3A_55 = arith.constant 256 : i32
    %add3A_56 = arith.addi %mul3A_2, %add3A_55 : i32
    "tpu.region"() ({
      %run_scoped3A = tpu.sem_alloc : memref<!tpu.dma_semaphore, #tpu.memory_space<semaphore_mem>>
      %dma_start3A = arith.constant 0 : i32
      %dma_start3A_87 = arith.constant 0 : i32
      %dma_start3A_88 = tpu.memref_slice %arg8[%dma_start3A, %dma_start3A_87] : memref<128x128xf32, #tpu.memory_space<vmem>> -> memref<128x128xf32, #tpu.memory_space<vmem>>
      %dma_start3A_89 = arith.constant 0 : i32
      %dma_start3A_90 = tpu.memref_slice %arg6[%add3A_56, %dma_start3A_89] : memref<10112x128xf32, #tpu.memory_space<vmem_shared>> -> memref<128x128xf32, #tpu.memory_space<vmem_shared>>
      %dma_start3A_91 = arith.constant 0 : i32
      %dma_start3A_92 = arith.constant 0 : i32
      %dma_start3A_93 = tpu.memref_slice %arg8[%dma_start3A_91, %dma_start3A_92] : memref<128x128xf32, #tpu.memory_space<vmem>> -> memref<128x128xf32, #tpu.memory_space<vmem>>
      %dma_start3A_94 = arith.constant 0 : i32
      %dma_start3A_95 = tpu.memref_slice %arg6[%add3A_56, %dma_start3A_94] : memref<10112x128xf32, #tpu.memory_space<vmem_shared>> -> memref<128x128xf32, #tpu.memory_space<vmem_shared>>
      tpu.enqueue_dma source(%dma_start3A_95 : memref<128x128xf32, #tpu.memory_space<vmem_shared>>) target(%dma_start3A_93 : memref<128x128xf32, #tpu.memory_space<vmem>>) target_semaphore(%run_scoped3A : memref<!tpu.dma_semaphore, #tpu.memory_space<semaphore_mem>>)
      %dma_wait3A = arith.constant 0 : i32
      %dma_wait3A_96 = arith.constant 0 : i32
      %dma_wait3A_97 = tpu.memref_slice %arg8[%dma_wait3A, %dma_wait3A_96] : memref<128x128xf32, #tpu.memory_space<vmem>> -> memref<128x128xf32, #tpu.memory_space<vmem>>
      %dma_wait3A_98 = arith.constant 0 : i32
      %dma_wait3A_99 = tpu.memref_slice %arg6[%add3A_56, %dma_wait3A_98] : memref<10112x128xf32, #tpu.memory_space<vmem_shared>> -> memref<128x128xf32, #tpu.memory_space<vmem_shared>>
      %dma_wait3A_100 = arith.constant 0 : i32
      %dma_wait3A_101 = arith.constant 0 : i32
      %dma_wait3A_102 = tpu.memref_slice %arg8[%dma_wait3A_100, %dma_wait3A_101] : memref<128x128xf32, #tpu.memory_space<vmem>> -> memref<128x128xf32, #tpu.memory_space<vmem>>
      %dma_wait3A_103 = arith.constant 0 : i32
      %dma_wait3A_104 = tpu.memref_slice %arg6[%add3A_56, %dma_wait3A_103] : memref<10112x128xf32, #tpu.memory_space<vmem_shared>> -> memref<128x128xf32, #tpu.memory_space<vmem_shared>>
      tpu.wait_dma2 semaphore(%run_scoped3A : memref<!tpu.dma_semaphore, #tpu.memory_space<semaphore_mem>>) src(%dma_wait3A_104 : memref<128x128xf32, #tpu.memory_space<vmem_shared>>) dst(%dma_wait3A_102 : memref<128x128xf32, #tpu.memory_space<vmem>>)
      tpu.yield
    }) : () -> ()
    %add3A_57 = arith.constant 256 : i32
    %add3A_58 = arith.addi %mul3A_2, %add3A_57 : i32
    "tpu.region"() ({
      %run_scoped3A = tpu.sem_alloc : memref<!tpu.dma_semaphore, #tpu.memory_space<semaphore_mem>>
      %dma_start3A = arith.constant 0 : i32
      %dma_start3A_87 = arith.constant 0 : i32
      %dma_start3A_88 = tpu.memref_slice %arg8[%dma_start3A, %dma_start3A_87] : memref<128x128xf32, #tpu.memory_space<vmem>> -> memref<128x128xf32, #tpu.memory_space<vmem>>
      %dma_start3A_89 = arith.constant 0 : i32
      %dma_start3A_90 = tpu.memref_slice %arg4[%arg0, %add3A_58, %dma_start3A_89] : memref<2x10112x128xf32, #tpu.memory_space<hbm>> -> memref<1x128x128xf32, #tpu.memory_space<hbm>>
      %dma_start3A_91 = tpu.memref_squeeze %dma_start3A_90 : memref<1x128x128xf32, #tpu.memory_space<hbm>> -> memref<128x128xf32, #tpu.memory_space<hbm>>
      %dma_start3A_92 = arith.constant 0 : i32
      %dma_start3A_93 = tpu.memref_slice %arg4[%arg0, %add3A_58, %dma_start3A_92] : memref<2x10112x128xf32, #tpu.memory_space<hbm>> -> memref<1x128x128xf32, #tpu.memory_space<hbm>>
      %dma_start3A_94 = tpu.memref_squeeze %dma_start3A_93 : memref<1x128x128xf32, #tpu.memory_space<hbm>> -> memref<128x128xf32, #tpu.memory_space<hbm>>
      %dma_start3A_95 = arith.constant 0 : i32
      %dma_start3A_96 = arith.constant 0 : i32
      %dma_start3A_97 = tpu.memref_slice %arg8[%dma_start3A_95, %dma_start3A_96] : memref<128x128xf32, #tpu.memory_space<vmem>> -> memref<128x128xf32, #tpu.memory_space<vmem>>
      tpu.enqueue_dma source(%dma_start3A_97 : memref<128x128xf32, #tpu.memory_space<vmem>>) target(%dma_start3A_94 : memref<128x128xf32, #tpu.memory_space<hbm>>) target_semaphore(%run_scoped3A : memref<!tpu.dma_semaphore, #tpu.memory_space<semaphore_mem>>)
      %dma_wait3A = arith.constant 0 : i32
      %dma_wait3A_98 = arith.constant 0 : i32
      %dma_wait3A_99 = tpu.memref_slice %arg8[%dma_wait3A, %dma_wait3A_98] : memref<128x128xf32, #tpu.memory_space<vmem>> -> memref<128x128xf32, #tpu.memory_space<vmem>>
      %dma_wait3A_100 = arith.constant 0 : i32
      %dma_wait3A_101 = tpu.memref_slice %arg4[%arg0, %add3A_58, %dma_wait3A_100] : memref<2x10112x128xf32, #tpu.memory_space<hbm>> -> memref<1x128x128xf32, #tpu.memory_space<hbm>>
      %dma_wait3A_102 = tpu.memref_squeeze %dma_wait3A_101 : memref<1x128x128xf32, #tpu.memory_space<hbm>> -> memref<128x128xf32, #tpu.memory_space<hbm>>
      %dma_wait3A_103 = arith.constant 0 : i32
      %dma_wait3A_104 = tpu.memref_slice %arg4[%arg0, %add3A_58, %dma_wait3A_103] : memref<2x10112x128xf32, #tpu.memory_space<hbm>> -> memref<1x128x128xf32, #tpu.memory_space<hbm>>
      %dma_wait3A_105 = tpu.memref_squeeze %dma_wait3A_104 : memref<1x128x128xf32, #tpu.memory_space<hbm>> -> memref<128x128xf32, #tpu.memory_space<hbm>>
      %dma_wait3A_106 = arith.constant 0 : i32
      %dma_wait3A_107 = arith.constant 0 : i32
      %dma_wait3A_108 = tpu.memref_slice %arg8[%dma_wait3A_106, %dma_wait3A_107] : memref<128x128xf32, #tpu.memory_space<vmem>> -> memref<128x128xf32, #tpu.memory_space<vmem>>
      tpu.wait_dma2 semaphore(%run_scoped3A : memref<!tpu.dma_semaphore, #tpu.memory_space<semaphore_mem>>) src(%dma_wait3A_108 : memref<128x128xf32, #tpu.memory_space<vmem>>) dst(%dma_wait3A_105 : memref<128x128xf32, #tpu.memory_space<hbm>>)
      tpu.yield
    }) : () -> ()
    %add3A_59 = arith.constant 384 : i32
    %add3A_60 = arith.addi %mul3A_2, %add3A_59 : i32
    "tpu.region"() ({
      %run_scoped3A = tpu.sem_alloc : memref<!tpu.dma_semaphore, #tpu.memory_space<semaphore_mem>>
      %dma_start3A = arith.constant 0 : i32
      %dma_start3A_87 = arith.constant 0 : i32
      %dma_start3A_88 = tpu.memref_slice %arg8[%dma_start3A, %dma_start3A_87] : memref<128x128xf32, #tpu.memory_space<vmem>> -> memref<128x128xf32, #tpu.memory_space<vmem>>
      %dma_start3A_89 = arith.constant 0 : i32
      %dma_start3A_90 = tpu.memref_slice %arg6[%add3A_60, %dma_start3A_89] : memref<10112x128xf32, #tpu.memory_space<vmem_shared>> -> memref<128x128xf32, #tpu.memory_space<vmem_shared>>
      %dma_start3A_91 = arith.constant 0 : i32
      %dma_start3A_92 = arith.constant 0 : i32
      %dma_start3A_93 = tpu.memref_slice %arg8[%dma_start3A_91, %dma_start3A_92] : memref<128x128xf32, #tpu.memory_space<vmem>> -> memref<128x128xf32, #tpu.memory_space<vmem>>
      %dma_start3A_94 = arith.constant 0 : i32
      %dma_start3A_95 = tpu.memref_slice %arg6[%add3A_60, %dma_start3A_94] : memref<10112x128xf32, #tpu.memory_space<vmem_shared>> -> memref<128x128xf32, #tpu.memory_space<vmem_shared>>
      tpu.enqueue_dma source(%dma_start3A_95 : memref<128x128xf32, #tpu.memory_space<vmem_shared>>) target(%dma_start3A_93 : memref<128x128xf32, #tpu.memory_space<vmem>>) target_semaphore(%run_scoped3A : memref<!tpu.dma_semaphore, #tpu.memory_space<semaphore_mem>>)
      %dma_wait3A = arith.constant 0 : i32
      %dma_wait3A_96 = arith.constant 0 : i32
      %dma_wait3A_97 = tpu.memref_slice %arg8[%dma_wait3A, %dma_wait3A_96] : memref<128x128xf32, #tpu.memory_space<vmem>> -> memref<128x128xf32, #tpu.memory_space<vmem>>
      %dma_wait3A_98 = arith.constant 0 : i32
      %dma_wait3A_99 = tpu.memref_slice %arg6[%add3A_60, %dma_wait3A_98] : memref<10112x128xf32, #tpu.memory_space<vmem_shared>> -> memref<128x128xf32, #tpu.memory_space<vmem_shared>>
      %dma_wait3A_100 = arith.constant 0 : i32
      %dma_wait3A_101 = arith.constant 0 : i32
      %dma_wait3A_102 = tpu.memref_slice %arg8[%dma_wait3A_100, %dma_wait3A_101] : memref<128x128xf32, #tpu.memory_space<vmem>> -> memref<128x128xf32, #tpu.memory_space<vmem>>
      %dma_wait3A_103 = arith.constant 0 : i32
      %dma_wait3A_104 = tpu.memref_slice %arg6[%add3A_60, %dma_wait3A_103] : memref<10112x128xf32, #tpu.memory_space<vmem_shared>> -> memref<128x128xf32, #tpu.memory_space<vmem_shared>>
      tpu.wait_dma2 semaphore(%run_scoped3A : memref<!tpu.dma_semaphore, #tpu.memory_space<semaphore_mem>>) src(%dma_wait3A_104 : memref<128x128xf32, #tpu.memory_space<vmem_shared>>) dst(%dma_wait3A_102 : memref<128x128xf32, #tpu.memory_space<vmem>>)
      tpu.yield
    }) : () -> ()
    %add3A_61 = arith.constant 384 : i32
    %add3A_62 = arith.addi %mul3A_2, %add3A_61 : i32
    "tpu.region"() ({
      %run_scoped3A = tpu.sem_alloc : memref<!tpu.dma_semaphore, #tpu.memory_space<semaphore_mem>>
      %dma_start3A = arith.constant 0 : i32
      %dma_start3A_87 = arith.constant 0 : i32
      %dma_start3A_88 = tpu.memref_slice %arg8[%dma_start3A, %dma_start3A_87] : memref<128x128xf32, #tpu.memory_space<vmem>> -> memref<128x128xf32, #tpu.memory_space<vmem>>
      %dma_start3A_89 = arith.constant 0 : i32
      %dma_start3A_90 = tpu.memref_slice %arg4[%arg0, %add3A_62, %dma_start3A_89] : memref<2x10112x128xf32, #tpu.memory_space<hbm>> -> memref<1x128x128xf32, #tpu.memory_space<hbm>>
      %dma_start3A_91 = tpu.memref_squeeze %dma_start3A_90 : memref<1x128x128xf32, #tpu.memory_space<hbm>> -> memref<128x128xf32, #tpu.memory_space<hbm>>
      %dma_start3A_92 = arith.constant 0 : i32
      %dma_start3A_93 = tpu.memref_slice %arg4[%arg0, %add3A_62, %dma_start3A_92] : memref<2x10112x128xf32, #tpu.memory_space<hbm>> -> memref<1x128x128xf32, #tpu.memory_space<hbm>>
      %dma_start3A_94 = tpu.memref_squeeze %dma_start3A_93 : memref<1x128x128xf32, #tpu.memory_space<hbm>> -> memref<128x128xf32, #tpu.memory_space<hbm>>
      %dma_start3A_95 = arith.constant 0 : i32
      %dma_start3A_96 = arith.constant 0 : i32
      %dma_start3A_97 = tpu.memref_slice %arg8[%dma_start3A_95, %dma_start3A_96] : memref<128x128xf32, #tpu.memory_space<vmem>> -> memref<128x128xf32, #tpu.memory_space<vmem>>
      tpu.enqueue_dma source(%dma_start3A_97 : memref<128x128xf32, #tpu.memory_space<vmem>>) target(%dma_start3A_94 : memref<128x128xf32, #tpu.memory_space<hbm>>) target_semaphore(%run_scoped3A : memref<!tpu.dma_semaphore, #tpu.memory_space<semaphore_mem>>)
      %dma_wait3A = arith.constant 0 : i32
      %dma_wait3A_98 = arith.constant 0 : i32
      %dma_wait3A_99 = tpu.memref_slice %arg8[%dma_wait3A, %dma_wait3A_98] : memref<128x128xf32, #tpu.memory_space<vmem>> -> memref<128x128xf32, #tpu.memory_space<vmem>>
      %dma_wait3A_100 = arith.constant 0 : i32
      %dma_wait3A_101 = tpu.memref_slice %arg4[%arg0, %add3A_62, %dma_wait3A_100] : memref<2x10112x128xf32, #tpu.memory_space<hbm>> -> memref<1x128x128xf32, #tpu.memory_space<hbm>>
      %dma_wait3A_102 = tpu.memref_squeeze %dma_wait3A_101 : memref<1x128x128xf32, #tpu.memory_space<hbm>> -> memref<128x128xf32, #tpu.memory_space<hbm>>
      %dma_wait3A_103 = arith.constant 0 : i32
      %dma_wait3A_104 = tpu.memref_slice %arg4[%arg0, %add3A_62, %dma_wait3A_103] : memref<2x10112x128xf32, #tpu.memory_space<hbm>> -> memref<1x128x128xf32, #tpu.memory_space<hbm>>
      %dma_wait3A_105 = tpu.memref_squeeze %dma_wait3A_104 : memref<1x128x128xf32, #tpu.memory_space<hbm>> -> memref<128x128xf32, #tpu.memory_space<hbm>>
      %dma_wait3A_106 = arith.constant 0 : i32
      %dma_wait3A_107 = arith.constant 0 : i32
      %dma_wait3A_108 = tpu.memref_slice %arg8[%dma_wait3A_106, %dma_wait3A_107] : memref<128x128xf32, #tpu.memory_space<vmem>> -> memref<128x128xf32, #tpu.memory_space<vmem>>
      tpu.wait_dma2 semaphore(%run_scoped3A : memref<!tpu.dma_semaphore, #tpu.memory_space<semaphore_mem>>) src(%dma_wait3A_108 : memref<128x128xf32, #tpu.memory_space<vmem>>) dst(%dma_wait3A_105 : memref<128x128xf32, #tpu.memory_space<hbm>>)
      tpu.yield
    }) : () -> ()
    %add3A_63 = arith.constant 512 : i32
    %add3A_64 = arith.addi %mul3A_2, %add3A_63 : i32
    "tpu.region"() ({
      %run_scoped3A = tpu.sem_alloc : memref<!tpu.dma_semaphore, #tpu.memory_space<semaphore_mem>>
      %dma_start3A = arith.constant 0 : i32
      %dma_start3A_87 = arith.constant 0 : i32
      %dma_start3A_88 = tpu.memref_slice %arg8[%dma_start3A, %dma_start3A_87] : memref<128x128xf32, #tpu.memory_space<vmem>> -> memref<120x128xf32, #tpu.memory_space<vmem>>
      %dma_start3A_89 = arith.constant 0 : i32
      %dma_start3A_90 = tpu.memref_slice %arg6[%add3A_64, %dma_start3A_89] : memref<10112x128xf32, #tpu.memory_space<vmem_shared>> -> memref<120x128xf32, #tpu.memory_space<vmem_shared>>
      %dma_start3A_91 = arith.constant 0 : i32
      %dma_start3A_92 = arith.constant 0 : i32
      %dma_start3A_93 = tpu.memref_slice %arg8[%dma_start3A_91, %dma_start3A_92] : memref<128x128xf32, #tpu.memory_space<vmem>> -> memref<120x128xf32, #tpu.memory_space<vmem>>
      %dma_start3A_94 = arith.constant 0 : i32
      %dma_start3A_95 = tpu.memref_slice %arg6[%add3A_64, %dma_start3A_94] : memref<10112x128xf32, #tpu.memory_space<vmem_shared>> -> memref<120x128xf32, #tpu.memory_space<vmem_shared>>
      tpu.enqueue_dma source(%dma_start3A_95 : memref<120x128xf32, #tpu.memory_space<vmem_shared>>) target(%dma_start3A_93 : memref<120x128xf32, #tpu.memory_space<vmem>>) target_semaphore(%run_scoped3A : memref<!tpu.dma_semaphore, #tpu.memory_space<semaphore_mem>>)
      %dma_wait3A = arith.constant 0 : i32
      %dma_wait3A_96 = arith.constant 0 : i32
      %dma_wait3A_97 = tpu.memref_slice %arg8[%dma_wait3A, %dma_wait3A_96] : memref<128x128xf32, #tpu.memory_space<vmem>> -> memref<120x128xf32, #tpu.memory_space<vmem>>
      %dma_wait3A_98 = arith.constant 0 : i32
      %dma_wait3A_99 = tpu.memref_slice %arg6[%add3A_64, %dma_wait3A_98] : memref<10112x128xf32, #tpu.memory_space<vmem_shared>> -> memref<120x128xf32, #tpu.memory_space<vmem_shared>>
      %dma_wait3A_100 = arith.constant 0 : i32
      %dma_wait3A_101 = arith.constant 0 : i32
      %dma_wait3A_102 = tpu.memref_slice %arg8[%dma_wait3A_100, %dma_wait3A_101] : memref<128x128xf32, #tpu.memory_space<vmem>> -> memref<120x128xf32, #tpu.memory_space<vmem>>
      %dma_wait3A_103 = arith.constant 0 : i32
      %dma_wait3A_104 = tpu.memref_slice %arg6[%add3A_64, %dma_wait3A_103] : memref<10112x128xf32, #tpu.memory_space<vmem_shared>> -> memref<120x128xf32, #tpu.memory_space<vmem_shared>>
      tpu.wait_dma2 semaphore(%run_scoped3A : memref<!tpu.dma_semaphore, #tpu.memory_space<semaphore_mem>>) src(%dma_wait3A_104 : memref<120x128xf32, #tpu.memory_space<vmem_shared>>) dst(%dma_wait3A_102 : memref<120x128xf32, #tpu.memory_space<vmem>>)
      tpu.yield
    }) : () -> ()
    %add3A_65 = arith.constant 512 : i32
    %add3A_66 = arith.addi %mul3A_2, %add3A_65 : i32
    "tpu.region"() ({
      %run_scoped3A = tpu.sem_alloc : memref<!tpu.dma_semaphore, #tpu.memory_space<semaphore_mem>>
      %dma_start3A = arith.constant 0 : i32
      %dma_start3A_87 = arith.constant 0 : i32
      %dma_start3A_88 = tpu.memref_slice %arg8[%dma_start3A, %dma_start3A_87] : memref<128x128xf32, #tpu.memory_space<vmem>> -> memref<120x128xf32, #tpu.memory_space<vmem>>
      %dma_start3A_89 = arith.constant 0 : i32
      %dma_start3A_90 = tpu.memref_slice %arg4[%arg0, %add3A_66, %dma_start3A_89] : memref<2x10112x128xf32, #tpu.memory_space<hbm>> -> memref<1x120x128xf32, #tpu.memory_space<hbm>>
      %dma_start3A_91 = tpu.memref_squeeze %dma_start3A_90 : memref<1x120x128xf32, #tpu.memory_space<hbm>> -> memref<120x128xf32, #tpu.memory_space<hbm>>
      %dma_start3A_92 = arith.constant 0 : i32
      %dma_start3A_93 = tpu.memref_slice %arg4[%arg0, %add3A_66, %dma_start3A_92] : memref<2x10112x128xf32, #tpu.memory_space<hbm>> -> memref<1x120x128xf32, #tpu.memory_space<hbm>>
      %dma_start3A_94 = tpu.memref_squeeze %dma_start3A_93 : memref<1x120x128xf32, #tpu.memory_space<hbm>> -> memref<120x128xf32, #tpu.memory_space<hbm>>
      %dma_start3A_95 = arith.constant 0 : i32
      %dma_start3A_96 = arith.constant 0 : i32
      %dma_start3A_97 = tpu.memref_slice %arg8[%dma_start3A_95, %dma_start3A_96] : memref<128x128xf32, #tpu.memory_space<vmem>> -> memref<120x128xf32, #tpu.memory_space<vmem>>
      tpu.enqueue_dma source(%dma_start3A_97 : memref<120x128xf32, #tpu.memory_space<vmem>>) target(%dma_start3A_94 : memref<120x128xf32, #tpu.memory_space<hbm>>) target_semaphore(%run_scoped3A : memref<!tpu.dma_semaphore, #tpu.memory_space<semaphore_mem>>)
      %dma_wait3A = arith.constant 0 : i32
      %dma_wait3A_98 = arith.constant 0 : i32
      %dma_wait3A_99 = tpu.memref_slice %arg8[%dma_wait3A, %dma_wait3A_98] : memref<128x128xf32, #tpu.memory_space<vmem>> -> memref<120x128xf32, #tpu.memory_space<vmem>>
      %dma_wait3A_100 = arith.constant 0 : i32
      %dma_wait3A_101 = tpu.memref_slice %arg4[%arg0, %add3A_66, %dma_wait3A_100] : memref<2x10112x128xf32, #tpu.memory_space<hbm>> -> memref<1x120x128xf32, #tpu.memory_space<hbm>>
      %dma_wait3A_102 = tpu.memref_squeeze %dma_wait3A_101 : memref<1x120x128xf32, #tpu.memory_space<hbm>> -> memref<120x128xf32, #tpu.memory_space<hbm>>
      %dma_wait3A_103 = arith.constant 0 : i32
      %dma_wait3A_104 = tpu.memref_slice %arg4[%arg0, %add3A_66, %dma_wait3A_103] : memref<2x10112x128xf32, #tpu.memory_space<hbm>> -> memref<1x120x128xf32, #tpu.memory_space<hbm>>
      %dma_wait3A_105 = tpu.memref_squeeze %dma_wait3A_104 : memref<1x120x128xf32, #tpu.memory_space<hbm>> -> memref<120x128xf32, #tpu.memory_space<hbm>>
      %dma_wait3A_106 = arith.constant 0 : i32
      %dma_wait3A_107 = arith.constant 0 : i32
      %dma_wait3A_108 = tpu.memref_slice %arg8[%dma_wait3A_106, %dma_wait3A_107] : memref<128x128xf32, #tpu.memory_space<vmem>> -> memref<120x128xf32, #tpu.memory_space<vmem>>
      tpu.wait_dma2 semaphore(%run_scoped3A : memref<!tpu.dma_semaphore, #tpu.memory_space<semaphore_mem>>) src(%dma_wait3A_108 : memref<120x128xf32, #tpu.memory_space<vmem>>) dst(%dma_wait3A_105 : memref<120x128xf32, #tpu.memory_space<hbm>>)
      tpu.yield
    }) : () -> ()
    %add3A_67 = arith.constant 0 : i32
    %add3A_68 = arith.addi %mul3A_2, %add3A_67 : i32
    "tpu.region"() ({
      %run_scoped3A = tpu.sem_alloc : memref<!tpu.dma_semaphore, #tpu.memory_space<semaphore_mem>>
      %dma_start3A = arith.constant 0 : i32
      %dma_start3A_87 = arith.constant 0 : i32
      %dma_start3A_88 = tpu.memref_slice %arg9[%dma_start3A, %dma_start3A_87] : memref<128x16xf32, #tpu.memory_space<vmem>> -> memref<128x16xf32, #tpu.memory_space<vmem>>
      %dma_start3A_89 = arith.constant 0 : i32
      %dma_start3A_90 = tpu.memref_slice %arg10[%add3A_68, %dma_start3A_89] : memref<10112x16xf32, #tpu.memory_space<vmem_shared>> -> memref<128x16xf32, #tpu.memory_space<vmem_shared>>
      %dma_start3A_91 = arith.constant 0 : i32
      %dma_start3A_92 = arith.constant 0 : i32
      %dma_start3A_93 = tpu.memref_slice %arg9[%dma_start3A_91, %dma_start3A_92] : memref<128x16xf32, #tpu.memory_space<vmem>> -> memref<128x16xf32, #tpu.memory_space<vmem>>
      %dma_start3A_94 = arith.constant 0 : i32
      %dma_start3A_95 = tpu.memref_slice %arg10[%add3A_68, %dma_start3A_94] : memref<10112x16xf32, #tpu.memory_space<vmem_shared>> -> memref<128x16xf32, #tpu.memory_space<vmem_shared>>
      tpu.enqueue_dma source(%dma_start3A_95 : memref<128x16xf32, #tpu.memory_space<vmem_shared>>) target(%dma_start3A_93 : memref<128x16xf32, #tpu.memory_space<vmem>>) target_semaphore(%run_scoped3A : memref<!tpu.dma_semaphore, #tpu.memory_space<semaphore_mem>>)
      %dma_wait3A = arith.constant 0 : i32
      %dma_wait3A_96 = arith.constant 0 : i32
      %dma_wait3A_97 = tpu.memref_slice %arg9[%dma_wait3A, %dma_wait3A_96] : memref<128x16xf32, #tpu.memory_space<vmem>> -> memref<128x16xf32, #tpu.memory_space<vmem>>
      %dma_wait3A_98 = arith.constant 0 : i32
      %dma_wait3A_99 = tpu.memref_slice %arg10[%add3A_68, %dma_wait3A_98] : memref<10112x16xf32, #tpu.memory_space<vmem_shared>> -> memref<128x16xf32, #tpu.memory_space<vmem_shared>>
      %dma_wait3A_100 = arith.constant 0 : i32
      %dma_wait3A_101 = arith.constant 0 : i32
      %dma_wait3A_102 = tpu.memref_slice %arg9[%dma_wait3A_100, %dma_wait3A_101] : memref<128x16xf32, #tpu.memory_space<vmem>> -> memref<128x16xf32, #tpu.memory_space<vmem>>
      %dma_wait3A_103 = arith.constant 0 : i32
      %dma_wait3A_104 = tpu.memref_slice %arg10[%add3A_68, %dma_wait3A_103] : memref<10112x16xf32, #tpu.memory_space<vmem_shared>> -> memref<128x16xf32, #tpu.memory_space<vmem_shared>>
      tpu.wait_dma2 semaphore(%run_scoped3A : memref<!tpu.dma_semaphore, #tpu.memory_space<semaphore_mem>>) src(%dma_wait3A_104 : memref<128x16xf32, #tpu.memory_space<vmem_shared>>) dst(%dma_wait3A_102 : memref<128x16xf32, #tpu.memory_space<vmem>>)
      tpu.yield
    }) : () -> ()
    %add3A_69 = arith.constant 0 : i32
    %add3A_70 = arith.addi %mul3A_2, %add3A_69 : i32
    "tpu.region"() ({
      %run_scoped3A = tpu.sem_alloc : memref<!tpu.dma_semaphore, #tpu.memory_space<semaphore_mem>>
      %dma_start3A = arith.constant 0 : i32
      %dma_start3A_87 = arith.constant 0 : i32
      %dma_start3A_88 = tpu.memref_slice %arg9[%dma_start3A, %dma_start3A_87] : memref<128x16xf32, #tpu.memory_space<vmem>> -> memref<128x16xf32, #tpu.memory_space<vmem>>
      %dma_start3A_89 = arith.constant 0 : i32
      %dma_start3A_90 = tpu.memref_slice %arg5[%arg0, %add3A_70, %dma_start3A_89] : memref<2x10112x16xf32, #tpu.memory_space<hbm>> -> memref<1x128x16xf32, #tpu.memory_space<hbm>>
      %dma_start3A_91 = tpu.memref_squeeze %dma_start3A_90 : memref<1x128x16xf32, #tpu.memory_space<hbm>> -> memref<128x16xf32, #tpu.memory_space<hbm>>
      %dma_start3A_92 = arith.constant 0 : i32
      %dma_start3A_93 = tpu.memref_slice %arg5[%arg0, %add3A_70, %dma_start3A_92] : memref<2x10112x16xf32, #tpu.memory_space<hbm>> -> memref<1x128x16xf32, #tpu.memory_space<hbm>>
      %dma_start3A_94 = tpu.memref_squeeze %dma_start3A_93 : memref<1x128x16xf32, #tpu.memory_space<hbm>> -> memref<128x16xf32, #tpu.memory_space<hbm>>
      %dma_start3A_95 = arith.constant 0 : i32
      %dma_start3A_96 = arith.constant 0 : i32
      %dma_start3A_97 = tpu.memref_slice %arg9[%dma_start3A_95, %dma_start3A_96] : memref<128x16xf32, #tpu.memory_space<vmem>> -> memref<128x16xf32, #tpu.memory_space<vmem>>
      tpu.enqueue_dma source(%dma_start3A_97 : memref<128x16xf32, #tpu.memory_space<vmem>>) target(%dma_start3A_94 : memref<128x16xf32, #tpu.memory_space<hbm>>) target_semaphore(%run_scoped3A : memref<!tpu.dma_semaphore, #tpu.memory_space<semaphore_mem>>)
      %dma_wait3A = arith.constant 0 : i32
      %dma_wait3A_98 = arith.constant 0 : i32
      %dma_wait3A_99 = tpu.memref_slice %arg9[%dma_wait3A, %dma_wait3A_98] : memref<128x16xf32, #tpu.memory_space<vmem>> -> memref<128x16xf32, #tpu.memory_space<vmem>>
      %dma_wait3A_100 = arith.constant 0 : i32
      %dma_wait3A_101 = tpu.memref_slice %arg5[%arg0, %add3A_70, %dma_wait3A_100] : memref<2x10112x16xf32, #tpu.memory_space<hbm>> -> memref<1x128x16xf32, #tpu.memory_space<hbm>>
      %dma_wait3A_102 = tpu.memref_squeeze %dma_wait3A_101 : memref<1x128x16xf32, #tpu.memory_space<hbm>> -> memref<128x16xf32, #tpu.memory_space<hbm>>
      %dma_wait3A_103 = arith.constant 0 : i32
      %dma_wait3A_104 = tpu.memref_slice %arg5[%arg0, %add3A_70, %dma_wait3A_103] : memref<2x10112x16xf32, #tpu.memory_space<hbm>> -> memref<1x128x16xf32, #tpu.memory_space<hbm>>
      %dma_wait3A_105 = tpu.memref_squeeze %dma_wait3A_104 : memref<1x128x16xf32, #tpu.memory_space<hbm>> -> memref<128x16xf32, #tpu.memory_space<hbm>>
      %dma_wait3A_106 = arith.constant 0 : i32
      %dma_wait3A_107 = arith.constant 0 : i32
      %dma_wait3A_108 = tpu.memref_slice %arg9[%dma_wait3A_106, %dma_wait3A_107] : memref<128x16xf32, #tpu.memory_space<vmem>> -> memref<128x16xf32, #tpu.memory_space<vmem>>
      tpu.wait_dma2 semaphore(%run_scoped3A : memref<!tpu.dma_semaphore, #tpu.memory_space<semaphore_mem>>) src(%dma_wait3A_108 : memref<128x16xf32, #tpu.memory_space<vmem>>) dst(%dma_wait3A_105 : memref<128x16xf32, #tpu.memory_space<hbm>>)
      tpu.yield
    }) : () -> ()
    %add3A_71 = arith.constant 128 : i32
    %add3A_72 = arith.addi %mul3A_2, %add3A_71 : i32
    "tpu.region"() ({
      %run_scoped3A = tpu.sem_alloc : memref<!tpu.dma_semaphore, #tpu.memory_space<semaphore_mem>>
      %dma_start3A = arith.constant 0 : i32
      %dma_start3A_87 = arith.constant 0 : i32
      %dma_start3A_88 = tpu.memref_slice %arg9[%dma_start3A, %dma_start3A_87] : memref<128x16xf32, #tpu.memory_space<vmem>> -> memref<128x16xf32, #tpu.memory_space<vmem>>
      %dma_start3A_89 = arith.constant 0 : i32
      %dma_start3A_90 = tpu.memref_slice %arg10[%add3A_72, %dma_start3A_89] : memref<10112x16xf32, #tpu.memory_space<vmem_shared>> -> memref<128x16xf32, #tpu.memory_space<vmem_shared>>
      %dma_start3A_91 = arith.constant 0 : i32
      %dma_start3A_92 = arith.constant 0 : i32
      %dma_start3A_93 = tpu.memref_slice %arg9[%dma_start3A_91, %dma_start3A_92] : memref<128x16xf32, #tpu.memory_space<vmem>> -> memref<128x16xf32, #tpu.memory_space<vmem>>
      %dma_start3A_94 = arith.constant 0 : i32
      %dma_start3A_95 = tpu.memref_slice %arg10[%add3A_72, %dma_start3A_94] : memref<10112x16xf32, #tpu.memory_space<vmem_shared>> -> memref<128x16xf32, #tpu.memory_space<vmem_shared>>
      tpu.enqueue_dma source(%dma_start3A_95 : memref<128x16xf32, #tpu.memory_space<vmem_shared>>) target(%dma_start3A_93 : memref<128x16xf32, #tpu.memory_space<vmem>>) target_semaphore(%run_scoped3A : memref<!tpu.dma_semaphore, #tpu.memory_space<semaphore_mem>>)
      %dma_wait3A = arith.constant 0 : i32
      %dma_wait3A_96 = arith.constant 0 : i32
      %dma_wait3A_97 = tpu.memref_slice %arg9[%dma_wait3A, %dma_wait3A_96] : memref<128x16xf32, #tpu.memory_space<vmem>> -> memref<128x16xf32, #tpu.memory_space<vmem>>
      %dma_wait3A_98 = arith.constant 0 : i32
      %dma_wait3A_99 = tpu.memref_slice %arg10[%add3A_72, %dma_wait3A_98] : memref<10112x16xf32, #tpu.memory_space<vmem_shared>> -> memref<128x16xf32, #tpu.memory_space<vmem_shared>>
      %dma_wait3A_100 = arith.constant 0 : i32
      %dma_wait3A_101 = arith.constant 0 : i32
      %dma_wait3A_102 = tpu.memref_slice %arg9[%dma_wait3A_100, %dma_wait3A_101] : memref<128x16xf32, #tpu.memory_space<vmem>> -> memref<128x16xf32, #tpu.memory_space<vmem>>
      %dma_wait3A_103 = arith.constant 0 : i32
      %dma_wait3A_104 = tpu.memref_slice %arg10[%add3A_72, %dma_wait3A_103] : memref<10112x16xf32, #tpu.memory_space<vmem_shared>> -> memref<128x16xf32, #tpu.memory_space<vmem_shared>>
      tpu.wait_dma2 semaphore(%run_scoped3A : memref<!tpu.dma_semaphore, #tpu.memory_space<semaphore_mem>>) src(%dma_wait3A_104 : memref<128x16xf32, #tpu.memory_space<vmem_shared>>) dst(%dma_wait3A_102 : memref<128x16xf32, #tpu.memory_space<vmem>>)
      tpu.yield
    }) : () -> ()
    %add3A_73 = arith.constant 128 : i32
    %add3A_74 = arith.addi %mul3A_2, %add3A_73 : i32
    "tpu.region"() ({
      %run_scoped3A = tpu.sem_alloc : memref<!tpu.dma_semaphore, #tpu.memory_space<semaphore_mem>>
      %dma_start3A = arith.constant 0 : i32
      %dma_start3A_87 = arith.constant 0 : i32
      %dma_start3A_88 = tpu.memref_slice %arg9[%dma_start3A, %dma_start3A_87] : memref<128x16xf32, #tpu.memory_space<vmem>> -> memref<128x16xf32, #tpu.memory_space<vmem>>
      %dma_start3A_89 = arith.constant 0 : i32
      %dma_start3A_90 = tpu.memref_slice %arg5[%arg0, %add3A_74, %dma_start3A_89] : memref<2x10112x16xf32, #tpu.memory_space<hbm>> -> memref<1x128x16xf32, #tpu.memory_space<hbm>>
      %dma_start3A_91 = tpu.memref_squeeze %dma_start3A_90 : memref<1x128x16xf32, #tpu.memory_space<hbm>> -> memref<128x16xf32, #tpu.memory_space<hbm>>
      %dma_start3A_92 = arith.constant 0 : i32
      %dma_start3A_93 = tpu.memref_slice %arg5[%arg0, %add3A_74, %dma_start3A_92] : memref<2x10112x16xf32, #tpu.memory_space<hbm>> -> memref<1x128x16xf32, #tpu.memory_space<hbm>>
      %dma_start3A_94 = tpu.memref_squeeze %dma_start3A_93 : memref<1x128x16xf32, #tpu.memory_space<hbm>> -> memref<128x16xf32, #tpu.memory_space<hbm>>
      %dma_start3A_95 = arith.constant 0 : i32
      %dma_start3A_96 = arith.constant 0 : i32
      %dma_start3A_97 = tpu.memref_slice %arg9[%dma_start3A_95, %dma_start3A_96] : memref<128x16xf32, #tpu.memory_space<vmem>> -> memref<128x16xf32, #tpu.memory_space<vmem>>
      tpu.enqueue_dma source(%dma_start3A_97 : memref<128x16xf32, #tpu.memory_space<vmem>>) target(%dma_start3A_94 : memref<128x16xf32, #tpu.memory_space<hbm>>) target_semaphore(%run_scoped3A : memref<!tpu.dma_semaphore, #tpu.memory_space<semaphore_mem>>)
      %dma_wait3A = arith.constant 0 : i32
      %dma_wait3A_98 = arith.constant 0 : i32
      %dma_wait3A_99 = tpu.memref_slice %arg9[%dma_wait3A, %dma_wait3A_98] : memref<128x16xf32, #tpu.memory_space<vmem>> -> memref<128x16xf32, #tpu.memory_space<vmem>>
      %dma_wait3A_100 = arith.constant 0 : i32
      %dma_wait3A_101 = tpu.memref_slice %arg5[%arg0, %add3A_74, %dma_wait3A_100] : memref<2x10112x16xf32, #tpu.memory_space<hbm>> -> memref<1x128x16xf32, #tpu.memory_space<hbm>>
      %dma_wait3A_102 = tpu.memref_squeeze %dma_wait3A_101 : memref<1x128x16xf32, #tpu.memory_space<hbm>> -> memref<128x16xf32, #tpu.memory_space<hbm>>
      %dma_wait3A_103 = arith.constant 0 : i32
      %dma_wait3A_104 = tpu.memref_slice %arg5[%arg0, %add3A_74, %dma_wait3A_103] : memref<2x10112x16xf32, #tpu.memory_space<hbm>> -> memref<1x128x16xf32, #tpu.memory_space<hbm>>
      %dma_wait3A_105 = tpu.memref_squeeze %dma_wait3A_104 : memref<1x128x16xf32, #tpu.memory_space<hbm>> -> memref<128x16xf32, #tpu.memory_space<hbm>>
      %dma_wait3A_106 = arith.constant 0 : i32
      %dma_wait3A_107 = arith.constant 0 : i32
      %dma_wait3A_108 = tpu.memref_slice %arg9[%dma_wait3A_106, %dma_wait3A_107] : memref<128x16xf32, #tpu.memory_space<vmem>> -> memref<128x16xf32, #tpu.memory_space<vmem>>
      tpu.wait_dma2 semaphore(%run_scoped3A : memref<!tpu.dma_semaphore, #tpu.memory_space<semaphore_mem>>) src(%dma_wait3A_108 : memref<128x16xf32, #tpu.memory_space<vmem>>) dst(%dma_wait3A_105 : memref<128x16xf32, #tpu.memory_space<hbm>>)
      tpu.yield
    }) : () -> ()
    %add3A_75 = arith.constant 256 : i32
    %add3A_76 = arith.addi %mul3A_2, %add3A_75 : i32
    "tpu.region"() ({
      %run_scoped3A = tpu.sem_alloc : memref<!tpu.dma_semaphore, #tpu.memory_space<semaphore_mem>>
      %dma_start3A = arith.constant 0 : i32
      %dma_start3A_87 = arith.constant 0 : i32
      %dma_start3A_88 = tpu.memref_slice %arg9[%dma_start3A, %dma_start3A_87] : memref<128x16xf32, #tpu.memory_space<vmem>> -> memref<128x16xf32, #tpu.memory_space<vmem>>
      %dma_start3A_89 = arith.constant 0 : i32
      %dma_start3A_90 = tpu.memref_slice %arg10[%add3A_76, %dma_start3A_89] : memref<10112x16xf32, #tpu.memory_space<vmem_shared>> -> memref<128x16xf32, #tpu.memory_space<vmem_shared>>
      %dma_start3A_91 = arith.constant 0 : i32
      %dma_start3A_92 = arith.constant 0 : i32
      %dma_start3A_93 = tpu.memref_slice %arg9[%dma_start3A_91, %dma_start3A_92] : memref<128x16xf32, #tpu.memory_space<vmem>> -> memref<128x16xf32, #tpu.memory_space<vmem>>
      %dma_start3A_94 = arith.constant 0 : i32
      %dma_start3A_95 = tpu.memref_slice %arg10[%add3A_76, %dma_start3A_94] : memref<10112x16xf32, #tpu.memory_space<vmem_shared>> -> memref<128x16xf32, #tpu.memory_space<vmem_shared>>
      tpu.enqueue_dma source(%dma_start3A_95 : memref<128x16xf32, #tpu.memory_space<vmem_shared>>) target(%dma_start3A_93 : memref<128x16xf32, #tpu.memory_space<vmem>>) target_semaphore(%run_scoped3A : memref<!tpu.dma_semaphore, #tpu.memory_space<semaphore_mem>>)
      %dma_wait3A = arith.constant 0 : i32
      %dma_wait3A_96 = arith.constant 0 : i32
      %dma_wait3A_97 = tpu.memref_slice %arg9[%dma_wait3A, %dma_wait3A_96] : memref<128x16xf32, #tpu.memory_space<vmem>> -> memref<128x16xf32, #tpu.memory_space<vmem>>
      %dma_wait3A_98 = arith.constant 0 : i32
      %dma_wait3A_99 = tpu.memref_slice %arg10[%add3A_76, %dma_wait3A_98] : memref<10112x16xf32, #tpu.memory_space<vmem_shared>> -> memref<128x16xf32, #tpu.memory_space<vmem_shared>>
      %dma_wait3A_100 = arith.constant 0 : i32
      %dma_wait3A_101 = arith.constant 0 : i32
      %dma_wait3A_102 = tpu.memref_slice %arg9[%dma_wait3A_100, %dma_wait3A_101] : memref<128x16xf32, #tpu.memory_space<vmem>> -> memref<128x16xf32, #tpu.memory_space<vmem>>
      %dma_wait3A_103 = arith.constant 0 : i32
      %dma_wait3A_104 = tpu.memref_slice %arg10[%add3A_76, %dma_wait3A_103] : memref<10112x16xf32, #tpu.memory_space<vmem_shared>> -> memref<128x16xf32, #tpu.memory_space<vmem_shared>>
      tpu.wait_dma2 semaphore(%run_scoped3A : memref<!tpu.dma_semaphore, #tpu.memory_space<semaphore_mem>>) src(%dma_wait3A_104 : memref<128x16xf32, #tpu.memory_space<vmem_shared>>) dst(%dma_wait3A_102 : memref<128x16xf32, #tpu.memory_space<vmem>>)
      tpu.yield
    }) : () -> ()
    %add3A_77 = arith.constant 256 : i32
    %add3A_78 = arith.addi %mul3A_2, %add3A_77 : i32
    "tpu.region"() ({
      %run_scoped3A = tpu.sem_alloc : memref<!tpu.dma_semaphore, #tpu.memory_space<semaphore_mem>>
      %dma_start3A = arith.constant 0 : i32
      %dma_start3A_87 = arith.constant 0 : i32
      %dma_start3A_88 = tpu.memref_slice %arg9[%dma_start3A, %dma_start3A_87] : memref<128x16xf32, #tpu.memory_space<vmem>> -> memref<128x16xf32, #tpu.memory_space<vmem>>
      %dma_start3A_89 = arith.constant 0 : i32
      %dma_start3A_90 = tpu.memref_slice %arg5[%arg0, %add3A_78, %dma_start3A_89] : memref<2x10112x16xf32, #tpu.memory_space<hbm>> -> memref<1x128x16xf32, #tpu.memory_space<hbm>>
      %dma_start3A_91 = tpu.memref_squeeze %dma_start3A_90 : memref<1x128x16xf32, #tpu.memory_space<hbm>> -> memref<128x16xf32, #tpu.memory_space<hbm>>
      %dma_start3A_92 = arith.constant 0 : i32
      %dma_start3A_93 = tpu.memref_slice %arg5[%arg0, %add3A_78, %dma_start3A_92] : memref<2x10112x16xf32, #tpu.memory_space<hbm>> -> memref<1x128x16xf32, #tpu.memory_space<hbm>>
      %dma_start3A_94 = tpu.memref_squeeze %dma_start3A_93 : memref<1x128x16xf32, #tpu.memory_space<hbm>> -> memref<128x16xf32, #tpu.memory_space<hbm>>
      %dma_start3A_95 = arith.constant 0 : i32
      %dma_start3A_96 = arith.constant 0 : i32
      %dma_start3A_97 = tpu.memref_slice %arg9[%dma_start3A_95, %dma_start3A_96] : memref<128x16xf32, #tpu.memory_space<vmem>> -> memref<128x16xf32, #tpu.memory_space<vmem>>
      tpu.enqueue_dma source(%dma_start3A_97 : memref<128x16xf32, #tpu.memory_space<vmem>>) target(%dma_start3A_94 : memref<128x16xf32, #tpu.memory_space<hbm>>) target_semaphore(%run_scoped3A : memref<!tpu.dma_semaphore, #tpu.memory_space<semaphore_mem>>)
      %dma_wait3A = arith.constant 0 : i32
      %dma_wait3A_98 = arith.constant 0 : i32
      %dma_wait3A_99 = tpu.memref_slice %arg9[%dma_wait3A, %dma_wait3A_98] : memref<128x16xf32, #tpu.memory_space<vmem>> -> memref<128x16xf32, #tpu.memory_space<vmem>>
      %dma_wait3A_100 = arith.constant 0 : i32
      %dma_wait3A_101 = tpu.memref_slice %arg5[%arg0, %add3A_78, %dma_wait3A_100] : memref<2x10112x16xf32, #tpu.memory_space<hbm>> -> memref<1x128x16xf32, #tpu.memory_space<hbm>>
      %dma_wait3A_102 = tpu.memref_squeeze %dma_wait3A_101 : memref<1x128x16xf32, #tpu.memory_space<hbm>> -> memref<128x16xf32, #tpu.memory_space<hbm>>
      %dma_wait3A_103 = arith.constant 0 : i32
      %dma_wait3A_104 = tpu.memref_slice %arg5[%arg0, %add3A_78, %dma_wait3A_103] : memref<2x10112x16xf32, #tpu.memory_space<hbm>> -> memref<1x128x16xf32, #tpu.memory_space<hbm>>
      %dma_wait3A_105 = tpu.memref_squeeze %dma_wait3A_104 : memref<1x128x16xf32, #tpu.memory_space<hbm>> -> memref<128x16xf32, #tpu.memory_space<hbm>>
      %dma_wait3A_106 = arith.constant 0 : i32
      %dma_wait3A_107 = arith.constant 0 : i32
      %dma_wait3A_108 = tpu.memref_slice %arg9[%dma_wait3A_106, %dma_wait3A_107] : memref<128x16xf32, #tpu.memory_space<vmem>> -> memref<128x16xf32, #tpu.memory_space<vmem>>
      tpu.wait_dma2 semaphore(%run_scoped3A : memref<!tpu.dma_semaphore, #tpu.memory_space<semaphore_mem>>) src(%dma_wait3A_108 : memref<128x16xf32, #tpu.memory_space<vmem>>) dst(%dma_wait3A_105 : memref<128x16xf32, #tpu.memory_space<hbm>>)
      tpu.yield
    }) : () -> ()
    %add3A_79 = arith.constant 384 : i32
    %add3A_80 = arith.addi %mul3A_2, %add3A_79 : i32
    "tpu.region"() ({
      %run_scoped3A = tpu.sem_alloc : memref<!tpu.dma_semaphore, #tpu.memory_space<semaphore_mem>>
      %dma_start3A = arith.constant 0 : i32
      %dma_start3A_87 = arith.constant 0 : i32
      %dma_start3A_88 = tpu.memref_slice %arg9[%dma_start3A, %dma_start3A_87] : memref<128x16xf32, #tpu.memory_space<vmem>> -> memref<128x16xf32, #tpu.memory_space<vmem>>
      %dma_start3A_89 = arith.constant 0 : i32
      %dma_start3A_90 = tpu.memref_slice %arg10[%add3A_80, %dma_start3A_89] : memref<10112x16xf32, #tpu.memory_space<vmem_shared>> -> memref<128x16xf32, #tpu.memory_space<vmem_shared>>
      %dma_start3A_91 = arith.constant 0 : i32
      %dma_start3A_92 = arith.constant 0 : i32
      %dma_start3A_93 = tpu.memref_slice %arg9[%dma_start3A_91, %dma_start3A_92] : memref<128x16xf32, #tpu.memory_space<vmem>> -> memref<128x16xf32, #tpu.memory_space<vmem>>
      %dma_start3A_94 = arith.constant 0 : i32
      %dma_start3A_95 = tpu.memref_slice %arg10[%add3A_80, %dma_start3A_94] : memref<10112x16xf32, #tpu.memory_space<vmem_shared>> -> memref<128x16xf32, #tpu.memory_space<vmem_shared>>
      tpu.enqueue_dma source(%dma_start3A_95 : memref<128x16xf32, #tpu.memory_space<vmem_shared>>) target(%dma_start3A_93 : memref<128x16xf32, #tpu.memory_space<vmem>>) target_semaphore(%run_scoped3A : memref<!tpu.dma_semaphore, #tpu.memory_space<semaphore_mem>>)
      %dma_wait3A = arith.constant 0 : i32
      %dma_wait3A_96 = arith.constant 0 : i32
      %dma_wait3A_97 = tpu.memref_slice %arg9[%dma_wait3A, %dma_wait3A_96] : memref<128x16xf32, #tpu.memory_space<vmem>> -> memref<128x16xf32, #tpu.memory_space<vmem>>
      %dma_wait3A_98 = arith.constant 0 : i32
      %dma_wait3A_99 = tpu.memref_slice %arg10[%add3A_80, %dma_wait3A_98] : memref<10112x16xf32, #tpu.memory_space<vmem_shared>> -> memref<128x16xf32, #tpu.memory_space<vmem_shared>>
      %dma_wait3A_100 = arith.constant 0 : i32
      %dma_wait3A_101 = arith.constant 0 : i32
      %dma_wait3A_102 = tpu.memref_slice %arg9[%dma_wait3A_100, %dma_wait3A_101] : memref<128x16xf32, #tpu.memory_space<vmem>> -> memref<128x16xf32, #tpu.memory_space<vmem>>
      %dma_wait3A_103 = arith.constant 0 : i32
      %dma_wait3A_104 = tpu.memref_slice %arg10[%add3A_80, %dma_wait3A_103] : memref<10112x16xf32, #tpu.memory_space<vmem_shared>> -> memref<128x16xf32, #tpu.memory_space<vmem_shared>>
      tpu.wait_dma2 semaphore(%run_scoped3A : memref<!tpu.dma_semaphore, #tpu.memory_space<semaphore_mem>>) src(%dma_wait3A_104 : memref<128x16xf32, #tpu.memory_space<vmem_shared>>) dst(%dma_wait3A_102 : memref<128x16xf32, #tpu.memory_space<vmem>>)
      tpu.yield
    }) : () -> ()
    %add3A_81 = arith.constant 384 : i32
    %add3A_82 = arith.addi %mul3A_2, %add3A_81 : i32
    "tpu.region"() ({
      %run_scoped3A = tpu.sem_alloc : memref<!tpu.dma_semaphore, #tpu.memory_space<semaphore_mem>>
      %dma_start3A = arith.constant 0 : i32
      %dma_start3A_87 = arith.constant 0 : i32
      %dma_start3A_88 = tpu.memref_slice %arg9[%dma_start3A, %dma_start3A_87] : memref<128x16xf32, #tpu.memory_space<vmem>> -> memref<128x16xf32, #tpu.memory_space<vmem>>
      %dma_start3A_89 = arith.constant 0 : i32
      %dma_start3A_90 = tpu.memref_slice %arg5[%arg0, %add3A_82, %dma_start3A_89] : memref<2x10112x16xf32, #tpu.memory_space<hbm>> -> memref<1x128x16xf32, #tpu.memory_space<hbm>>
      %dma_start3A_91 = tpu.memref_squeeze %dma_start3A_90 : memref<1x128x16xf32, #tpu.memory_space<hbm>> -> memref<128x16xf32, #tpu.memory_space<hbm>>
      %dma_start3A_92 = arith.constant 0 : i32
      %dma_start3A_93 = tpu.memref_slice %arg5[%arg0, %add3A_82, %dma_start3A_92] : memref<2x10112x16xf32, #tpu.memory_space<hbm>> -> memref<1x128x16xf32, #tpu.memory_space<hbm>>
      %dma_start3A_94 = tpu.memref_squeeze %dma_start3A_93 : memref<1x128x16xf32, #tpu.memory_space<hbm>> -> memref<128x16xf32, #tpu.memory_space<hbm>>
      %dma_start3A_95 = arith.constant 0 : i32
      %dma_start3A_96 = arith.constant 0 : i32
      %dma_start3A_97 = tpu.memref_slice %arg9[%dma_start3A_95, %dma_start3A_96] : memref<128x16xf32, #tpu.memory_space<vmem>> -> memref<128x16xf32, #tpu.memory_space<vmem>>
      tpu.enqueue_dma source(%dma_start3A_97 : memref<128x16xf32, #tpu.memory_space<vmem>>) target(%dma_start3A_94 : memref<128x16xf32, #tpu.memory_space<hbm>>) target_semaphore(%run_scoped3A : memref<!tpu.dma_semaphore, #tpu.memory_space<semaphore_mem>>)
      %dma_wait3A = arith.constant 0 : i32
      %dma_wait3A_98 = arith.constant 0 : i32
      %dma_wait3A_99 = tpu.memref_slice %arg9[%dma_wait3A, %dma_wait3A_98] : memref<128x16xf32, #tpu.memory_space<vmem>> -> memref<128x16xf32, #tpu.memory_space<vmem>>
      %dma_wait3A_100 = arith.constant 0 : i32
      %dma_wait3A_101 = tpu.memref_slice %arg5[%arg0, %add3A_82, %dma_wait3A_100] : memref<2x10112x16xf32, #tpu.memory_space<hbm>> -> memref<1x128x16xf32, #tpu.memory_space<hbm>>
      %dma_wait3A_102 = tpu.memref_squeeze %dma_wait3A_101 : memref<1x128x16xf32, #tpu.memory_space<hbm>> -> memref<128x16xf32, #tpu.memory_space<hbm>>
      %dma_wait3A_103 = arith.constant 0 : i32
      %dma_wait3A_104 = tpu.memref_slice %arg5[%arg0, %add3A_82, %dma_wait3A_103] : memref<2x10112x16xf32, #tpu.memory_space<hbm>> -> memref<1x128x16xf32, #tpu.memory_space<hbm>>
      %dma_wait3A_105 = tpu.memref_squeeze %dma_wait3A_104 : memref<1x128x16xf32, #tpu.memory_space<hbm>> -> memref<128x16xf32, #tpu.memory_space<hbm>>
      %dma_wait3A_106 = arith.constant 0 : i32
      %dma_wait3A_107 = arith.constant 0 : i32
      %dma_wait3A_108 = tpu.memref_slice %arg9[%dma_wait3A_106, %dma_wait3A_107] : memref<128x16xf32, #tpu.memory_space<vmem>> -> memref<128x16xf32, #tpu.memory_space<vmem>>
      tpu.wait_dma2 semaphore(%run_scoped3A : memref<!tpu.dma_semaphore, #tpu.memory_space<semaphore_mem>>) src(%dma_wait3A_108 : memref<128x16xf32, #tpu.memory_space<vmem>>) dst(%dma_wait3A_105 : memref<128x16xf32, #tpu.memory_space<hbm>>)
      tpu.yield
    }) : () -> ()
    %add3A_83 = arith.constant 512 : i32
    %add3A_84 = arith.addi %mul3A_2, %add3A_83 : i32
    "tpu.region"() ({
      %run_scoped3A = tpu.sem_alloc : memref<!tpu.dma_semaphore, #tpu.memory_space<semaphore_mem>>
      %dma_start3A = arith.constant 0 : i32
      %dma_start3A_87 = arith.constant 0 : i32
      %dma_start3A_88 = tpu.memref_slice %arg9[%dma_start3A, %dma_start3A_87] : memref<128x16xf32, #tpu.memory_space<vmem>> -> memref<120x16xf32, #tpu.memory_space<vmem>>
      %dma_start3A_89 = arith.constant 0 : i32
      %dma_start3A_90 = tpu.memref_slice %arg10[%add3A_84, %dma_start3A_89] : memref<10112x16xf32, #tpu.memory_space<vmem_shared>> -> memref<120x16xf32, #tpu.memory_space<vmem_shared>>
      %dma_start3A_91 = arith.constant 0 : i32
      %dma_start3A_92 = arith.constant 0 : i32
      %dma_start3A_93 = tpu.memref_slice %arg9[%dma_start3A_91, %dma_start3A_92] : memref<128x16xf32, #tpu.memory_space<vmem>> -> memref<120x16xf32, #tpu.memory_space<vmem>>
      %dma_start3A_94 = arith.constant 0 : i32
      %dma_start3A_95 = tpu.memref_slice %arg10[%add3A_84, %dma_start3A_94] : memref<10112x16xf32, #tpu.memory_space<vmem_shared>> -> memref<120x16xf32, #tpu.memory_space<vmem_shared>>
      tpu.enqueue_dma source(%dma_start3A_95 : memref<120x16xf32, #tpu.memory_space<vmem_shared>>) target(%dma_start3A_93 : memref<120x16xf32, #tpu.memory_space<vmem>>) target_semaphore(%run_scoped3A : memref<!tpu.dma_semaphore, #tpu.memory_space<semaphore_mem>>)
      %dma_wait3A = arith.constant 0 : i32
      %dma_wait3A_96 = arith.constant 0 : i32
      %dma_wait3A_97 = tpu.memref_slice %arg9[%dma_wait3A, %dma_wait3A_96] : memref<128x16xf32, #tpu.memory_space<vmem>> -> memref<120x16xf32, #tpu.memory_space<vmem>>
      %dma_wait3A_98 = arith.constant 0 : i32
      %dma_wait3A_99 = tpu.memref_slice %arg10[%add3A_84, %dma_wait3A_98] : memref<10112x16xf32, #tpu.memory_space<vmem_shared>> -> memref<120x16xf32, #tpu.memory_space<vmem_shared>>
      %dma_wait3A_100 = arith.constant 0 : i32
      %dma_wait3A_101 = arith.constant 0 : i32
      %dma_wait3A_102 = tpu.memref_slice %arg9[%dma_wait3A_100, %dma_wait3A_101] : memref<128x16xf32, #tpu.memory_space<vmem>> -> memref<120x16xf32, #tpu.memory_space<vmem>>
      %dma_wait3A_103 = arith.constant 0 : i32
      %dma_wait3A_104 = tpu.memref_slice %arg10[%add3A_84, %dma_wait3A_103] : memref<10112x16xf32, #tpu.memory_space<vmem_shared>> -> memref<120x16xf32, #tpu.memory_space<vmem_shared>>
      tpu.wait_dma2 semaphore(%run_scoped3A : memref<!tpu.dma_semaphore, #tpu.memory_space<semaphore_mem>>) src(%dma_wait3A_104 : memref<120x16xf32, #tpu.memory_space<vmem_shared>>) dst(%dma_wait3A_102 : memref<120x16xf32, #tpu.memory_space<vmem>>)
      tpu.yield
    }) : () -> ()
    %add3A_85 = arith.constant 512 : i32
    %add3A_86 = arith.addi %mul3A_2, %add3A_85 : i32
    "tpu.region"() ({
      %run_scoped3A = tpu.sem_alloc : memref<!tpu.dma_semaphore, #tpu.memory_space<semaphore_mem>>
      %dma_start3A = arith.constant 0 : i32
      %dma_start3A_87 = arith.constant 0 : i32
      %dma_start3A_88 = tpu.memref_slice %arg9[%dma_start3A, %dma_start3A_87] : memref<128x16xf32, #tpu.memory_space<vmem>> -> memref<120x16xf32, #tpu.memory_space<vmem>>
      %dma_start3A_89 = arith.constant 0 : i32
      %dma_start3A_90 = tpu.memref_slice %arg5[%arg0, %add3A_86, %dma_start3A_89] : memref<2x10112x16xf32, #tpu.memory_space<hbm>> -> memref<1x120x16xf32, #tpu.memory_space<hbm>>
      %dma_start3A_91 = tpu.memref_squeeze %dma_start3A_90 : memref<1x120x16xf32, #tpu.memory_space<hbm>> -> memref<120x16xf32, #tpu.memory_space<hbm>>
      %dma_start3A_92 = arith.constant 0 : i32
      %dma_start3A_93 = tpu.memref_slice %arg5[%arg0, %add3A_86, %dma_start3A_92] : memref<2x10112x16xf32, #tpu.memory_space<hbm>> -> memref<1x120x16xf32, #tpu.memory_space<hbm>>
      %dma_start3A_94 = tpu.memref_squeeze %dma_start3A_93 : memref<1x120x16xf32, #tpu.memory_space<hbm>> -> memref<120x16xf32, #tpu.memory_space<hbm>>
      %dma_start3A_95 = arith.constant 0 : i32
      %dma_start3A_96 = arith.constant 0 : i32
      %dma_start3A_97 = tpu.memref_slice %arg9[%dma_start3A_95, %dma_start3A_96] : memref<128x16xf32, #tpu.memory_space<vmem>> -> memref<120x16xf32, #tpu.memory_space<vmem>>
      tpu.enqueue_dma source(%dma_start3A_97 : memref<120x16xf32, #tpu.memory_space<vmem>>) target(%dma_start3A_94 : memref<120x16xf32, #tpu.memory_space<hbm>>) target_semaphore(%run_scoped3A : memref<!tpu.dma_semaphore, #tpu.memory_space<semaphore_mem>>)
      %dma_wait3A = arith.constant 0 : i32
      %dma_wait3A_98 = arith.constant 0 : i32
      %dma_wait3A_99 = tpu.memref_slice %arg9[%dma_wait3A, %dma_wait3A_98] : memref<128x16xf32, #tpu.memory_space<vmem>> -> memref<120x16xf32, #tpu.memory_space<vmem>>
      %dma_wait3A_100 = arith.constant 0 : i32
      %dma_wait3A_101 = tpu.memref_slice %arg5[%arg0, %add3A_86, %dma_wait3A_100] : memref<2x10112x16xf32, #tpu.memory_space<hbm>> -> memref<1x120x16xf32, #tpu.memory_space<hbm>>
      %dma_wait3A_102 = tpu.memref_squeeze %dma_wait3A_101 : memref<1x120x16xf32, #tpu.memory_space<hbm>> -> memref<120x16xf32, #tpu.memory_space<hbm>>
      %dma_wait3A_103 = arith.constant 0 : i32
      %dma_wait3A_104 = tpu.memref_slice %arg5[%arg0, %add3A_86, %dma_wait3A_103] : memref<2x10112x16xf32, #tpu.memory_space<hbm>> -> memref<1x120x16xf32, #tpu.memory_space<hbm>>
      %dma_wait3A_105 = tpu.memref_squeeze %dma_wait3A_104 : memref<1x120x16xf32, #tpu.memory_space<hbm>> -> memref<120x16xf32, #tpu.memory_space<hbm>>
      %dma_wait3A_106 = arith.constant 0 : i32
      %dma_wait3A_107 = arith.constant 0 : i32
      %dma_wait3A_108 = tpu.memref_slice %arg9[%dma_wait3A_106, %dma_wait3A_107] : memref<128x16xf32, #tpu.memory_space<vmem>> -> memref<120x16xf32, #tpu.memory_space<vmem>>
      tpu.wait_dma2 semaphore(%run_scoped3A : memref<!tpu.dma_semaphore, #tpu.memory_space<semaphore_mem>>) src(%dma_wait3A_108 : memref<120x16xf32, #tpu.memory_space<vmem>>) dst(%dma_wait3A_105 : memref<120x16xf32, #tpu.memory_space<hbm>>)
      tpu.yield
    }) : () -> ()
    return
  }
}

#map = affine_map<(d0, d1) -> (0, 0)>
#map1 = affine_map<(d0, d1) -> (0, 0, 0)>
module attributes {stable_mosaic.version = 14 : i64} {
  func.func @body(%arg0: i32, %arg1: i32, %arg2: memref<10112x128xf32, #tpu.memory_space<hbm>>, %arg3: memref<2560x2x128xi32, #tpu.memory_space<hbm>>, %arg4: memref<2x10112x128xf32, #tpu.memory_space<hbm>>, %arg5: memref<10112x128xf32, #tpu.memory_space<vmem_shared>>, %arg6: memref<2x128xi32, #tpu.memory_space<vmem>>, %arg7: memref<128x128xf32, #tpu.memory_space<vmem>>, %arg8: memref<128x16xf32, #tpu.memory_space<vmem>>) attributes {dimension_semantics = [#tpu.dimension_semantics<core_parallel>, #tpu.dimension_semantics<subcore_parallel>], iteration_bounds = array<i64: 2, 16>, scalar_prefetch = 0 : i64, scratch_operands = 4 : i64, tpu.core_type = #tpu.core_type<sc_vector_subcore>, window_params = [{transform_indices = #map}, {transform_indices = #map1}, {transform_indices = #map1}]} {
    %mul3A = arith.constant 2 : i32
    %mul3A_0 = arith.muli %arg1, %mul3A : i32
    %add3A = arith.addi %mul3A_0, %arg0 : i32
    %mul3A_1 = arith.constant 632 : i32
    %mul3A_2 = arith.muli %arg1, %mul3A_1 : i32
    %scan3A = arith.constant 0 : i32
    %scan3A_3 = arith.constant 0 : i32
    %scan3A_4 = arith.constant 128 : i32
    %scan3A_5 = arith.addi %scan3A_3, %scan3A_4 : i32
    %scan3A_6 = arith.constant 1 : i32
    scf.for %scan3A_45 = %scan3A_3 to %scan3A_5 step %scan3A_6  : i32 {
      %broadcast_in_dim3A = arith.constant 0.000000e+00 : f32
      %broadcast_in_dim3A_46 = vector.broadcast %broadcast_in_dim3A : f32 to vector<16xf32>
      %swap3A = arith.index_cast %scan3A_45 : i32 to index
      %swap3A_47 = arith.constant 0 : index
      %swap3A_48 = tpu.vector_load %arg7[%swap3A, %swap3A_47] {strides = array<i32>} : memref<128x128xf32, #tpu.memory_space<vmem>>, vector<1x16xf32>,
      %swap3A_49 = vector.shape_cast %swap3A_48 : vector<1x16xf32> to vector<16xf32>
      %swap3A_50 = vector.shape_cast %broadcast_in_dim3A_46 : vector<16xf32> to vector<1x16xf32>
      tpu.vector_store %arg7[%swap3A, %swap3A_47], %swap3A_50 {strides = array<i32>} : memref<128x128xf32, #tpu.memory_space<vmem>>, vector<1x16xf32>,
      %broadcast_in_dim3A_51 = arith.constant 0.000000e+00 : f32
      %broadcast_in_dim3A_52 = vector.broadcast %broadcast_in_dim3A_51 : f32 to vector<16xf32>
      %swap3A_53 = arith.index_cast %scan3A_45 : i32 to index
      %swap3A_54 = arith.constant 16 : index
      %swap3A_55 = tpu.vector_load %arg7[%swap3A_53, %swap3A_54] {strides = array<i32>} : memref<128x128xf32, #tpu.memory_space<vmem>>, vector<1x16xf32>,
      %swap3A_56 = vector.shape_cast %swap3A_55 : vector<1x16xf32> to vector<16xf32>
      %swap3A_57 = vector.shape_cast %broadcast_in_dim3A_52 : vector<16xf32> to vector<1x16xf32>
      tpu.vector_store %arg7[%swap3A_53, %swap3A_54], %swap3A_57 {strides = array<i32>} : memref<128x128xf32, #tpu.memory_space<vmem>>, vector<1x16xf32>,
      %broadcast_in_dim3A_58 = arith.constant 0.000000e+00 : f32
      %broadcast_in_dim3A_59 = vector.broadcast %broadcast_in_dim3A_58 : f32 to vector<16xf32>
      %swap3A_60 = arith.index_cast %scan3A_45 : i32 to index
      %swap3A_61 = arith.constant 32 : index
      %swap3A_62 = tpu.vector_load %arg7[%swap3A_60, %swap3A_61] {strides = array<i32>} : memref<128x128xf32, #tpu.memory_space<vmem>>, vector<1x16xf32>,
      %swap3A_63 = vector.shape_cast %swap3A_62 : vector<1x16xf32> to vector<16xf32>
      %swap3A_64 = vector.shape_cast %broadcast_in_dim3A_59 : vector<16xf32> to vector<1x16xf32>
      tpu.vector_store %arg7[%swap3A_60, %swap3A_61], %swap3A_64 {strides = array<i32>} : memref<128x128xf32, #tpu.memory_space<vmem>>, vector<1x16xf32>,
      %broadcast_in_dim3A_65 = arith.constant 0.000000e+00 : f32
      %broadcast_in_dim3A_66 = vector.broadcast %broadcast_in_dim3A_65 : f32 to vector<16xf32>
      %swap3A_67 = arith.index_cast %scan3A_45 : i32 to index
      %swap3A_68 = arith.constant 48 : index
      %swap3A_69 = tpu.vector_load %arg7[%swap3A_67, %swap3A_68] {strides = array<i32>} : memref<128x128xf32, #tpu.memory_space<vmem>>, vector<1x16xf32>,
      %swap3A_70 = vector.shape_cast %swap3A_69 : vector<1x16xf32> to vector<16xf32>
      %swap3A_71 = vector.shape_cast %broadcast_in_dim3A_66 : vector<16xf32> to vector<1x16xf32>
      tpu.vector_store %arg7[%swap3A_67, %swap3A_68], %swap3A_71 {strides = array<i32>} : memref<128x128xf32, #tpu.memory_space<vmem>>, vector<1x16xf32>,
      %broadcast_in_dim3A_72 = arith.constant 0.000000e+00 : f32
      %broadcast_in_dim3A_73 = vector.broadcast %broadcast_in_dim3A_72 : f32 to vector<16xf32>
      %swap3A_74 = arith.index_cast %scan3A_45 : i32 to index
      %swap3A_75 = arith.constant 64 : index
      %swap3A_76 = tpu.vector_load %arg7[%swap3A_74, %swap3A_75] {strides = array<i32>} : memref<128x128xf32, #tpu.memory_space<vmem>>, vector<1x16xf32>,
      %swap3A_77 = vector.shape_cast %swap3A_76 : vector<1x16xf32> to vector<16xf32>
      %swap3A_78 = vector.shape_cast %broadcast_in_dim3A_73 : vector<16xf32> to vector<1x16xf32>
      tpu.vector_store %arg7[%swap3A_74, %swap3A_75], %swap3A_78 {strides = array<i32>} : memref<128x128xf32, #tpu.memory_space<vmem>>, vector<1x16xf32>,
      %broadcast_in_dim3A_79 = arith.constant 0.000000e+00 : f32
      %broadcast_in_dim3A_80 = vector.broadcast %broadcast_in_dim3A_79 : f32 to vector<16xf32>
      %swap3A_81 = arith.index_cast %scan3A_45 : i32 to index
      %swap3A_82 = arith.constant 80 : index
      %swap3A_83 = tpu.vector_load %arg7[%swap3A_81, %swap3A_82] {strides = array<i32>} : memref<128x128xf32, #tpu.memory_space<vmem>>, vector<1x16xf32>,
      %swap3A_84 = vector.shape_cast %swap3A_83 : vector<1x16xf32> to vector<16xf32>
      %swap3A_85 = vector.shape_cast %broadcast_in_dim3A_80 : vector<16xf32> to vector<1x16xf32>
      tpu.vector_store %arg7[%swap3A_81, %swap3A_82], %swap3A_85 {strides = array<i32>} : memref<128x128xf32, #tpu.memory_space<vmem>>, vector<1x16xf32>,
      %broadcast_in_dim3A_86 = arith.constant 0.000000e+00 : f32
      %broadcast_in_dim3A_87 = vector.broadcast %broadcast_in_dim3A_86 : f32 to vector<16xf32>
      %swap3A_88 = arith.index_cast %scan3A_45 : i32 to index
      %swap3A_89 = arith.constant 96 : index
      %swap3A_90 = tpu.vector_load %arg7[%swap3A_88, %swap3A_89] {strides = array<i32>} : memref<128x128xf32, #tpu.memory_space<vmem>>, vector<1x16xf32>,
      %swap3A_91 = vector.shape_cast %swap3A_90 : vector<1x16xf32> to vector<16xf32>
      %swap3A_92 = vector.shape_cast %broadcast_in_dim3A_87 : vector<16xf32> to vector<1x16xf32>
      tpu.vector_store %arg7[%swap3A_88, %swap3A_89], %swap3A_92 {strides = array<i32>} : memref<128x128xf32, #tpu.memory_space<vmem>>, vector<1x16xf32>,
      %broadcast_in_dim3A_93 = arith.constant 0.000000e+00 : f32
      %broadcast_in_dim3A_94 = vector.broadcast %broadcast_in_dim3A_93 : f32 to vector<16xf32>
      %swap3A_95 = arith.index_cast %scan3A_45 : i32 to index
      %swap3A_96 = arith.constant 112 : index
      %swap3A_97 = tpu.vector_load %arg7[%swap3A_95, %swap3A_96] {strides = array<i32>} : memref<128x128xf32, #tpu.memory_space<vmem>>, vector<1x16xf32>,
      %swap3A_98 = vector.shape_cast %swap3A_97 : vector<1x16xf32> to vector<16xf32>
      %swap3A_99 = vector.shape_cast %broadcast_in_dim3A_94 : vector<16xf32> to vector<1x16xf32>
      tpu.vector_store %arg7[%swap3A_95, %swap3A_96], %swap3A_99 {strides = array<i32>} : memref<128x128xf32, #tpu.memory_space<vmem>>, vector<1x16xf32>,
    }
    %scan3A_7 = arith.constant 128 : i32
    %add3A_8 = arith.constant 0 : i32
    %add3A_9 = arith.addi %mul3A_2, %add3A_8 : i32
    "tpu.region"() ({
      %run_scoped3A = tpu.sem_alloc : memref<!tpu.dma_semaphore, #tpu.memory_space<semaphore_mem>>
      %dma_start3A = arith.constant 0 : i32
      %dma_start3A_45 = arith.constant 0 : i32
      %dma_start3A_46 = tpu.memref_slice %arg7[%dma_start3A, %dma_start3A_45] : memref<128x128xf32, #tpu.memory_space<vmem>> -> memref<128x128xf32, #tpu.memory_space<vmem>>
      %dma_start3A_47 = arith.constant 0 : i32
      %dma_start3A_48 = tpu.memref_slice %arg5[%add3A_9, %dma_start3A_47] : memref<10112x128xf32, #tpu.memory_space<vmem_shared>> -> memref<128x128xf32, #tpu.memory_space<vmem_shared>>
      %dma_start3A_49 = arith.constant 0 : i32
      %dma_start3A_50 = tpu.memref_slice %arg5[%add3A_9, %dma_start3A_49] : memref<10112x128xf32, #tpu.memory_space<vmem_shared>> -> memref<128x128xf32, #tpu.memory_space<vmem_shared>>
      %dma_start3A_51 = arith.constant 0 : i32
      %dma_start3A_52 = arith.constant 0 : i32
      %dma_start3A_53 = tpu.memref_slice %arg7[%dma_start3A_51, %dma_start3A_52] : memref<128x128xf32, #tpu.memory_space<vmem>> -> memref<128x128xf32, #tpu.memory_space<vmem>>
      tpu.enqueue_dma source(%dma_start3A_53 : memref<128x128xf32, #tpu.memory_space<vmem>>) target(%dma_start3A_50 : memref<128x128xf32, #tpu.memory_space<vmem_shared>>) target_semaphore(%run_scoped3A : memref<!tpu.dma_semaphore, #tpu.memory_space<semaphore_mem>>)
      %dma_wait3A = arith.constant 0 : i32
      %dma_wait3A_54 = arith.constant 0 : i32
      %dma_wait3A_55 = tpu.memref_slice %arg7[%dma_wait3A, %dma_wait3A_54] : memref<128x128xf32, #tpu.memory_space<vmem>> -> memref<128x128xf32, #tpu.memory_space<vmem>>
      %dma_wait3A_56 = arith.constant 0 : i32
      %dma_wait3A_57 = tpu.memref_slice %arg5[%add3A_9, %dma_wait3A_56] : memref<10112x128xf32, #tpu.memory_space<vmem_shared>> -> memref<128x128xf32, #tpu.memory_space<vmem_shared>>
      %dma_wait3A_58 = arith.constant 0 : i32
      %dma_wait3A_59 = tpu.memref_slice %arg5[%add3A_9, %dma_wait3A_58] : memref<10112x128xf32, #tpu.memory_space<vmem_shared>> -> memref<128x128xf32, #tpu.memory_space<vmem_shared>>
      %dma_wait3A_60 = arith.constant 0 : i32
      %dma_wait3A_61 = arith.constant 0 : i32
      %dma_wait3A_62 = tpu.memref_slice %arg7[%dma_wait3A_60, %dma_wait3A_61] : memref<128x128xf32, #tpu.memory_space<vmem>> -> memref<128x128xf32, #tpu.memory_space<vmem>>
      tpu.wait_dma2 semaphore(%run_scoped3A : memref<!tpu.dma_semaphore, #tpu.memory_space<semaphore_mem>>) src(%dma_wait3A_62 : memref<128x128xf32, #tpu.memory_space<vmem>>) dst(%dma_wait3A_59 : memref<128x128xf32, #tpu.memory_space<vmem_shared>>)
      tpu.yield
    }) : () -> ()
    %add3A_10 = arith.constant 128 : i32
    %add3A_11 = arith.addi %mul3A_2, %add3A_10 : i32
    "tpu.region"() ({
      %run_scoped3A = tpu.sem_alloc : memref<!tpu.dma_semaphore, #tpu.memory_space<semaphore_mem>>
      %dma_start3A = arith.constant 0 : i32
      %dma_start3A_45 = arith.constant 0 : i32
      %dma_start3A_46 = tpu.memref_slice %arg7[%dma_start3A, %dma_start3A_45] : memref<128x128xf32, #tpu.memory_space<vmem>> -> memref<128x128xf32, #tpu.memory_space<vmem>>
      %dma_start3A_47 = arith.constant 0 : i32
      %dma_start3A_48 = tpu.memref_slice %arg5[%add3A_11, %dma_start3A_47] : memref<10112x128xf32, #tpu.memory_space<vmem_shared>> -> memref<128x128xf32, #tpu.memory_space<vmem_shared>>
      %dma_start3A_49 = arith.constant 0 : i32
      %dma_start3A_50 = tpu.memref_slice %arg5[%add3A_11, %dma_start3A_49] : memref<10112x128xf32, #tpu.memory_space<vmem_shared>> -> memref<128x128xf32, #tpu.memory_space<vmem_shared>>
      %dma_start3A_51 = arith.constant 0 : i32
      %dma_start3A_52 = arith.constant 0 : i32
      %dma_start3A_53 = tpu.memref_slice %arg7[%dma_start3A_51, %dma_start3A_52] : memref<128x128xf32, #tpu.memory_space<vmem>> -> memref<128x128xf32, #tpu.memory_space<vmem>>
      tpu.enqueue_dma source(%dma_start3A_53 : memref<128x128xf32, #tpu.memory_space<vmem>>) target(%dma_start3A_50 : memref<128x128xf32, #tpu.memory_space<vmem_shared>>) target_semaphore(%run_scoped3A : memref<!tpu.dma_semaphore, #tpu.memory_space<semaphore_mem>>)
      %dma_wait3A = arith.constant 0 : i32
      %dma_wait3A_54 = arith.constant 0 : i32
      %dma_wait3A_55 = tpu.memref_slice %arg7[%dma_wait3A, %dma_wait3A_54] : memref<128x128xf32, #tpu.memory_space<vmem>> -> memref<128x128xf32, #tpu.memory_space<vmem>>
      %dma_wait3A_56 = arith.constant 0 : i32
      %dma_wait3A_57 = tpu.memref_slice %arg5[%add3A_11, %dma_wait3A_56] : memref<10112x128xf32, #tpu.memory_space<vmem_shared>> -> memref<128x128xf32, #tpu.memory_space<vmem_shared>>
      %dma_wait3A_58 = arith.constant 0 : i32
      %dma_wait3A_59 = tpu.memref_slice %arg5[%add3A_11, %dma_wait3A_58] : memref<10112x128xf32, #tpu.memory_space<vmem_shared>> -> memref<128x128xf32, #tpu.memory_space<vmem_shared>>
      %dma_wait3A_60 = arith.constant 0 : i32
      %dma_wait3A_61 = arith.constant 0 : i32
      %dma_wait3A_62 = tpu.memref_slice %arg7[%dma_wait3A_60, %dma_wait3A_61] : memref<128x128xf32, #tpu.memory_space<vmem>> -> memref<128x128xf32, #tpu.memory_space<vmem>>
      tpu.wait_dma2 semaphore(%run_scoped3A : memref<!tpu.dma_semaphore, #tpu.memory_space<semaphore_mem>>) src(%dma_wait3A_62 : memref<128x128xf32, #tpu.memory_space<vmem>>) dst(%dma_wait3A_59 : memref<128x128xf32, #tpu.memory_space<vmem_shared>>)
      tpu.yield
    }) : () -> ()
    %add3A_12 = arith.constant 256 : i32
    %add3A_13 = arith.addi %mul3A_2, %add3A_12 : i32
    "tpu.region"() ({
      %run_scoped3A = tpu.sem_alloc : memref<!tpu.dma_semaphore, #tpu.memory_space<semaphore_mem>>
      %dma_start3A = arith.constant 0 : i32
      %dma_start3A_45 = arith.constant 0 : i32
      %dma_start3A_46 = tpu.memref_slice %arg7[%dma_start3A, %dma_start3A_45] : memref<128x128xf32, #tpu.memory_space<vmem>> -> memref<128x128xf32, #tpu.memory_space<vmem>>
      %dma_start3A_47 = arith.constant 0 : i32
      %dma_start3A_48 = tpu.memref_slice %arg5[%add3A_13, %dma_start3A_47] : memref<10112x128xf32, #tpu.memory_space<vmem_shared>> -> memref<128x128xf32, #tpu.memory_space<vmem_shared>>
      %dma_start3A_49 = arith.constant 0 : i32
      %dma_start3A_50 = tpu.memref_slice %arg5[%add3A_13, %dma_start3A_49] : memref<10112x128xf32, #tpu.memory_space<vmem_shared>> -> memref<128x128xf32, #tpu.memory_space<vmem_shared>>
      %dma_start3A_51 = arith.constant 0 : i32
      %dma_start3A_52 = arith.constant 0 : i32
      %dma_start3A_53 = tpu.memref_slice %arg7[%dma_start3A_51, %dma_start3A_52] : memref<128x128xf32, #tpu.memory_space<vmem>> -> memref<128x128xf32, #tpu.memory_space<vmem>>
      tpu.enqueue_dma source(%dma_start3A_53 : memref<128x128xf32, #tpu.memory_space<vmem>>) target(%dma_start3A_50 : memref<128x128xf32, #tpu.memory_space<vmem_shared>>) target_semaphore(%run_scoped3A : memref<!tpu.dma_semaphore, #tpu.memory_space<semaphore_mem>>)
      %dma_wait3A = arith.constant 0 : i32
      %dma_wait3A_54 = arith.constant 0 : i32
      %dma_wait3A_55 = tpu.memref_slice %arg7[%dma_wait3A, %dma_wait3A_54] : memref<128x128xf32, #tpu.memory_space<vmem>> -> memref<128x128xf32, #tpu.memory_space<vmem>>
      %dma_wait3A_56 = arith.constant 0 : i32
      %dma_wait3A_57 = tpu.memref_slice %arg5[%add3A_13, %dma_wait3A_56] : memref<10112x128xf32, #tpu.memory_space<vmem_shared>> -> memref<128x128xf32, #tpu.memory_space<vmem_shared>>
      %dma_wait3A_58 = arith.constant 0 : i32
      %dma_wait3A_59 = tpu.memref_slice %arg5[%add3A_13, %dma_wait3A_58] : memref<10112x128xf32, #tpu.memory_space<vmem_shared>> -> memref<128x128xf32, #tpu.memory_space<vmem_shared>>
      %dma_wait3A_60 = arith.constant 0 : i32
      %dma_wait3A_61 = arith.constant 0 : i32
      %dma_wait3A_62 = tpu.memref_slice %arg7[%dma_wait3A_60, %dma_wait3A_61] : memref<128x128xf32, #tpu.memory_space<vmem>> -> memref<128x128xf32, #tpu.memory_space<vmem>>
      tpu.wait_dma2 semaphore(%run_scoped3A : memref<!tpu.dma_semaphore, #tpu.memory_space<semaphore_mem>>) src(%dma_wait3A_62 : memref<128x128xf32, #tpu.memory_space<vmem>>) dst(%dma_wait3A_59 : memref<128x128xf32, #tpu.memory_space<vmem_shared>>)
      tpu.yield
    }) : () -> ()
    %add3A_14 = arith.constant 384 : i32
    %add3A_15 = arith.addi %mul3A_2, %add3A_14 : i32
    "tpu.region"() ({
      %run_scoped3A = tpu.sem_alloc : memref<!tpu.dma_semaphore, #tpu.memory_space<semaphore_mem>>
      %dma_start3A = arith.constant 0 : i32
      %dma_start3A_45 = arith.constant 0 : i32
      %dma_start3A_46 = tpu.memref_slice %arg7[%dma_start3A, %dma_start3A_45] : memref<128x128xf32, #tpu.memory_space<vmem>> -> memref<128x128xf32, #tpu.memory_space<vmem>>
      %dma_start3A_47 = arith.constant 0 : i32
      %dma_start3A_48 = tpu.memref_slice %arg5[%add3A_15, %dma_start3A_47] : memref<10112x128xf32, #tpu.memory_space<vmem_shared>> -> memref<128x128xf32, #tpu.memory_space<vmem_shared>>
      %dma_start3A_49 = arith.constant 0 : i32
      %dma_start3A_50 = tpu.memref_slice %arg5[%add3A_15, %dma_start3A_49] : memref<10112x128xf32, #tpu.memory_space<vmem_shared>> -> memref<128x128xf32, #tpu.memory_space<vmem_shared>>
      %dma_start3A_51 = arith.constant 0 : i32
      %dma_start3A_52 = arith.constant 0 : i32
      %dma_start3A_53 = tpu.memref_slice %arg7[%dma_start3A_51, %dma_start3A_52] : memref<128x128xf32, #tpu.memory_space<vmem>> -> memref<128x128xf32, #tpu.memory_space<vmem>>
      tpu.enqueue_dma source(%dma_start3A_53 : memref<128x128xf32, #tpu.memory_space<vmem>>) target(%dma_start3A_50 : memref<128x128xf32, #tpu.memory_space<vmem_shared>>) target_semaphore(%run_scoped3A : memref<!tpu.dma_semaphore, #tpu.memory_space<semaphore_mem>>)
      %dma_wait3A = arith.constant 0 : i32
      %dma_wait3A_54 = arith.constant 0 : i32
      %dma_wait3A_55 = tpu.memref_slice %arg7[%dma_wait3A, %dma_wait3A_54] : memref<128x128xf32, #tpu.memory_space<vmem>> -> memref<128x128xf32, #tpu.memory_space<vmem>>
      %dma_wait3A_56 = arith.constant 0 : i32
      %dma_wait3A_57 = tpu.memref_slice %arg5[%add3A_15, %dma_wait3A_56] : memref<10112x128xf32, #tpu.memory_space<vmem_shared>> -> memref<128x128xf32, #tpu.memory_space<vmem_shared>>
      %dma_wait3A_58 = arith.constant 0 : i32
      %dma_wait3A_59 = tpu.memref_slice %arg5[%add3A_15, %dma_wait3A_58] : memref<10112x128xf32, #tpu.memory_space<vmem_shared>> -> memref<128x128xf32, #tpu.memory_space<vmem_shared>>
      %dma_wait3A_60 = arith.constant 0 : i32
      %dma_wait3A_61 = arith.constant 0 : i32
      %dma_wait3A_62 = tpu.memref_slice %arg7[%dma_wait3A_60, %dma_wait3A_61] : memref<128x128xf32, #tpu.memory_space<vmem>> -> memref<128x128xf32, #tpu.memory_space<vmem>>
      tpu.wait_dma2 semaphore(%run_scoped3A : memref<!tpu.dma_semaphore, #tpu.memory_space<semaphore_mem>>) src(%dma_wait3A_62 : memref<128x128xf32, #tpu.memory_space<vmem>>) dst(%dma_wait3A_59 : memref<128x128xf32, #tpu.memory_space<vmem_shared>>)
      tpu.yield
    }) : () -> ()
    %add3A_16 = arith.constant 512 : i32
    %add3A_17 = arith.addi %mul3A_2, %add3A_16 : i32
    "tpu.region"() ({
      %run_scoped3A = tpu.sem_alloc : memref<!tpu.dma_semaphore, #tpu.memory_space<semaphore_mem>>
      %dma_start3A = arith.constant 0 : i32
      %dma_start3A_45 = arith.constant 0 : i32
      %dma_start3A_46 = tpu.memref_slice %arg7[%dma_start3A, %dma_start3A_45] : memref<128x128xf32, #tpu.memory_space<vmem>> -> memref<120x128xf32, #tpu.memory_space<vmem>>
      %dma_start3A_47 = arith.constant 0 : i32
      %dma_start3A_48 = tpu.memref_slice %arg5[%add3A_17, %dma_start3A_47] : memref<10112x128xf32, #tpu.memory_space<vmem_shared>> -> memref<120x128xf32, #tpu.memory_space<vmem_shared>>
      %dma_start3A_49 = arith.constant 0 : i32
      %dma_start3A_50 = tpu.memref_slice %arg5[%add3A_17, %dma_start3A_49] : memref<10112x128xf32, #tpu.memory_space<vmem_shared>> -> memref<120x128xf32, #tpu.memory_space<vmem_shared>>
      %dma_start3A_51 = arith.constant 0 : i32
      %dma_start3A_52 = arith.constant 0 : i32
      %dma_start3A_53 = tpu.memref_slice %arg7[%dma_start3A_51, %dma_start3A_52] : memref<128x128xf32, #tpu.memory_space<vmem>> -> memref<120x128xf32, #tpu.memory_space<vmem>>
      tpu.enqueue_dma source(%dma_start3A_53 : memref<120x128xf32, #tpu.memory_space<vmem>>) target(%dma_start3A_50 : memref<120x128xf32, #tpu.memory_space<vmem_shared>>) target_semaphore(%run_scoped3A : memref<!tpu.dma_semaphore, #tpu.memory_space<semaphore_mem>>)
      %dma_wait3A = arith.constant 0 : i32
      %dma_wait3A_54 = arith.constant 0 : i32
      %dma_wait3A_55 = tpu.memref_slice %arg7[%dma_wait3A, %dma_wait3A_54] : memref<128x128xf32, #tpu.memory_space<vmem>> -> memref<120x128xf32, #tpu.memory_space<vmem>>
      %dma_wait3A_56 = arith.constant 0 : i32
      %dma_wait3A_57 = tpu.memref_slice %arg5[%add3A_17, %dma_wait3A_56] : memref<10112x128xf32, #tpu.memory_space<vmem_shared>> -> memref<120x128xf32, #tpu.memory_space<vmem_shared>>
      %dma_wait3A_58 = arith.constant 0 : i32
      %dma_wait3A_59 = tpu.memref_slice %arg5[%add3A_17, %dma_wait3A_58] : memref<10112x128xf32, #tpu.memory_space<vmem_shared>> -> memref<120x128xf32, #tpu.memory_space<vmem_shared>>
      %dma_wait3A_60 = arith.constant 0 : i32
      %dma_wait3A_61 = arith.constant 0 : i32
      %dma_wait3A_62 = tpu.memref_slice %arg7[%dma_wait3A_60, %dma_wait3A_61] : memref<128x128xf32, #tpu.memory_space<vmem>> -> memref<120x128xf32, #tpu.memory_space<vmem>>
      tpu.wait_dma2 semaphore(%run_scoped3A : memref<!tpu.dma_semaphore, #tpu.memory_space<semaphore_mem>>) src(%dma_wait3A_62 : memref<120x128xf32, #tpu.memory_space<vmem>>) dst(%dma_wait3A_59 : memref<120x128xf32, #tpu.memory_space<vmem_shared>>)
      tpu.yield
    }) : () -> ()
    %barrier3A = arith.constant 0 : index
    tpu.barrier barrier_id(%barrier3A)
    %scan3A_18 = arith.constant 0 : i32
    %scan3A_19 = arith.constant 0 : i32
    %scan3A_20 = arith.constant 80 : i32
    %scan3A_21 = arith.addi %scan3A_19, %scan3A_20 : i32
    %scan3A_22 = arith.constant 1 : i32
    scf.for %scan3A_45 = %scan3A_19 to %scan3A_21 step %scan3A_22  : i32 {
      %mul3A_46 = arith.constant 80 : i32
      %mul3A_47 = arith.muli %add3A, %mul3A_46 : i32
      %add3A_48 = arith.addi %mul3A_47, %scan3A_45 : i32
      "tpu.region"() ({
        %run_scoped3A_50 = tpu.sem_alloc : memref<!tpu.dma_semaphore, #tpu.memory_space<semaphore_mem>>
        %dma_start3A = arith.constant 0 : i32
        %dma_start3A_51 = arith.constant 0 : i32
        %dma_start3A_52 = tpu.memref_slice %arg3[%add3A_48, %dma_start3A, %dma_start3A_51] : memref<2560x2x128xi32, #tpu.memory_space<hbm>> -> memref<1x2x128xi32, #tpu.memory_space<hbm>>
        %dma_start3A_53 = tpu.memref_squeeze %dma_start3A_52 : memref<1x2x128xi32, #tpu.memory_space<hbm>> -> memref<2x128xi32, #tpu.memory_space<hbm>>
        %dma_start3A_54 = arith.constant 0 : i32
        %dma_start3A_55 = arith.constant 0 : i32
        %dma_start3A_56 = tpu.memref_slice %arg3[%add3A_48, %dma_start3A_54, %dma_start3A_55] : memref<2560x2x128xi32, #tpu.memory_space<hbm>> -> memref<1x2x128xi32, #tpu.memory_space<hbm>>
        %dma_start3A_57 = tpu.memref_squeeze %dma_start3A_56 : memref<1x2x128xi32, #tpu.memory_space<hbm>> -> memref<2x128xi32, #tpu.memory_space<hbm>>
        tpu.enqueue_dma source(%dma_start3A_57 : memref<2x128xi32, #tpu.memory_space<hbm>>) target(%arg6 : memref<2x128xi32, #tpu.memory_space<vmem>>) target_semaphore(%run_scoped3A_50 : memref<!tpu.dma_semaphore, #tpu.memory_space<semaphore_mem>>)
        %dma_wait3A = arith.constant 0 : i32
        %dma_wait3A_58 = arith.constant 0 : i32
        %dma_wait3A_59 = tpu.memref_slice %arg3[%add3A_48, %dma_wait3A, %dma_wait3A_58] : memref<2560x2x128xi32, #tpu.memory_space<hbm>> -> memref<1x2x128xi32, #tpu.memory_space<hbm>>
        %dma_wait3A_60 = tpu.memref_squeeze %dma_wait3A_59 : memref<1x2x128xi32, #tpu.memory_space<hbm>> -> memref<2x128xi32, #tpu.memory_space<hbm>>
        %dma_wait3A_61 = arith.constant 0 : i32
        %dma_wait3A_62 = arith.constant 0 : i32
        %dma_wait3A_63 = tpu.memref_slice %arg3[%add3A_48, %dma_wait3A_61, %dma_wait3A_62] : memref<2560x2x128xi32, #tpu.memory_space<hbm>> -> memref<1x2x128xi32, #tpu.memory_space<hbm>>
        %dma_wait3A_64 = tpu.memref_squeeze %dma_wait3A_63 : memref<1x2x128xi32, #tpu.memory_space<hbm>> -> memref<2x128xi32, #tpu.memory_space<hbm>>
        tpu.wait_dma2 semaphore(%run_scoped3A_50 : memref<!tpu.dma_semaphore, #tpu.memory_space<semaphore_mem>>) src(%dma_wait3A_64 : memref<2x128xi32, #tpu.memory_space<hbm>>) dst(%arg6 : memref<2x128xi32, #tpu.memory_space<vmem>>)
        tpu.yield
      }) : () -> ()
      %run_scoped3A = arith.constant 0 : i32
      "tpu.region"() ({
        %run_scoped3A_50 = tpu.sem_alloc : memref<!tpu.dma_semaphore, #tpu.memory_space<semaphore_mem>>
        %dma_start3A = arith.constant 0 : i32
        %dma_start3A_51 = tpu.memref_slice %arg6[%run_scoped3A, %dma_start3A] : memref<2x128xi32, #tpu.memory_space<vmem>> -> memref<1x128xi32, #tpu.memory_space<vmem>>
        %dma_start3A_52 = tpu.memref_squeeze %dma_start3A_51 : memref<1x128xi32, #tpu.memory_space<vmem>> -> memref<128xi32, #tpu.memory_space<vmem>>
        %dma_start3A_53 = arith.constant 0 : i32
        %dma_start3A_54 = arith.constant 0 : i32
        %dma_start3A_55 = tpu.memref_slice %arg2[%dma_start3A_53, %dma_start3A_54] : memref<10112x128xf32, #tpu.memory_space<hbm>> -> memref<10112x128xf32, #tpu.memory_space<hbm>>
        tpu.enqueue_indirect_dma source(%dma_start3A_55 : memref<10112x128xf32, #tpu.memory_space<hbm>>) target(%arg7 : memref<128x128xf32, #tpu.memory_space<vmem>>) offsets(%dma_start3A_52 : memref<128xi32, #tpu.memory_space<vmem>>) semaphore(%run_scoped3A_50 : memref<!tpu.dma_semaphore, #tpu.memory_space<semaphore_mem>>)
        %dma_wait3A = arith.constant 0 : i32
        %dma_wait3A_56 = tpu.memref_slice %arg6[%run_scoped3A, %dma_wait3A] : memref<2x128xi32, #tpu.memory_space<vmem>> -> memref<1x128xi32, #tpu.memory_space<vmem>>
        %dma_wait3A_57 = tpu.memref_squeeze %dma_wait3A_56 : memref<1x128xi32, #tpu.memory_space<vmem>> -> memref<128xi32, #tpu.memory_space<vmem>>
        %dma_wait3A_58 = arith.constant 0 : i32
        %dma_wait3A_59 = arith.constant 0 : i32
        %dma_wait3A_60 = tpu.memref_slice %arg2[%dma_wait3A_58, %dma_wait3A_59] : memref<10112x128xf32, #tpu.memory_space<hbm>> -> memref<10112x128xf32, #tpu.memory_space<hbm>>
        tpu.wait_indirect_dma semaphore(%run_scoped3A_50 : memref<!tpu.dma_semaphore, #tpu.memory_space<semaphore_mem>>) src(%dma_wait3A_60 : memref<10112x128xf32, #tpu.memory_space<hbm>>) dst(%arg7 : memref<128x128xf32, #tpu.memory_space<vmem>>)
        tpu.yield
      }) : () -> ()
      %run_scoped3A_49 = arith.constant 1 : i32
      "tpu.region"() ({
        %run_scoped3A_50 = tpu.sem_alloc : memref<!tpu.dma_semaphore, #tpu.memory_space<semaphore_mem>>
        %dma_start3A = arith.constant 0 : i32
        %dma_start3A_51 = tpu.memref_slice %arg6[%run_scoped3A_49, %dma_start3A] : memref<2x128xi32, #tpu.memory_space<vmem>> -> memref<1x128xi32, #tpu.memory_space<vmem>>
        %dma_start3A_52 = tpu.memref_squeeze %dma_start3A_51 : memref<1x128xi32, #tpu.memory_space<vmem>> -> memref<128xi32, #tpu.memory_space<vmem>>
        %dma_start3A_53 = arith.constant 0 : i32
        %dma_start3A_54 = arith.constant 0 : i32
        %dma_start3A_55 = tpu.memref_slice %arg5[%dma_start3A_53, %dma_start3A_54] : memref<10112x128xf32, #tpu.memory_space<vmem_shared>> -> memref<10112x128xf32, #tpu.memory_space<vmem_shared>>
        tpu.enqueue_indirect_dma source(%arg7 : memref<128x128xf32, #tpu.memory_space<vmem>>) target(%dma_start3A_55 : memref<10112x128xf32, #tpu.memory_space<vmem_shared>>) offsets(%dma_start3A_52 : memref<128xi32, #tpu.memory_space<vmem>>) semaphore(%run_scoped3A_50 : memref<!tpu.dma_semaphore, #tpu.memory_space<semaphore_mem>>) {add = true}
        %dma_wait3A = arith.constant 0 : i32
        %dma_wait3A_56 = tpu.memref_slice %arg6[%run_scoped3A_49, %dma_wait3A] : memref<2x128xi32, #tpu.memory_space<vmem>> -> memref<1x128xi32, #tpu.memory_space<vmem>>
        %dma_wait3A_57 = tpu.memref_squeeze %dma_wait3A_56 : memref<1x128xi32, #tpu.memory_space<vmem>> -> memref<128xi32, #tpu.memory_space<vmem>>
        %dma_wait3A_58 = arith.constant 0 : i32
        %dma_wait3A_59 = arith.constant 0 : i32
        %dma_wait3A_60 = tpu.memref_slice %arg5[%dma_wait3A_58, %dma_wait3A_59] : memref<10112x128xf32, #tpu.memory_space<vmem_shared>> -> memref<10112x128xf32, #tpu.memory_space<vmem_shared>>
        tpu.wait_indirect_dma semaphore(%run_scoped3A_50 : memref<!tpu.dma_semaphore, #tpu.memory_space<semaphore_mem>>) src(%arg7 : memref<128x128xf32, #tpu.memory_space<vmem>>) dst(%dma_wait3A_60 : memref<10112x128xf32, #tpu.memory_space<vmem_shared>>)
        tpu.yield
      }) : () -> ()
    }
    %scan3A_23 = arith.constant 80 : i32
    %barrier3A_24 = arith.constant 0 : index
    tpu.barrier barrier_id(%barrier3A_24)
    %add3A_25 = arith.constant 0 : i32
    %add3A_26 = arith.addi %mul3A_2, %add3A_25 : i32
    "tpu.region"() ({
      %run_scoped3A = tpu.sem_alloc : memref<!tpu.dma_semaphore, #tpu.memory_space<semaphore_mem>>
      %dma_start3A = arith.constant 0 : i32
      %dma_start3A_45 = arith.constant 0 : i32
      %dma_start3A_46 = tpu.memref_slice %arg7[%dma_start3A, %dma_start3A_45] : memref<128x128xf32, #tpu.memory_space<vmem>> -> memref<128x128xf32, #tpu.memory_space<vmem>>
      %dma_start3A_47 = arith.constant 0 : i32
      %dma_start3A_48 = tpu.memref_slice %arg5[%add3A_26, %dma_start3A_47] : memref<10112x128xf32, #tpu.memory_space<vmem_shared>> -> memref<128x128xf32, #tpu.memory_space<vmem_shared>>
      %dma_start3A_49 = arith.constant 0 : i32
      %dma_start3A_50 = arith.constant 0 : i32
      %dma_start3A_51 = tpu.memref_slice %arg7[%dma_start3A_49, %dma_start3A_50] : memref<128x128xf32, #tpu.memory_space<vmem>> -> memref<128x128xf32, #tpu.memory_space<vmem>>
      %dma_start3A_52 = arith.constant 0 : i32
      %dma_start3A_53 = tpu.memref_slice %arg5[%add3A_26, %dma_start3A_52] : memref<10112x128xf32, #tpu.memory_space<vmem_shared>> -> memref<128x128xf32, #tpu.memory_space<vmem_shared>>
      tpu.enqueue_dma source(%dma_start3A_53 : memref<128x128xf32, #tpu.memory_space<vmem_shared>>) target(%dma_start3A_51 : memref<128x128xf32, #tpu.memory_space<vmem>>) target_semaphore(%run_scoped3A : memref<!tpu.dma_semaphore, #tpu.memory_space<semaphore_mem>>)
      %dma_wait3A = arith.constant 0 : i32
      %dma_wait3A_54 = arith.constant 0 : i32
      %dma_wait3A_55 = tpu.memref_slice %arg7[%dma_wait3A, %dma_wait3A_54] : memref<128x128xf32, #tpu.memory_space<vmem>> -> memref<128x128xf32, #tpu.memory_space<vmem>>
      %dma_wait3A_56 = arith.constant 0 : i32
      %dma_wait3A_57 = tpu.memref_slice %arg5[%add3A_26, %dma_wait3A_56] : memref<10112x128xf32, #tpu.memory_space<vmem_shared>> -> memref<128x128xf32, #tpu.memory_space<vmem_shared>>
      %dma_wait3A_58 = arith.constant 0 : i32
      %dma_wait3A_59 = arith.constant 0 : i32
      %dma_wait3A_60 = tpu.memref_slice %arg7[%dma_wait3A_58, %dma_wait3A_59] : memref<128x128xf32, #tpu.memory_space<vmem>> -> memref<128x128xf32, #tpu.memory_space<vmem>>
      %dma_wait3A_61 = arith.constant 0 : i32
      %dma_wait3A_62 = tpu.memref_slice %arg5[%add3A_26, %dma_wait3A_61] : memref<10112x128xf32, #tpu.memory_space<vmem_shared>> -> memref<128x128xf32, #tpu.memory_space<vmem_shared>>
      tpu.wait_dma2 semaphore(%run_scoped3A : memref<!tpu.dma_semaphore, #tpu.memory_space<semaphore_mem>>) src(%dma_wait3A_62 : memref<128x128xf32, #tpu.memory_space<vmem_shared>>) dst(%dma_wait3A_60 : memref<128x128xf32, #tpu.memory_space<vmem>>)
      tpu.yield
    }) : () -> ()
    %add3A_27 = arith.constant 0 : i32
    %add3A_28 = arith.addi %mul3A_2, %add3A_27 : i32
    "tpu.region"() ({
      %run_scoped3A = tpu.sem_alloc : memref<!tpu.dma_semaphore, #tpu.memory_space<semaphore_mem>>
      %dma_start3A = arith.constant 0 : i32
      %dma_start3A_45 = arith.constant 0 : i32
      %dma_start3A_46 = tpu.memref_slice %arg7[%dma_start3A, %dma_start3A_45] : memref<128x128xf32, #tpu.memory_space<vmem>> -> memref<128x128xf32, #tpu.memory_space<vmem>>
      %dma_start3A_47 = arith.constant 0 : i32
      %dma_start3A_48 = tpu.memref_slice %arg4[%arg0, %add3A_28, %dma_start3A_47] : memref<2x10112x128xf32, #tpu.memory_space<hbm>> -> memref<1x128x128xf32, #tpu.memory_space<hbm>>
      %dma_start3A_49 = tpu.memref_squeeze %dma_start3A_48 : memref<1x128x128xf32, #tpu.memory_space<hbm>> -> memref<128x128xf32, #tpu.memory_space<hbm>>
      %dma_start3A_50 = arith.constant 0 : i32
      %dma_start3A_51 = tpu.memref_slice %arg4[%arg0, %add3A_28, %dma_start3A_50] : memref<2x10112x128xf32, #tpu.memory_space<hbm>> -> memref<1x128x128xf32, #tpu.memory_space<hbm>>
      %dma_start3A_52 = tpu.memref_squeeze %dma_start3A_51 : memref<1x128x128xf32, #tpu.memory_space<hbm>> -> memref<128x128xf32, #tpu.memory_space<hbm>>
      %dma_start3A_53 = arith.constant 0 : i32
      %dma_start3A_54 = arith.constant 0 : i32
      %dma_start3A_55 = tpu.memref_slice %arg7[%dma_start3A_53, %dma_start3A_54] : memref<128x128xf32, #tpu.memory_space<vmem>> -> memref<128x128xf32, #tpu.memory_space<vmem>>
      tpu.enqueue_dma source(%dma_start3A_55 : memref<128x128xf32, #tpu.memory_space<vmem>>) target(%dma_start3A_52 : memref<128x128xf32, #tpu.memory_space<hbm>>) target_semaphore(%run_scoped3A : memref<!tpu.dma_semaphore, #tpu.memory_space<semaphore_mem>>)
      %dma_wait3A = arith.constant 0 : i32
      %dma_wait3A_56 = arith.constant 0 : i32
      %dma_wait3A_57 = tpu.memref_slice %arg7[%dma_wait3A, %dma_wait3A_56] : memref<128x128xf32, #tpu.memory_space<vmem>> -> memref<128x128xf32, #tpu.memory_space<vmem>>
      %dma_wait3A_58 = arith.constant 0 : i32
      %dma_wait3A_59 = tpu.memref_slice %arg4[%arg0, %add3A_28, %dma_wait3A_58] : memref<2x10112x128xf32, #tpu.memory_space<hbm>> -> memref<1x128x128xf32, #tpu.memory_space<hbm>>
      %dma_wait3A_60 = tpu.memref_squeeze %dma_wait3A_59 : memref<1x128x128xf32, #tpu.memory_space<hbm>> -> memref<128x128xf32, #tpu.memory_space<hbm>>
      %dma_wait3A_61 = arith.constant 0 : i32
      %dma_wait3A_62 = tpu.memref_slice %arg4[%arg0, %add3A_28, %dma_wait3A_61] : memref<2x10112x128xf32, #tpu.memory_space<hbm>> -> memref<1x128x128xf32, #tpu.memory_space<hbm>>
      %dma_wait3A_63 = tpu.memref_squeeze %dma_wait3A_62 : memref<1x128x128xf32, #tpu.memory_space<hbm>> -> memref<128x128xf32, #tpu.memory_space<hbm>>
      %dma_wait3A_64 = arith.constant 0 : i32
      %dma_wait3A_65 = arith.constant 0 : i32
      %dma_wait3A_66 = tpu.memref_slice %arg7[%dma_wait3A_64, %dma_wait3A_65] : memref<128x128xf32, #tpu.memory_space<vmem>> -> memref<128x128xf32, #tpu.memory_space<vmem>>
      tpu.wait_dma2 semaphore(%run_scoped3A : memref<!tpu.dma_semaphore, #tpu.memory_space<semaphore_mem>>) src(%dma_wait3A_66 : memref<128x128xf32, #tpu.memory_space<vmem>>) dst(%dma_wait3A_63 : memref<128x128xf32, #tpu.memory_space<hbm>>)
      tpu.yield
    }) : () -> ()
    %add3A_29 = arith.constant 128 : i32
    %add3A_30 = arith.addi %mul3A_2, %add3A_29 : i32
    "tpu.region"() ({
      %run_scoped3A = tpu.sem_alloc : memref<!tpu.dma_semaphore, #tpu.memory_space<semaphore_mem>>
      %dma_start3A = arith.constant 0 : i32
      %dma_start3A_45 = arith.constant 0 : i32
      %dma_start3A_46 = tpu.memref_slice %arg7[%dma_start3A, %dma_start3A_45] : memref<128x128xf32, #tpu.memory_space<vmem>> -> memref<128x128xf32, #tpu.memory_space<vmem>>
      %dma_start3A_47 = arith.constant 0 : i32
      %dma_start3A_48 = tpu.memref_slice %arg5[%add3A_30, %dma_start3A_47] : memref<10112x128xf32, #tpu.memory_space<vmem_shared>> -> memref<128x128xf32, #tpu.memory_space<vmem_shared>>
      %dma_start3A_49 = arith.constant 0 : i32
      %dma_start3A_50 = arith.constant 0 : i32
      %dma_start3A_51 = tpu.memref_slice %arg7[%dma_start3A_49, %dma_start3A_50] : memref<128x128xf32, #tpu.memory_space<vmem>> -> memref<128x128xf32, #tpu.memory_space<vmem>>
      %dma_start3A_52 = arith.constant 0 : i32
      %dma_start3A_53 = tpu.memref_slice %arg5[%add3A_30, %dma_start3A_52] : memref<10112x128xf32, #tpu.memory_space<vmem_shared>> -> memref<128x128xf32, #tpu.memory_space<vmem_shared>>
      tpu.enqueue_dma source(%dma_start3A_53 : memref<128x128xf32, #tpu.memory_space<vmem_shared>>) target(%dma_start3A_51 : memref<128x128xf32, #tpu.memory_space<vmem>>) target_semaphore(%run_scoped3A : memref<!tpu.dma_semaphore, #tpu.memory_space<semaphore_mem>>)
      %dma_wait3A = arith.constant 0 : i32
      %dma_wait3A_54 = arith.constant 0 : i32
      %dma_wait3A_55 = tpu.memref_slice %arg7[%dma_wait3A, %dma_wait3A_54] : memref<128x128xf32, #tpu.memory_space<vmem>> -> memref<128x128xf32, #tpu.memory_space<vmem>>
      %dma_wait3A_56 = arith.constant 0 : i32
      %dma_wait3A_57 = tpu.memref_slice %arg5[%add3A_30, %dma_wait3A_56] : memref<10112x128xf32, #tpu.memory_space<vmem_shared>> -> memref<128x128xf32, #tpu.memory_space<vmem_shared>>
      %dma_wait3A_58 = arith.constant 0 : i32
      %dma_wait3A_59 = arith.constant 0 : i32
      %dma_wait3A_60 = tpu.memref_slice %arg7[%dma_wait3A_58, %dma_wait3A_59] : memref<128x128xf32, #tpu.memory_space<vmem>> -> memref<128x128xf32, #tpu.memory_space<vmem>>
      %dma_wait3A_61 = arith.constant 0 : i32
      %dma_wait3A_62 = tpu.memref_slice %arg5[%add3A_30, %dma_wait3A_61] : memref<10112x128xf32, #tpu.memory_space<vmem_shared>> -> memref<128x128xf32, #tpu.memory_space<vmem_shared>>
      tpu.wait_dma2 semaphore(%run_scoped3A : memref<!tpu.dma_semaphore, #tpu.memory_space<semaphore_mem>>) src(%dma_wait3A_62 : memref<128x128xf32, #tpu.memory_space<vmem_shared>>) dst(%dma_wait3A_60 : memref<128x128xf32, #tpu.memory_space<vmem>>)
      tpu.yield
    }) : () -> ()
    %add3A_31 = arith.constant 128 : i32
    %add3A_32 = arith.addi %mul3A_2, %add3A_31 : i32
    "tpu.region"() ({
      %run_scoped3A = tpu.sem_alloc : memref<!tpu.dma_semaphore, #tpu.memory_space<semaphore_mem>>
      %dma_start3A = arith.constant 0 : i32
      %dma_start3A_45 = arith.constant 0 : i32
      %dma_start3A_46 = tpu.memref_slice %arg7[%dma_start3A, %dma_start3A_45] : memref<128x128xf32, #tpu.memory_space<vmem>> -> memref<128x128xf32, #tpu.memory_space<vmem>>
      %dma_start3A_47 = arith.constant 0 : i32
      %dma_start3A_48 = tpu.memref_slice %arg4[%arg0, %add3A_32, %dma_start3A_47] : memref<2x10112x128xf32, #tpu.memory_space<hbm>> -> memref<1x128x128xf32, #tpu.memory_space<hbm>>
      %dma_start3A_49 = tpu.memref_squeeze %dma_start3A_48 : memref<1x128x128xf32, #tpu.memory_space<hbm>> -> memref<128x128xf32, #tpu.memory_space<hbm>>
      %dma_start3A_50 = arith.constant 0 : i32
      %dma_start3A_51 = tpu.memref_slice %arg4[%arg0, %add3A_32, %dma_start3A_50] : memref<2x10112x128xf32, #tpu.memory_space<hbm>> -> memref<1x128x128xf32, #tpu.memory_space<hbm>>
      %dma_start3A_52 = tpu.memref_squeeze %dma_start3A_51 : memref<1x128x128xf32, #tpu.memory_space<hbm>> -> memref<128x128xf32, #tpu.memory_space<hbm>>
      %dma_start3A_53 = arith.constant 0 : i32
      %dma_start3A_54 = arith.constant 0 : i32
      %dma_start3A_55 = tpu.memref_slice %arg7[%dma_start3A_53, %dma_start3A_54] : memref<128x128xf32, #tpu.memory_space<vmem>> -> memref<128x128xf32, #tpu.memory_space<vmem>>
      tpu.enqueue_dma source(%dma_start3A_55 : memref<128x128xf32, #tpu.memory_space<vmem>>) target(%dma_start3A_52 : memref<128x128xf32, #tpu.memory_space<hbm>>) target_semaphore(%run_scoped3A : memref<!tpu.dma_semaphore, #tpu.memory_space<semaphore_mem>>)
      %dma_wait3A = arith.constant 0 : i32
      %dma_wait3A_56 = arith.constant 0 : i32
      %dma_wait3A_57 = tpu.memref_slice %arg7[%dma_wait3A, %dma_wait3A_56] : memref<128x128xf32, #tpu.memory_space<vmem>> -> memref<128x128xf32, #tpu.memory_space<vmem>>
      %dma_wait3A_58 = arith.constant 0 : i32
      %dma_wait3A_59 = tpu.memref_slice %arg4[%arg0, %add3A_32, %dma_wait3A_58] : memref<2x10112x128xf32, #tpu.memory_space<hbm>> -> memref<1x128x128xf32, #tpu.memory_space<hbm>>
      %dma_wait3A_60 = tpu.memref_squeeze %dma_wait3A_59 : memref<1x128x128xf32, #tpu.memory_space<hbm>> -> memref<128x128xf32, #tpu.memory_space<hbm>>
      %dma_wait3A_61 = arith.constant 0 : i32
      %dma_wait3A_62 = tpu.memref_slice %arg4[%arg0, %add3A_32, %dma_wait3A_61] : memref<2x10112x128xf32, #tpu.memory_space<hbm>> -> memref<1x128x128xf32, #tpu.memory_space<hbm>>
      %dma_wait3A_63 = tpu.memref_squeeze %dma_wait3A_62 : memref<1x128x128xf32, #tpu.memory_space<hbm>> -> memref<128x128xf32, #tpu.memory_space<hbm>>
      %dma_wait3A_64 = arith.constant 0 : i32
      %dma_wait3A_65 = arith.constant 0 : i32
      %dma_wait3A_66 = tpu.memref_slice %arg7[%dma_wait3A_64, %dma_wait3A_65] : memref<128x128xf32, #tpu.memory_space<vmem>> -> memref<128x128xf32, #tpu.memory_space<vmem>>
      tpu.wait_dma2 semaphore(%run_scoped3A : memref<!tpu.dma_semaphore, #tpu.memory_space<semaphore_mem>>) src(%dma_wait3A_66 : memref<128x128xf32, #tpu.memory_space<vmem>>) dst(%dma_wait3A_63 : memref<128x128xf32, #tpu.memory_space<hbm>>)
      tpu.yield
    }) : () -> ()
    %add3A_33 = arith.constant 256 : i32
    %add3A_34 = arith.addi %mul3A_2, %add3A_33 : i32
    "tpu.region"() ({
      %run_scoped3A = tpu.sem_alloc : memref<!tpu.dma_semaphore, #tpu.memory_space<semaphore_mem>>
      %dma_start3A = arith.constant 0 : i32
      %dma_start3A_45 = arith.constant 0 : i32
      %dma_start3A_46 = tpu.memref_slice %arg7[%dma_start3A, %dma_start3A_45] : memref<128x128xf32, #tpu.memory_space<vmem>> -> memref<128x128xf32, #tpu.memory_space<vmem>>
      %dma_start3A_47 = arith.constant 0 : i32
      %dma_start3A_48 = tpu.memref_slice %arg5[%add3A_34, %dma_start3A_47] : memref<10112x128xf32, #tpu.memory_space<vmem_shared>> -> memref<128x128xf32, #tpu.memory_space<vmem_shared>>
      %dma_start3A_49 = arith.constant 0 : i32
      %dma_start3A_50 = arith.constant 0 : i32
      %dma_start3A_51 = tpu.memref_slice %arg7[%dma_start3A_49, %dma_start3A_50] : memref<128x128xf32, #tpu.memory_space<vmem>> -> memref<128x128xf32, #tpu.memory_space<vmem>>
      %dma_start3A_52 = arith.constant 0 : i32
      %dma_start3A_53 = tpu.memref_slice %arg5[%add3A_34, %dma_start3A_52] : memref<10112x128xf32, #tpu.memory_space<vmem_shared>> -> memref<128x128xf32, #tpu.memory_space<vmem_shared>>
      tpu.enqueue_dma source(%dma_start3A_53 : memref<128x128xf32, #tpu.memory_space<vmem_shared>>) target(%dma_start3A_51 : memref<128x128xf32, #tpu.memory_space<vmem>>) target_semaphore(%run_scoped3A : memref<!tpu.dma_semaphore, #tpu.memory_space<semaphore_mem>>)
      %dma_wait3A = arith.constant 0 : i32
      %dma_wait3A_54 = arith.constant 0 : i32
      %dma_wait3A_55 = tpu.memref_slice %arg7[%dma_wait3A, %dma_wait3A_54] : memref<128x128xf32, #tpu.memory_space<vmem>> -> memref<128x128xf32, #tpu.memory_space<vmem>>
      %dma_wait3A_56 = arith.constant 0 : i32
      %dma_wait3A_57 = tpu.memref_slice %arg5[%add3A_34, %dma_wait3A_56] : memref<10112x128xf32, #tpu.memory_space<vmem_shared>> -> memref<128x128xf32, #tpu.memory_space<vmem_shared>>
      %dma_wait3A_58 = arith.constant 0 : i32
      %dma_wait3A_59 = arith.constant 0 : i32
      %dma_wait3A_60 = tpu.memref_slice %arg7[%dma_wait3A_58, %dma_wait3A_59] : memref<128x128xf32, #tpu.memory_space<vmem>> -> memref<128x128xf32, #tpu.memory_space<vmem>>
      %dma_wait3A_61 = arith.constant 0 : i32
      %dma_wait3A_62 = tpu.memref_slice %arg5[%add3A_34, %dma_wait3A_61] : memref<10112x128xf32, #tpu.memory_space<vmem_shared>> -> memref<128x128xf32, #tpu.memory_space<vmem_shared>>
      tpu.wait_dma2 semaphore(%run_scoped3A : memref<!tpu.dma_semaphore, #tpu.memory_space<semaphore_mem>>) src(%dma_wait3A_62 : memref<128x128xf32, #tpu.memory_space<vmem_shared>>) dst(%dma_wait3A_60 : memref<128x128xf32, #tpu.memory_space<vmem>>)
      tpu.yield
    }) : () -> ()
    %add3A_35 = arith.constant 256 : i32
    %add3A_36 = arith.addi %mul3A_2, %add3A_35 : i32
    "tpu.region"() ({
      %run_scoped3A = tpu.sem_alloc : memref<!tpu.dma_semaphore, #tpu.memory_space<semaphore_mem>>
      %dma_start3A = arith.constant 0 : i32
      %dma_start3A_45 = arith.constant 0 : i32
      %dma_start3A_46 = tpu.memref_slice %arg7[%dma_start3A, %dma_start3A_45] : memref<128x128xf32, #tpu.memory_space<vmem>> -> memref<128x128xf32, #tpu.memory_space<vmem>>
      %dma_start3A_47 = arith.constant 0 : i32
      %dma_start3A_48 = tpu.memref_slice %arg4[%arg0, %add3A_36, %dma_start3A_47] : memref<2x10112x128xf32, #tpu.memory_space<hbm>> -> memref<1x128x128xf32, #tpu.memory_space<hbm>>
      %dma_start3A_49 = tpu.memref_squeeze %dma_start3A_48 : memref<1x128x128xf32, #tpu.memory_space<hbm>> -> memref<128x128xf32, #tpu.memory_space<hbm>>
      %dma_start3A_50 = arith.constant 0 : i32
      %dma_start3A_51 = tpu.memref_slice %arg4[%arg0, %add3A_36, %dma_start3A_50] : memref<2x10112x128xf32, #tpu.memory_space<hbm>> -> memref<1x128x128xf32, #tpu.memory_space<hbm>>
      %dma_start3A_52 = tpu.memref_squeeze %dma_start3A_51 : memref<1x128x128xf32, #tpu.memory_space<hbm>> -> memref<128x128xf32, #tpu.memory_space<hbm>>
      %dma_start3A_53 = arith.constant 0 : i32
      %dma_start3A_54 = arith.constant 0 : i32
      %dma_start3A_55 = tpu.memref_slice %arg7[%dma_start3A_53, %dma_start3A_54] : memref<128x128xf32, #tpu.memory_space<vmem>> -> memref<128x128xf32, #tpu.memory_space<vmem>>
      tpu.enqueue_dma source(%dma_start3A_55 : memref<128x128xf32, #tpu.memory_space<vmem>>) target(%dma_start3A_52 : memref<128x128xf32, #tpu.memory_space<hbm>>) target_semaphore(%run_scoped3A : memref<!tpu.dma_semaphore, #tpu.memory_space<semaphore_mem>>)
      %dma_wait3A = arith.constant 0 : i32
      %dma_wait3A_56 = arith.constant 0 : i32
      %dma_wait3A_57 = tpu.memref_slice %arg7[%dma_wait3A, %dma_wait3A_56] : memref<128x128xf32, #tpu.memory_space<vmem>> -> memref<128x128xf32, #tpu.memory_space<vmem>>
      %dma_wait3A_58 = arith.constant 0 : i32
      %dma_wait3A_59 = tpu.memref_slice %arg4[%arg0, %add3A_36, %dma_wait3A_58] : memref<2x10112x128xf32, #tpu.memory_space<hbm>> -> memref<1x128x128xf32, #tpu.memory_space<hbm>>
      %dma_wait3A_60 = tpu.memref_squeeze %dma_wait3A_59 : memref<1x128x128xf32, #tpu.memory_space<hbm>> -> memref<128x128xf32, #tpu.memory_space<hbm>>
      %dma_wait3A_61 = arith.constant 0 : i32
      %dma_wait3A_62 = tpu.memref_slice %arg4[%arg0, %add3A_36, %dma_wait3A_61] : memref<2x10112x128xf32, #tpu.memory_space<hbm>> -> memref<1x128x128xf32, #tpu.memory_space<hbm>>
      %dma_wait3A_63 = tpu.memref_squeeze %dma_wait3A_62 : memref<1x128x128xf32, #tpu.memory_space<hbm>> -> memref<128x128xf32, #tpu.memory_space<hbm>>
      %dma_wait3A_64 = arith.constant 0 : i32
      %dma_wait3A_65 = arith.constant 0 : i32
      %dma_wait3A_66 = tpu.memref_slice %arg7[%dma_wait3A_64, %dma_wait3A_65] : memref<128x128xf32, #tpu.memory_space<vmem>> -> memref<128x128xf32, #tpu.memory_space<vmem>>
      tpu.wait_dma2 semaphore(%run_scoped3A : memref<!tpu.dma_semaphore, #tpu.memory_space<semaphore_mem>>) src(%dma_wait3A_66 : memref<128x128xf32, #tpu.memory_space<vmem>>) dst(%dma_wait3A_63 : memref<128x128xf32, #tpu.memory_space<hbm>>)
      tpu.yield
    }) : () -> ()
    %add3A_37 = arith.constant 384 : i32
    %add3A_38 = arith.addi %mul3A_2, %add3A_37 : i32
    "tpu.region"() ({
      %run_scoped3A = tpu.sem_alloc : memref<!tpu.dma_semaphore, #tpu.memory_space<semaphore_mem>>
      %dma_start3A = arith.constant 0 : i32
      %dma_start3A_45 = arith.constant 0 : i32
      %dma_start3A_46 = tpu.memref_slice %arg7[%dma_start3A, %dma_start3A_45] : memref<128x128xf32, #tpu.memory_space<vmem>> -> memref<128x128xf32, #tpu.memory_space<vmem>>
      %dma_start3A_47 = arith.constant 0 : i32
      %dma_start3A_48 = tpu.memref_slice %arg5[%add3A_38, %dma_start3A_47] : memref<10112x128xf32, #tpu.memory_space<vmem_shared>> -> memref<128x128xf32, #tpu.memory_space<vmem_shared>>
      %dma_start3A_49 = arith.constant 0 : i32
      %dma_start3A_50 = arith.constant 0 : i32
      %dma_start3A_51 = tpu.memref_slice %arg7[%dma_start3A_49, %dma_start3A_50] : memref<128x128xf32, #tpu.memory_space<vmem>> -> memref<128x128xf32, #tpu.memory_space<vmem>>
      %dma_start3A_52 = arith.constant 0 : i32
      %dma_start3A_53 = tpu.memref_slice %arg5[%add3A_38, %dma_start3A_52] : memref<10112x128xf32, #tpu.memory_space<vmem_shared>> -> memref<128x128xf32, #tpu.memory_space<vmem_shared>>
      tpu.enqueue_dma source(%dma_start3A_53 : memref<128x128xf32, #tpu.memory_space<vmem_shared>>) target(%dma_start3A_51 : memref<128x128xf32, #tpu.memory_space<vmem>>) target_semaphore(%run_scoped3A : memref<!tpu.dma_semaphore, #tpu.memory_space<semaphore_mem>>)
      %dma_wait3A = arith.constant 0 : i32
      %dma_wait3A_54 = arith.constant 0 : i32
      %dma_wait3A_55 = tpu.memref_slice %arg7[%dma_wait3A, %dma_wait3A_54] : memref<128x128xf32, #tpu.memory_space<vmem>> -> memref<128x128xf32, #tpu.memory_space<vmem>>
      %dma_wait3A_56 = arith.constant 0 : i32
      %dma_wait3A_57 = tpu.memref_slice %arg5[%add3A_38, %dma_wait3A_56] : memref<10112x128xf32, #tpu.memory_space<vmem_shared>> -> memref<128x128xf32, #tpu.memory_space<vmem_shared>>
      %dma_wait3A_58 = arith.constant 0 : i32
      %dma_wait3A_59 = arith.constant 0 : i32
      %dma_wait3A_60 = tpu.memref_slice %arg7[%dma_wait3A_58, %dma_wait3A_59] : memref<128x128xf32, #tpu.memory_space<vmem>> -> memref<128x128xf32, #tpu.memory_space<vmem>>
      %dma_wait3A_61 = arith.constant 0 : i32
      %dma_wait3A_62 = tpu.memref_slice %arg5[%add3A_38, %dma_wait3A_61] : memref<10112x128xf32, #tpu.memory_space<vmem_shared>> -> memref<128x128xf32, #tpu.memory_space<vmem_shared>>
      tpu.wait_dma2 semaphore(%run_scoped3A : memref<!tpu.dma_semaphore, #tpu.memory_space<semaphore_mem>>) src(%dma_wait3A_62 : memref<128x128xf32, #tpu.memory_space<vmem_shared>>) dst(%dma_wait3A_60 : memref<128x128xf32, #tpu.memory_space<vmem>>)
      tpu.yield
    }) : () -> ()
    %add3A_39 = arith.constant 384 : i32
    %add3A_40 = arith.addi %mul3A_2, %add3A_39 : i32
    "tpu.region"() ({
      %run_scoped3A = tpu.sem_alloc : memref<!tpu.dma_semaphore, #tpu.memory_space<semaphore_mem>>
      %dma_start3A = arith.constant 0 : i32
      %dma_start3A_45 = arith.constant 0 : i32
      %dma_start3A_46 = tpu.memref_slice %arg7[%dma_start3A, %dma_start3A_45] : memref<128x128xf32, #tpu.memory_space<vmem>> -> memref<128x128xf32, #tpu.memory_space<vmem>>
      %dma_start3A_47 = arith.constant 0 : i32
      %dma_start3A_48 = tpu.memref_slice %arg4[%arg0, %add3A_40, %dma_start3A_47] : memref<2x10112x128xf32, #tpu.memory_space<hbm>> -> memref<1x128x128xf32, #tpu.memory_space<hbm>>
      %dma_start3A_49 = tpu.memref_squeeze %dma_start3A_48 : memref<1x128x128xf32, #tpu.memory_space<hbm>> -> memref<128x128xf32, #tpu.memory_space<hbm>>
      %dma_start3A_50 = arith.constant 0 : i32
      %dma_start3A_51 = tpu.memref_slice %arg4[%arg0, %add3A_40, %dma_start3A_50] : memref<2x10112x128xf32, #tpu.memory_space<hbm>> -> memref<1x128x128xf32, #tpu.memory_space<hbm>>
      %dma_start3A_52 = tpu.memref_squeeze %dma_start3A_51 : memref<1x128x128xf32, #tpu.memory_space<hbm>> -> memref<128x128xf32, #tpu.memory_space<hbm>>
      %dma_start3A_53 = arith.constant 0 : i32
      %dma_start3A_54 = arith.constant 0 : i32
      %dma_start3A_55 = tpu.memref_slice %arg7[%dma_start3A_53, %dma_start3A_54] : memref<128x128xf32, #tpu.memory_space<vmem>> -> memref<128x128xf32, #tpu.memory_space<vmem>>
      tpu.enqueue_dma source(%dma_start3A_55 : memref<128x128xf32, #tpu.memory_space<vmem>>) target(%dma_start3A_52 : memref<128x128xf32, #tpu.memory_space<hbm>>) target_semaphore(%run_scoped3A : memref<!tpu.dma_semaphore, #tpu.memory_space<semaphore_mem>>)
      %dma_wait3A = arith.constant 0 : i32
      %dma_wait3A_56 = arith.constant 0 : i32
      %dma_wait3A_57 = tpu.memref_slice %arg7[%dma_wait3A, %dma_wait3A_56] : memref<128x128xf32, #tpu.memory_space<vmem>> -> memref<128x128xf32, #tpu.memory_space<vmem>>
      %dma_wait3A_58 = arith.constant 0 : i32
      %dma_wait3A_59 = tpu.memref_slice %arg4[%arg0, %add3A_40, %dma_wait3A_58] : memref<2x10112x128xf32, #tpu.memory_space<hbm>> -> memref<1x128x128xf32, #tpu.memory_space<hbm>>
      %dma_wait3A_60 = tpu.memref_squeeze %dma_wait3A_59 : memref<1x128x128xf32, #tpu.memory_space<hbm>> -> memref<128x128xf32, #tpu.memory_space<hbm>>
      %dma_wait3A_61 = arith.constant 0 : i32
      %dma_wait3A_62 = tpu.memref_slice %arg4[%arg0, %add3A_40, %dma_wait3A_61] : memref<2x10112x128xf32, #tpu.memory_space<hbm>> -> memref<1x128x128xf32, #tpu.memory_space<hbm>>
      %dma_wait3A_63 = tpu.memref_squeeze %dma_wait3A_62 : memref<1x128x128xf32, #tpu.memory_space<hbm>> -> memref<128x128xf32, #tpu.memory_space<hbm>>
      %dma_wait3A_64 = arith.constant 0 : i32
      %dma_wait3A_65 = arith.constant 0 : i32
      %dma_wait3A_66 = tpu.memref_slice %arg7[%dma_wait3A_64, %dma_wait3A_65] : memref<128x128xf32, #tpu.memory_space<vmem>> -> memref<128x128xf32, #tpu.memory_space<vmem>>
      tpu.wait_dma2 semaphore(%run_scoped3A : memref<!tpu.dma_semaphore, #tpu.memory_space<semaphore_mem>>) src(%dma_wait3A_66 : memref<128x128xf32, #tpu.memory_space<vmem>>) dst(%dma_wait3A_63 : memref<128x128xf32, #tpu.memory_space<hbm>>)
      tpu.yield
    }) : () -> ()
    %add3A_41 = arith.constant 512 : i32
    %add3A_42 = arith.addi %mul3A_2, %add3A_41 : i32
    "tpu.region"() ({
      %run_scoped3A = tpu.sem_alloc : memref<!tpu.dma_semaphore, #tpu.memory_space<semaphore_mem>>
      %dma_start3A = arith.constant 0 : i32
      %dma_start3A_45 = arith.constant 0 : i32
      %dma_start3A_46 = tpu.memref_slice %arg7[%dma_start3A, %dma_start3A_45] : memref<128x128xf32, #tpu.memory_space<vmem>> -> memref<120x128xf32, #tpu.memory_space<vmem>>
      %dma_start3A_47 = arith.constant 0 : i32
      %dma_start3A_48 = tpu.memref_slice %arg5[%add3A_42, %dma_start3A_47] : memref<10112x128xf32, #tpu.memory_space<vmem_shared>> -> memref<120x128xf32, #tpu.memory_space<vmem_shared>>
      %dma_start3A_49 = arith.constant 0 : i32
      %dma_start3A_50 = arith.constant 0 : i32
      %dma_start3A_51 = tpu.memref_slice %arg7[%dma_start3A_49, %dma_start3A_50] : memref<128x128xf32, #tpu.memory_space<vmem>> -> memref<120x128xf32, #tpu.memory_space<vmem>>
      %dma_start3A_52 = arith.constant 0 : i32
      %dma_start3A_53 = tpu.memref_slice %arg5[%add3A_42, %dma_start3A_52] : memref<10112x128xf32, #tpu.memory_space<vmem_shared>> -> memref<120x128xf32, #tpu.memory_space<vmem_shared>>
      tpu.enqueue_dma source(%dma_start3A_53 : memref<120x128xf32, #tpu.memory_space<vmem_shared>>) target(%dma_start3A_51 : memref<120x128xf32, #tpu.memory_space<vmem>>) target_semaphore(%run_scoped3A : memref<!tpu.dma_semaphore, #tpu.memory_space<semaphore_mem>>)
      %dma_wait3A = arith.constant 0 : i32
      %dma_wait3A_54 = arith.constant 0 : i32
      %dma_wait3A_55 = tpu.memref_slice %arg7[%dma_wait3A, %dma_wait3A_54] : memref<128x128xf32, #tpu.memory_space<vmem>> -> memref<120x128xf32, #tpu.memory_space<vmem>>
      %dma_wait3A_56 = arith.constant 0 : i32
      %dma_wait3A_57 = tpu.memref_slice %arg5[%add3A_42, %dma_wait3A_56] : memref<10112x128xf32, #tpu.memory_space<vmem_shared>> -> memref<120x128xf32, #tpu.memory_space<vmem_shared>>
      %dma_wait3A_58 = arith.constant 0 : i32
      %dma_wait3A_59 = arith.constant 0 : i32
      %dma_wait3A_60 = tpu.memref_slice %arg7[%dma_wait3A_58, %dma_wait3A_59] : memref<128x128xf32, #tpu.memory_space<vmem>> -> memref<120x128xf32, #tpu.memory_space<vmem>>
      %dma_wait3A_61 = arith.constant 0 : i32
      %dma_wait3A_62 = tpu.memref_slice %arg5[%add3A_42, %dma_wait3A_61] : memref<10112x128xf32, #tpu.memory_space<vmem_shared>> -> memref<120x128xf32, #tpu.memory_space<vmem_shared>>
      tpu.wait_dma2 semaphore(%run_scoped3A : memref<!tpu.dma_semaphore, #tpu.memory_space<semaphore_mem>>) src(%dma_wait3A_62 : memref<120x128xf32, #tpu.memory_space<vmem_shared>>) dst(%dma_wait3A_60 : memref<120x128xf32, #tpu.memory_space<vmem>>)
      tpu.yield
    }) : () -> ()
    %add3A_43 = arith.constant 512 : i32
    %add3A_44 = arith.addi %mul3A_2, %add3A_43 : i32
    "tpu.region"() ({
      %run_scoped3A = tpu.sem_alloc : memref<!tpu.dma_semaphore, #tpu.memory_space<semaphore_mem>>
      %dma_start3A = arith.constant 0 : i32
      %dma_start3A_45 = arith.constant 0 : i32
      %dma_start3A_46 = tpu.memref_slice %arg7[%dma_start3A, %dma_start3A_45] : memref<128x128xf32, #tpu.memory_space<vmem>> -> memref<120x128xf32, #tpu.memory_space<vmem>>
      %dma_start3A_47 = arith.constant 0 : i32
      %dma_start3A_48 = tpu.memref_slice %arg4[%arg0, %add3A_44, %dma_start3A_47] : memref<2x10112x128xf32, #tpu.memory_space<hbm>> -> memref<1x120x128xf32, #tpu.memory_space<hbm>>
      %dma_start3A_49 = tpu.memref_squeeze %dma_start3A_48 : memref<1x120x128xf32, #tpu.memory_space<hbm>> -> memref<120x128xf32, #tpu.memory_space<hbm>>
      %dma_start3A_50 = arith.constant 0 : i32
      %dma_start3A_51 = tpu.memref_slice %arg4[%arg0, %add3A_44, %dma_start3A_50] : memref<2x10112x128xf32, #tpu.memory_space<hbm>> -> memref<1x120x128xf32, #tpu.memory_space<hbm>>
      %dma_start3A_52 = tpu.memref_squeeze %dma_start3A_51 : memref<1x120x128xf32, #tpu.memory_space<hbm>> -> memref<120x128xf32, #tpu.memory_space<hbm>>
      %dma_start3A_53 = arith.constant 0 : i32
      %dma_start3A_54 = arith.constant 0 : i32
      %dma_start3A_55 = tpu.memref_slice %arg7[%dma_start3A_53, %dma_start3A_54] : memref<128x128xf32, #tpu.memory_space<vmem>> -> memref<120x128xf32, #tpu.memory_space<vmem>>
      tpu.enqueue_dma source(%dma_start3A_55 : memref<120x128xf32, #tpu.memory_space<vmem>>) target(%dma_start3A_52 : memref<120x128xf32, #tpu.memory_space<hbm>>) target_semaphore(%run_scoped3A : memref<!tpu.dma_semaphore, #tpu.memory_space<semaphore_mem>>)
      %dma_wait3A = arith.constant 0 : i32
      %dma_wait3A_56 = arith.constant 0 : i32
      %dma_wait3A_57 = tpu.memref_slice %arg7[%dma_wait3A, %dma_wait3A_56] : memref<128x128xf32, #tpu.memory_space<vmem>> -> memref<120x128xf32, #tpu.memory_space<vmem>>
      %dma_wait3A_58 = arith.constant 0 : i32
      %dma_wait3A_59 = tpu.memref_slice %arg4[%arg0, %add3A_44, %dma_wait3A_58] : memref<2x10112x128xf32, #tpu.memory_space<hbm>> -> memref<1x120x128xf32, #tpu.memory_space<hbm>>
      %dma_wait3A_60 = tpu.memref_squeeze %dma_wait3A_59 : memref<1x120x128xf32, #tpu.memory_space<hbm>> -> memref<120x128xf32, #tpu.memory_space<hbm>>
      %dma_wait3A_61 = arith.constant 0 : i32
      %dma_wait3A_62 = tpu.memref_slice %arg4[%arg0, %add3A_44, %dma_wait3A_61] : memref<2x10112x128xf32, #tpu.memory_space<hbm>> -> memref<1x120x128xf32, #tpu.memory_space<hbm>>
      %dma_wait3A_63 = tpu.memref_squeeze %dma_wait3A_62 : memref<1x120x128xf32, #tpu.memory_space<hbm>> -> memref<120x128xf32, #tpu.memory_space<hbm>>
      %dma_wait3A_64 = arith.constant 0 : i32
      %dma_wait3A_65 = arith.constant 0 : i32
      %dma_wait3A_66 = tpu.memref_slice %arg7[%dma_wait3A_64, %dma_wait3A_65] : memref<128x128xf32, #tpu.memory_space<vmem>> -> memref<120x128xf32, #tpu.memory_space<vmem>>
      tpu.wait_dma2 semaphore(%run_scoped3A : memref<!tpu.dma_semaphore, #tpu.memory_space<semaphore_mem>>) src(%dma_wait3A_66 : memref<120x128xf32, #tpu.memory_space<vmem>>) dst(%dma_wait3A_63 : memref<120x128xf32, #tpu.memory_space<hbm>>)
      tpu.yield
    }) : () -> ()
    return
  }
}

module attributes {stable_mosaic.version = 14 : i64} {
  func.func @_mm_body(%arg0: i32, %arg1: memref<1264x128xf32, #tpu.memory_space<vmem>>, %arg2: memref<128x128xf32, #tpu.memory_space<vmem>>, %arg3: memref<1264x128xf32, #tpu.memory_space<vmem>>) attributes {dimension_semantics = [#tpu.dimension_semantics<arbitrary>], iteration_bounds = array<i64: 8>, scalar_prefetch = 0 : i64, scratch_operands = 0 : i64, tpu.core_type = #tpu.core_type<tc>, window_params = [{transform_indices = @transform_0, window_bounds = array<i64: 1264, 128>}, {pipeline_mode = #tpu.pipeline_mode<synchronous>, transform_indices = @transform_1, window_bounds = array<i64: 128, 128>}, {transform_indices = @transform_2, window_bounds = array<i64: 1264, 128>}]} {
    %get3A = arith.constant 0 : index
    %get3A_0 = arith.constant 0 : index
    %get3A_1 = vector.load %arg1[%get3A, %get3A_0] : memref<1264x128xf32, #tpu.memory_space<vmem>>, vector<1264x128xf32>
    %get3A_2 = arith.constant 0 : index
    %get3A_3 = arith.constant 0 : index
    %get3A_4 = vector.load %arg2[%get3A_2, %get3A_3] : memref<128x128xf32, #tpu.memory_space<vmem>>, vector<128x128xf32>
    %dot_general3A = arith.constant dense<0.000000e+00> : vector<1264x128xf32>
    %dot_general3A_5 = tpu.matmul %get3A_1, %get3A_4, %dot_general3A {dimension_numbers = #tpu.dot_dimension_numbers<[1], [0], [0], [1], [0, 0, 1, 1], [], []>, transpose_lhs_hint = false} : vector<1264x128xf32>, vector<128x128xf32>, vector<1264x128xf32> -> vector<1264x128xf32>
    %swap3A = arith.constant 0 : index
    %swap3A_6 = arith.constant 0 : index
    %swap3A_7 = vector.load %arg3[%swap3A, %swap3A_6] : memref<1264x128xf32, #tpu.memory_space<vmem>>, vector<1264x128xf32>
    tpu.vector_store %arg3[%swap3A, %swap3A_6], %dot_general3A_5 {strides = array<i32>} : memref<1264x128xf32, #tpu.memory_space<vmem>>, vector<1264x128xf32>,
    return
  }
  func.func @transform_0(%arg0: i32) -> (i32, i32) {
    %c0_i32 = arith.constant 0 : i32
    %c0_i32_0 = arith.constant 0 : i32
    return %arg0, %c0_i32 : i32, i32
  }
  func.func @transform_1(%arg0: i32) -> (i32, i32) {
    %c0_i32 = arith.constant 0 : i32
    %c0_i32_0 = arith.constant 0 : i32
    %c0_i32_1 = arith.constant 0 : i32
    return %c0_i32, %c0_i32_0 : i32, i32
  }
  func.func @transform_2(%arg0: i32) -> (i32, i32) {
    %c0_i32 = arith.constant 0 : i32
    %c0_i32_0 = arith.constant 0 : i32
    return %arg0, %c0_i32 : i32, i32
  }
}

module attributes {stable_mosaic.version = 14 : i64} {
  func.func @_norm_relu_mm_body(%arg0: i32, %arg1: memref<1264x128xf32, #tpu.memory_space<vmem>>, %arg2: memref<1264x128xf32, #tpu.memory_space<vmem>>, %arg3: memref<1264x16xf32, #tpu.memory_space<vmem>>, %arg4: memref<1264x16xf32, #tpu.memory_space<vmem>>, %arg5: memref<128x128xf32, #tpu.memory_space<vmem>>, %arg6: memref<1264x128xf32, #tpu.memory_space<vmem>>) attributes {dimension_semantics = [#tpu.dimension_semantics<arbitrary>], iteration_bounds = array<i64: 8>, scalar_prefetch = 0 : i64, scratch_operands = 0 : i64, tpu.core_type = #tpu.core_type<tc>, window_params = [{transform_indices = @transform_0, window_bounds = array<i64: 1264, 128>}, {transform_indices = @transform_1, window_bounds = array<i64: 1264, 128>}, {transform_indices = @transform_2, window_bounds = array<i64: 1264, 16>}, {transform_indices = @transform_3, window_bounds = array<i64: 1264, 16>}, {pipeline_mode = #tpu.pipeline_mode<synchronous>, transform_indices = @transform_4, window_bounds = array<i64: 128, 128>}, {transform_indices = @transform_5, window_bounds = array<i64: 1264, 128>}]} {
    %get3A = arith.constant 0 : index
    %get3A_0 = arith.constant 0 : index
    %get3A_1 = vector.load %arg1[%get3A, %get3A_0] : memref<1264x128xf32, #tpu.memory_space<vmem>>, vector<1264x128xf32>
    %get3A_2 = arith.constant 0 : index
    %get3A_3 = arith.constant 0 : index
    %get3A_4 = vector.load %arg2[%get3A_2, %get3A_3] : memref<1264x128xf32, #tpu.memory_space<vmem>>, vector<1264x128xf32>
    %add3A = arith.addf %get3A_1, %get3A_4 : vector<1264x128xf32>
    %get3A_5 = arith.constant 0 : index
    %get3A_6 = arith.constant 0 : index
    %get3A_7 = vector.load %arg3[%get3A_5, %get3A_6] : memref<1264x16xf32, #tpu.memory_space<vmem>>, vector<1264x16xf32>
    %slice3A = vector.extract_strided_slice %get3A_7 {offsets = [0, 0], sizes = [1264, 1], strides = [1, 1]} : vector<1264x16xf32> to vector<1264x1xf32>
    %get3A_8 = arith.constant 0 : index
    %get3A_9 = arith.constant 0 : index
    %get3A_10 = vector.load %arg4[%get3A_8, %get3A_9] : memref<1264x16xf32, #tpu.memory_space<vmem>>, vector<1264x16xf32>
    %slice3A_11 = vector.extract_strided_slice %get3A_10 {offsets = [0, 0], sizes = [1264, 1], strides = [1, 1]} : vector<1264x16xf32> to vector<1264x1xf32>
    %add3A_12 = arith.addf %slice3A, %slice3A_11 : vector<1264x1xf32>
    %max3A = arith.constant 1.000000e+00 : f32
    %max3A_13 = vector.broadcast %max3A : f32 to vector<1264x1xf32>
    %max3A_14 = arith.maximumf %add3A_12, %max3A_13 : vector<1264x1xf32>
    %div3A = vector.broadcast %max3A_14 : vector<1264x1xf32> to vector<1264x128xf32>
    %div3A_15 = arith.divf %add3A, %div3A : vector<1264x128xf32>
    %max3A_16 = arith.constant 0.000000e+00 : f32
    %max3A_17 = vector.broadcast %max3A_16 : f32 to vector<1264x128xf32>
    %max3A_18 = arith.maximumf %div3A_15, %max3A_17 : vector<1264x128xf32>
    %get3A_19 = arith.constant 0 : index
    %get3A_20 = arith.constant 0 : index
    %get3A_21 = vector.load %arg5[%get3A_19, %get3A_20] : memref<128x128xf32, #tpu.memory_space<vmem>>, vector<128x128xf32>
    %dot_general3A = arith.constant dense<0.000000e+00> : vector<1264x128xf32>
    %dot_general3A_22 = tpu.matmul %max3A_18, %get3A_21, %dot_general3A {dimension_numbers = #tpu.dot_dimension_numbers<[1], [0], [0], [1], [0, 0, 1, 1], [], []>, transpose_lhs_hint = false} : vector<1264x128xf32>, vector<128x128xf32>, vector<1264x128xf32> -> vector<1264x128xf32>
    %swap3A = arith.constant 0 : index
    %swap3A_23 = arith.constant 0 : index
    %swap3A_24 = vector.load %arg6[%swap3A, %swap3A_23] : memref<1264x128xf32, #tpu.memory_space<vmem>>, vector<1264x128xf32>
    tpu.vector_store %arg6[%swap3A, %swap3A_23], %dot_general3A_22 {strides = array<i32>} : memref<1264x128xf32, #tpu.memory_space<vmem>>, vector<1264x128xf32>,
    return
  }
  func.func @transform_0(%arg0: i32) -> (i32, i32) {
    %c0_i32 = arith.constant 0 : i32
    %c0_i32_0 = arith.constant 0 : i32
    return %arg0, %c0_i32 : i32, i32
  }
  func.func @transform_1(%arg0: i32) -> (i32, i32) {
    %c0_i32 = arith.constant 0 : i32
    %c0_i32_0 = arith.constant 0 : i32
    return %arg0, %c0_i32 : i32, i32
  }
  func.func @transform_2(%arg0: i32) -> (i32, i32) {
    %c0_i32 = arith.constant 0 : i32
    %c0_i32_0 = arith.constant 0 : i32
    return %arg0, %c0_i32 : i32, i32
  }
  func.func @transform_3(%arg0: i32) -> (i32, i32) {
    %c0_i32 = arith.constant 0 : i32
    %c0_i32_0 = arith.constant 0 : i32
    return %arg0, %c0_i32 : i32, i32
  }
  func.func @transform_4(%arg0: i32) -> (i32, i32) {
    %c0_i32 = arith.constant 0 : i32
    %c0_i32_0 = arith.constant 0 : i32
    %c0_i32_1 = arith.constant 0 : i32
    return %c0_i32, %c0_i32_0 : i32, i32
  }
  func.func @transform_5(%arg0: i32) -> (i32, i32) {
    %c0_i32 = arith.constant 0 : i32
    %c0_i32_0 = arith.constant 0 : i32
    return %arg0, %c0_i32 : i32, i32
  }
}

module attributes {stable_mosaic.version = 14 : i64} {
  func.func @_norm_relu_body(%arg0: i32, %arg1: memref<1264x128xf32, #tpu.memory_space<vmem>>, %arg2: memref<1264x128xf32, #tpu.memory_space<vmem>>, %arg3: memref<1264x16xf32, #tpu.memory_space<vmem>>, %arg4: memref<1264x16xf32, #tpu.memory_space<vmem>>, %arg5: memref<1264x128xf32, #tpu.memory_space<vmem>>) attributes {dimension_semantics = [#tpu.dimension_semantics<arbitrary>], iteration_bounds = array<i64: 8>, scalar_prefetch = 0 : i64, scratch_operands = 0 : i64, tpu.core_type = #tpu.core_type<tc>, window_params = [{transform_indices = @transform_0, window_bounds = array<i64: 1264, 128>}, {transform_indices = @transform_1, window_bounds = array<i64: 1264, 128>}, {transform_indices = @transform_2, window_bounds = array<i64: 1264, 16>}, {transform_indices = @transform_3, window_bounds = array<i64: 1264, 16>}, {transform_indices = @transform_4, window_bounds = array<i64: 1264, 128>}]} {
    %get3A = arith.constant 0 : index
    %get3A_0 = arith.constant 0 : index
    %get3A_1 = vector.load %arg1[%get3A, %get3A_0] : memref<1264x128xf32, #tpu.memory_space<vmem>>, vector<1264x128xf32>
    %get3A_2 = arith.constant 0 : index
    %get3A_3 = arith.constant 0 : index
    %get3A_4 = vector.load %arg2[%get3A_2, %get3A_3] : memref<1264x128xf32, #tpu.memory_space<vmem>>, vector<1264x128xf32>
    %add3A = arith.addf %get3A_1, %get3A_4 : vector<1264x128xf32>
    %get3A_5 = arith.constant 0 : index
    %get3A_6 = arith.constant 0 : index
    %get3A_7 = vector.load %arg3[%get3A_5, %get3A_6] : memref<1264x16xf32, #tpu.memory_space<vmem>>, vector<1264x16xf32>
    %slice3A = vector.extract_strided_slice %get3A_7 {offsets = [0, 0], sizes = [1264, 1], strides = [1, 1]} : vector<1264x16xf32> to vector<1264x1xf32>
    %get3A_8 = arith.constant 0 : index
    %get3A_9 = arith.constant 0 : index
    %get3A_10 = vector.load %arg4[%get3A_8, %get3A_9] : memref<1264x16xf32, #tpu.memory_space<vmem>>, vector<1264x16xf32>
    %slice3A_11 = vector.extract_strided_slice %get3A_10 {offsets = [0, 0], sizes = [1264, 1], strides = [1, 1]} : vector<1264x16xf32> to vector<1264x1xf32>
    %add3A_12 = arith.addf %slice3A, %slice3A_11 : vector<1264x1xf32>
    %max3A = arith.constant 1.000000e+00 : f32
    %max3A_13 = vector.broadcast %max3A : f32 to vector<1264x1xf32>
    %max3A_14 = arith.maximumf %add3A_12, %max3A_13 : vector<1264x1xf32>
    %div3A = vector.broadcast %max3A_14 : vector<1264x1xf32> to vector<1264x128xf32>
    %div3A_15 = arith.divf %add3A, %div3A : vector<1264x128xf32>
    %max3A_16 = arith.constant 0.000000e+00 : f32
    %max3A_17 = vector.broadcast %max3A_16 : f32 to vector<1264x128xf32>
    %max3A_18 = arith.maximumf %div3A_15, %max3A_17 : vector<1264x128xf32>
    %swap3A = arith.constant 0 : index
    %swap3A_19 = arith.constant 0 : index
    %swap3A_20 = vector.load %arg5[%swap3A, %swap3A_19] : memref<1264x128xf32, #tpu.memory_space<vmem>>, vector<1264x128xf32>
    tpu.vector_store %arg5[%swap3A, %swap3A_19], %max3A_18 {strides = array<i32>} : memref<1264x128xf32, #tpu.memory_space<vmem>>, vector<1264x128xf32>,
    return
  }
  func.func @transform_0(%arg0: i32) -> (i32, i32) {
    %c0_i32 = arith.constant 0 : i32
    %c0_i32_0 = arith.constant 0 : i32
    return %arg0, %c0_i32 : i32, i32
  }
  func.func @transform_1(%arg0: i32) -> (i32, i32) {
    %c0_i32 = arith.constant 0 : i32
    %c0_i32_0 = arith.constant 0 : i32
    return %arg0, %c0_i32 : i32, i32
  }
  func.func @transform_2(%arg0: i32) -> (i32, i32) {
    %c0_i32 = arith.constant 0 : i32
    %c0_i32_0 = arith.constant 0 : i32
    return %arg0, %c0_i32 : i32, i32
  }
  func.func @transform_3(%arg0: i32) -> (i32, i32) {
    %c0_i32 = arith.constant 0 : i32
    %c0_i32_0 = arith.constant 0 : i32
    return %arg0, %c0_i32 : i32, i32
  }
  func.func @transform_4(%arg0: i32) -> (i32, i32) {
    %c0_i32 = arith.constant 0 : i32
    %c0_i32_0 = arith.constant 0 : i32
    return %arg0, %c0_i32 : i32, i32
  }
}

</mosaic_0001>

<sc_bundles>
// kernel: kernel.10.cloned.1.call-start
scs
__scs_entry_jumppad:
0x0: {  	(pc) =	sbr.rel $0x88, $3  }
0x1: {  	(tag) =	ssettag $0x0;
	lr =	simm.s32 $0x1  }
0x2: {  	[smem:$0x3F9D] =	sst lr;
	_ =	strace $0xD0000000  }
0x3: {  	_ = 	snop  }
0x4: {  	_ = 	snop  }
0x5: {  	_ = 	snop  }
0x6: {  	_ = 	snop  }
0x7: {  	_ = 	snop  }
__scs_overlays_trampoline_lowered:
0x8: {  	[smem:$0x3FAC] =	sst s0  }
0x9: {  	[smem:$0x3FAD] =	sst s1  }
0xa: {  	[smem:$0x3FAE] =	sst s2  }
0xb: {  	[smem:$0x3FAF] =	sst s3  }
0xc: {  	[smem:$0x3FB0] =	sst s4  }
0xd: {  	[smem:$0x3FB1] =	sst s5  }
0xe: {  	[smem:$0x3FB2] =	sst s6  }
0xf: {  	[smem:$0x3FB3] =	sst s7  }
0x10: {  	[smem:$0x3FB4] =	sst s8  }
0x11: {  	[smem:$0x3FB5] =	sst s9;
	s0 =	simm.s32 @!p0 $0x0  }
0x12: {  	s1 =	sld [smem:$0x3F9B];
	s0 =	simm.s32 @p0 $0x1  }
0x13: {  	[smem:$0x3FB6] =	sst s0;
	s0 =	simm.s32 @!p1 $0x0  }
0x14: {  	s2 =	sld [smem:$0x3F9A];
	s0 =	simm.s32 @p1 $0x1  }
0x15: {  	[smem:$0x3FB7] =	sst s0;
	s0 =	simm.s32 @!p2 $0x0  }
0x16: {  	s3 =	sld [smem:$0x3FDB];
	s0 =	simm.s32 @p2 $0x1  }
0x17: {  	s4 =	simm.s32 $0x1BF5;
	[smem:$0x3FB9] =	sst s0  }
0x18: {  	s0 =	sld [smem:$0x3F9C];
	_ =	swait.ge [sflag:s4], $0x0  }
0x19: {  	s7 =	sld [smem:$0x3F9D]  }
0x1a: {  	s8 =	sadd.s32 $0xFFFFE003, lr  }
0x1b: {  	s9 =	sadd.s32 $0xFFFFFEF7, lr;
	s5 =	simm.s32 $0xFFFFFFFF;
	p2 =	slt.u32 s8, $0xFFFFF086  }
0x1c: {  	p1 =	slt.u32 s9, $0xF7A;
	s5 =	simm.s32 @!p2 $0x0  }
0x1d: {  	s5 =	simm.s32 @p1 $0x1;
	p0 =	seq.s32 s7, s2  }
0x1e: {  	s7 =	smul.u32 @!p0 $0xF7A, s2;
	p2 =	seq.s32 @!p0 s5, $0x0  }
0x1f: {  	s9 =	smul.u32 $0xF7A, s1;
	s8 =	simm.s32 @!p0 $0x1BF5;
	p2 =	por !p2, p0  }
0x20: {  	[sflag:s8] =	ssyncset.s32 @!p0 $0xFFFFF086;
	s6 =	sadd.s32 @!p0 s3, s7;
	s7 =	simm.s32 @!p0 $0x108  }
0x21: {  	s3 =	sadd.s32 s3, s9;
	s6 =	sadd.s32 @!p0 $0x88, s6;
	s7 =	simm.s32 @p2 $0x1082  }
0x22: {  	[simem:s7], [sflag:s8] =	dma.local @!p0 [hbm:s6], $0xF7A  }
0x23: {  	s9 =	sor.u32 $0xD0000000, s2;
	s6 =	simm.s32 $0x108;
	_ =	swait.ge @!p0 [sflag:s8], $0x0  }
0x24: {  	s3 =	sadd.s32 $0x88, s3;
	s6 =	simm.s32 @!p1 $0x1082;
	[sflag:s4] =	ssyncset.s32 $0xFFFFF086  }
0x25: {  	[simem:s6], [sflag:s4] =	dma.local [hbm:s3], $0xF7A  }
0x26: {  	[smem:$0x3F9D] =	sst s1;
	(tag) =	ssettag s2;
	_ =	strace s9  }
0x27: {  	s1 =	sld [smem:$0x3FAD]  }
0x28: {  	s2 =	sld [smem:$0x3FAE]  }
0x29: {  	s4 =	sld [smem:$0x3FB0]  }
0x2a: {  	p0 =	seq.s32 s5, $0x0;
	s5 =	sld [smem:$0x3FB1]  }
0x2b: {  	s6 =	sld [smem:$0x3FB2]  }
0x2c: {  	s7 =	sld [smem:$0x3FB3]  }
0x2d: {  	s3 =	simm.s32 $0x108;
	s8 =	sld [smem:$0x3FB4]  }
0x2e: {  	s3 =	simm.s32 @!p0 $0x1082;
	s9 =	sld [smem:$0x3FB5]  }
0x2f: {  	lr =	sadd.s32 s0, s3;
	s0 =	sld [smem:$0x3FAC]  }
0x30: {  	s3 =	sld [smem:$0x3FAF]  }
0x31: {  	[smem:$0x3FB8] =	sst s10  }
0x32: {  	s10 =	sld [smem:$0x3FB6];
	_ =	sdelay $0x3  }
0x33: {  	p0 =	seq.s32 s10, $0x1;
	s10 =	sld [smem:$0x3FB8];
	_ =	sdelay $0x3  }
0x34: {  	[smem:$0x3FB8] =	sst s10  }
0x35: {  	s10 =	sld [smem:$0x3FB7];
	_ =	sdelay $0x3  }
0x36: {  	p1 =	seq.s32 s10, $0x1;
	s10 =	sld [smem:$0x3FB8];
	_ =	sdelay $0x3  }
0x37: {  	[smem:$0x3FB8] =	sst s10  }
0x38: {  	s10 =	sld [smem:$0x3FB9]  }
0x39: {  	_ = 	snop;
	(pc) =	sbr.ind lr, $3  }
0x3a: {  	_ = 	snop  }
0x3b: {  	_ = 	snop  }
0x3c: {  	p2 =	seq.s32 s10, $0x1;
	s10 =	sld [smem:$0x3FB8]  }
0x3d: {  	_ =	shalt  }
0x3e: {  	_ =	shalt  }
0x3f: {  	_ =	shalt  }
0x40: {  	_ =	shalt  }
0x41: {  	_ =	shalt  }
0x42: {  	_ =	shalt  }
0x43: {  	_ =	shalt  }
0x44: {  	_ =	shalt  }
0x45: {  	_ =	shalt  }
0x46: {  	_ =	shalt  }
0x47: {  	_ =	shalt  }
0x48: {  	_ =	shalt  }
0x49: {  	_ =	shalt  }
0x4a: {  	_ =	shalt  }
0x4b: {  	_ =	shalt  }
0x4c: {  	_ =	shalt  }
0x4d: {  	_ =	shalt  }
0x4e: {  	_ =	shalt  }
0x4f: {  	_ =	shalt  }
0x50: {  	_ =	shalt  }
0x51: {  	_ =	shalt  }
0x52: {  	_ =	shalt  }
0x53: {  	_ =	shalt  }
0x54: {  	_ =	shalt  }
0x55: {  	_ =	shalt  }
0x56: {  	_ =	shalt  }
0x57: {  	_ =	shalt  }
0x58: {  	_ =	shalt  }
0x59: {  	_ =	shalt  }
0x5a: {  	_ =	shalt  }
0x5b: {  	_ =	shalt  }
0x5c: {  	_ =	shalt  }
0x5d: {  	_ =	shalt  }
0x5e: {  	_ =	shalt  }
0x5f: {  	_ =	shalt  }
0x60: {  	_ =	shalt  }
0x61: {  	_ =	shalt  }
0x62: {  	_ =	shalt  }
0x63: {  	_ =	shalt  }
0x64: {  	_ =	shalt  }
0x65: {  	_ =	shalt  }
0x66: {  	_ =	shalt  }
0x67: {  	_ =	shalt  }
0x68: {  	_ =	shalt  }
0x69: {  	_ =	shalt  }
0x6a: {  	_ =	shalt  }
0x6b: {  	_ =	shalt  }
0x6c: {  	_ =	shalt  }
0x6d: {  	_ =	shalt  }
0x6e: {  	_ =	shalt  }
0x6f: {  	_ =	shalt  }
0x70: {  	_ =	shalt  }
0x71: {  	_ =	shalt  }
0x72: {  	_ =	shalt  }
0x73: {  	_ =	shalt  }
0x74: {  	_ =	shalt  }
0x75: {  	_ =	shalt  }
0x76: {  	_ =	shalt  }
0x77: {  	_ =	shalt  }
0x78: {  	_ =	shalt  }
0x79: {  	_ =	shalt  }
0x7a: {  	_ =	shalt  }
0x7b: {  	_ =	shalt  }
0x7c: {  	_ =	shalt  }
0x7d: {  	_ =	shalt  }
0x7e: {  	_ =	shalt  }
0x7f: {  	_ =	shalt  }
0x80: {  	_ =	shalt  }
0x81: {  	_ =	shalt  }
0x82: {  	_ =	shalt  }
0x83: {  	_ =	shalt  }
0x84: {  	_ =	shalt  }
0x85: {  	_ =	shalt  }
0x86: {  	_ =	shalt  }
0x87: {  	_ =	shalt  }
.Lfunc_end0:
.L_simem_size_0:
called_computation.1_lowered:
.L_overlay_start_0:
0x88: {  	s2 =	sld [smem:$0x3FD9]  }
0x89: {  	s3 =	sld [smem:$0x3FFE];
	_ =	sdelay $0x1  }
0x8a: {  	s1 =	srdreg.scid  }
0x8b: {  	s0 =	sand.u32 $0x1, s1  }
0x8c: {  	s17 =	sshll.u32 s0, $0xA;
	s2 =	sadd.s32 s3, s2  }
0x8d: {  	s2 =	sadd.s32 s2, s17  }
0x8e: {  	[smem:$0x3FC4] =	sst s2  }
0x8f: {  	_ = 	snop  }
0x90: {  	s2 =	sld [smem:$0x3FD0];
	(tm) =	ssettm $0x1  }
0x91: {  	s18 =	sld [smem:$0x3FFB];
	_ =	sdelay $0x3  }
0x92: {  	_ =	strace s18  }
0x93: {  	s3 =	sld [smem:$0x3FFC];
	_ =	sdelay $0x3  }
0x94: {  	_ =	strace s3  }
0x95: {  	s3 =	sld [smem:$0x3FFD];
	_ =	sdelay $0x3  }
0x96: {  	_ =	strace s3  }
0x97: {  	_ =	strace $0x8FFFFFFF  }
0x98: {  	s19 =	sld [smem:$0x3FDB];
	_ =	sdelay $0x1  }
0x99: {  	s4 =	simm.s32 $_scs_section_size  }
0x9a: {  	s5 =	simm.s32 $_size__tile_overlayer_lowered;
	s6 =	simm.s32 $_tile_overlayer_lowered  }
0x9b: {  	s22 =	simm.s32 $0x1BFF;
	s21 =	sshll.u32 s6, $0x1;
	s3 =	sadd.s32 s4, s19  }
0x9c: {  	s7 =	simm.s32 $0x0;
	s20 =	sshll.u32 s5, $0x1;
	s5 =	sadd.s32 s21, s3  }
0x9d: {  	[timem:s7], [sflag:s22] =	dma.local [hbm:s5], s20  }
0x9e: {  	_ =	swait.ge [sflag:s22], s20  }
0x9f: {  	s4 =	ssub.s32 $0x0, s20;
	[sflag:s22] =	ssyncset.done $0x0  }
0xa0: {  	[sflag:s22] =	ssyncadd.s32 s4;
	_ =	sdelay $0x1  }
0xa1: {  	s23 =	simm.s32 $0x1B8B  }
0xa2: {  	_ =	swait.ge [sflag:s23], $0x1  }
0xa3: {  	[sflag:s23] =	ssyncset.done $0x0  }
0xa4: {  	s25 =	simm.s32 $0x1B8E;
	s24 =	sld [smem:$0x3FFE];
	[sflag:s23] =	ssyncadd.s32 $0xFFFFFFFF  }
0xa5: {  	s26 =	simm.s32 $execute0_lowered;
	[smem:$0x3FD2] =	sst s25  }
0xa6: {  	s5 =	sshll.u32 s26, $0x1;
	_ =	strace $0x80000049;
	[dreg:$0x1] =	wrdreg $0xFFFFFFFF  }
0xa7: {  	s28 =	simm.s32 $_size_execute0_lowered;
	s3 =	sadd.s32 s3, s5;
	[dreg:$0x0] =	wrdreg $0x0  }
0xa8: {  	s5 =	sshll.u32 s28, $0x1;
	[dreg:$0x2] =	wrdreg s3  }
0xa9: {  	[dreg:$0x3] =	wrdreg s5  }
0xaa: {  	[dreg:$0x4] =	wrdreg $0xC0  }
0xab: {  	_ =	task [dreg:s7], $0x5FFFF  }
0xac: {  	[dreg:$0x1] =	wrdreg $0xFFFFFFFF  }
0xad: {  	[dreg:$0x0] =	wrdreg $0x60  }
0xae: {  	[dreg:$0x2] =	wrdreg s24  }
0xaf: {  	[dreg:$0x3] =	wrdreg s2  }
0xb0: {  	[dreg:$0x4] =	wrdreg $0x0  }
0xb1: {  	[dreg:$0x5] =	wrdreg $0x9  }
0xb2: {  	_ =	task.clear_ibuf [dreg:s7], $0x6FFFF;
	_ =	strace $0x90000049  }
0xb3: {  	s29 =	simm.s32 $0x9;
	_ =	strace $0x8000004B  }
0xb4: {  	_ =	swait.ge [sflag:s29], $0x1  }
0xb5: {  	[sflag:s29] =	ssyncadd.s32 $0xFFFFFFFF  }
0xb6: {  	_ =	strace $0x9000004B  }
0xb7: {  	_ =	sfence  }
0xb8: {  	s30 =	sld [smem:$0x0];
	_ =	sdelay $0x2  }
0xb9: {  	s31 =	sshll.u32 s1, $0xD;
	s1 =	sshrl.u32 s1, $0x2  }
0xba: {  	s3 =	sand.u32 $0x4000, s31;
	s1 =	sadd.s32 s1, s30  }
0xbb: {  	s0 =	sor.u32 s3, s0;
	s1 =	sshll.u32 s1, $0x11  }
0xbc: {  	s0 =	sor.u32 s1, s0  }
0xbd: {  	s0 =	sadd.s32 $0x8F2B, s0  }
0xbe: {  	[sflag:s0] =	ssyncadd.remote.s32 $0x1  }
0xbf: {  	_ =	sfence.sel $0xFFFF  }
0xc0: {  	[dreg:$0x0] =	wrdreg $0xFFFFFFFF;
	(pc) =	sbr.abs _section_cstart, $3  }
0xc1: {  	[dreg:$0x1] =	wrdreg $0xFFFFFFFF  }
0xc2: {  	_ =	task.clear_ibuf [dreg:s7], $0x2FFFF;
	_ =	strace $0x9FFFFFFF  }
0xc3: {  	(tm) =	ssettm $0x7FFFFFFF  }
tec
execute0_lowered:
.L_overlay_start_1:
0x0: {  	(tag) =	ssettag $0x1  }
0x1: {  	s5 =	rddreg [dreg:$0x0]  }
0x2: {  	s14 =	rddreg [dreg:$0x1]  }
0x3: {  	s2 =	rddreg [dreg:$0x2]  }
0x4: {  	s0 =	rddreg [dreg:$0x3]  }
0x5: {  	s3 =	simm.s32 $0x0;
	s4 =	srdreg.scid;
	s1 =	stileid.u32  }
0x6: {  	s21 =	simm.s32 $0x13C80;
	s22 =	simm.s32 $0x0;
	s10 =	smul.u32 $0x13C00, s1  }
0x7: {  	[smem:$0x7FF] =	sst s3;
	s13 =	sand.u32 $0x1, s4;
	s20 =	smul.u32 $0x1400, s1  }
0x8: {  	s4 =	sadd.s32 $0x29400, s5;
	s15 =	sadd.s32 $0x50C00, s5;
	s18 =	smul.u32 $0x13C000, s13  }
0x9: {  	_ =	strace $0x8000004A;
	s6 =	ssub.s32 $0x2, s13;
	s29 =	smul.u32 $0xA00, s13  }
0xa: {  	s28 =	sshrl.u32 s6, $0x1;
	s11 =	sadd.s32 $0x4000, s10;
	s5 =	sadd.s32 s10, s2  }
0xb: {  	s12 =	sadd.s32 $0x8000, s10;
	s17 =	sadd.s32 $0xC000, s10;
	s19 =	sadd.s32 $0x10000, s10  }
0xc: {  	s31 =	sadd.s32 s20, s14;
	s20 =	simm.s32 $0x80;
	s16 =	ssub.s32 s6, s28  }
0xd: {  	s6 =	sadd.s32 s11, s2;
	s7 =	sadd.s32 s12, s2;
	s8 =	sadd.s32 s17, s2  }
0xe: {  	s9 =	sadd.s32 s19, s2;
	s10 =	sadd.s32 s10, s18;
	s11 =	sadd.s32 s18, s11  }
0xf: {  	s12 =	sadd.s32 s18, s12;
	s17 =	sadd.s32 s18, s17;
	s18 =	sadd.s32 s18, s19  }
0x10: {  	s19 =	simm.s32 $0x13C00;
	s10 =	sshrl.u32 s10, $0x3;
	s11 =	sshrl.u32 s11, $0x3  }
0x11: {  	s12 =	sshrl.u32 s12, $0x3;
	s17 =	sshrl.u32 s17, $0x3;
	s30 =	sshrl.u32 s18, $0x3  }
0x12: {  	s18 =	simm.s32 $0x1;
	s10 =	sadd.s32 s15, s10;
	s11 =	sadd.s32 s15, s11  }
0x13: {  	s12 =	sadd.s32 s15, s12;
	s13 =	sadd.s32 s15, s17;
	s14 =	sadd.s32 s15, s30  }
0x14: {  	v0 =	vimm.f32 $0.0e+00;
	s15 =	smax.u32 s16, $0x1;
	s16 =	sadd.s32 s29, s31;
	s17 =	simm.s32 $0x13D00  }
.LBB2_1:
0x15: {  	s23 =	simm.s32 $0x0;
	s24 =	simm.s32 $0x200  }
.LBB2_2:
0x16: {  	p0 =	sne.s32 s24, $0xFE00;
	[tilespmem:s23+$0x13D70] =	vst v0  }
0x17: {  	[tilespmem:s23+$0x13D00] =	vst v0  }
0x18: {  	[tilespmem:s23+$0x13D10] =	vst v0  }
.Ltmp0:
0x19: {  	[tilespmem:s23+$0x13D20] =	vst v0;
	(pc) =	sbr.rel @p0 .LBB2_2-.Ltmp0, $4  }
0x1a: {  	[tilespmem:s23+$0x13D30] =	vst v0  }
0x1b: {  	[tilespmem:s23+$0x13D40] =	vst v0  }
0x1c: {  	[tilespmem:s23+$0x13D50] =	vst v0  }
0x1d: {  	[tilespmem:s23+$0x13D60] =	vst v0;
	s23 =	sshra.s32 s24, $0x2;
	s24 =	sadd.s32 $0x200, s24  }
0x1e: {  	[tilespmem:s23+$0x13D70] =	vst v0  }
0x1f: {  	[tilespmem:s23+$0x13D00] =	vst v0  }
0x20: {  	[tilespmem:s23+$0x13D10] =	vst v0  }
0x21: {  	[tilespmem:s23+$0x13D20] =	vst v0  }
0x22: {  	[tilespmem:s23+$0x13D30] =	vst v0  }
0x23: {  	[tilespmem:s23+$0x13D40] =	vst v0  }
0x24: {  	[tilespmem:s23+$0x13D50] =	vst v0  }
0x25: {  	[tilespmem:s23+$0x13D60] =	vst v0  }
0x26: {  	[spmem:s5] =	stream.linear.scatter [tilespmem:s17], [sflag:$0x1], $0x4000, $0x38;
	[tilespmem:$0x17D00] =	vst v63  }
0x27: {  	_ =	swait.ge [sflag:s18], $0x4000  }
0x28: {  	[sflag:s18] =	ssyncset.done $0x0  }
0x29: {  	[sflag:s18] =	ssyncadd.s32 $0xFFFFC000  }
0x2a: {  	[spmem:s6] =	stream.linear.scatter [tilespmem:s17], [sflag:$0x1], $0x4000, $0x38;
	[tilespmem:$0x17D00] =	vst v63  }
0x2b: {  	_ =	swait.ge [sflag:s18], $0x4000  }
0x2c: {  	[sflag:s18] =	ssyncset.done $0x0  }
0x2d: {  	[sflag:s18] =	ssyncadd.s32 $0xFFFFC000  }
0x2e: {  	[spmem:s7] =	stream.linear.scatter [tilespmem:s17], [sflag:$0x1], $0x4000, $0x38;
	[tilespmem:$0x17D00] =	vst v63  }
0x2f: {  	_ =	swait.ge [sflag:s18], $0x4000  }
0x30: {  	[sflag:s18] =	ssyncset.done $0x0  }
0x31: {  	[sflag:s18] =	ssyncadd.s32 $0xFFFFC000  }
0x32: {  	[spmem:s8] =	stream.linear.scatter [tilespmem:s17], [sflag:$0x1], $0x4000, $0x38;
	[tilespmem:$0x17D00] =	vst v63  }
0x33: {  	_ =	swait.ge [sflag:s18], $0x4000  }
0x34: {  	[sflag:s18] =	ssyncset.done $0x0  }
0x35: {  	[sflag:s18] =	ssyncadd.s32 $0xFFFFC000  }
0x36: {  	[spmem:s9] =	stream.linear.scatter [tilespmem:s17], [sflag:$0x1], $0x3C00, $0x38;
	[tilespmem:$0x17D00] =	vst v63  }
0x37: {  	_ =	swait.ge [sflag:s18], $0x3C00  }
0x38: {  	[sflag:s18] =	ssyncset.done $0x0  }
0x39: {  	[sflag:s18] =	ssyncadd.s32 $0xFFFFC400  }
0x3a: {  	s31 =	sadd.s32 $0x0, s16;
	[bflag:$0x0] =	sbarrier.arrive $0xFFFF  }
0x3b: {  	[tilespmem:s19], [sflag:$0x1] =	stream.linear.gather [hbm4b:s31+s3], $0x100, $0x38;
	[tilespmem:$0x17D00] =	vst v63  }
0x3c: {  	_ =	swait.ge [sflag:s18], $0x100  }
0x3d: {  	[sflag:s18] =	ssyncset.done $0x0  }
0x3e: {  	[sflag:s18] =	ssyncadd.s32 $0xFFFFFF00  }
0x3f: {  	[tilespmem:s17], [sflag:$0x1] =	stream.indirect.gather [hbm4b:s4+s20], $0x80, s19, s20, $0xb8;
	[tilespmem:$0x17D00] =	vst v63  }
0x40: {  	_ =	swait.ge [sflag:s18], $0x4000  }
0x41: {  	[sflag:s18] =	ssyncset.done $0x0  }
0x42: {  	[sflag:s18] =	ssyncadd.s32 $0xFFFFC000  }
0x43: {  	[spmem:s2] =	stream.indirect.scatter.add.f32 [tilespmem:s17], [sflag:$0x1], $0x80, s21, s20, $0xb8;
	[tilespmem:$0x17D00] =	vst v63  }
0x44: {  	_ =	swait.ge [sflag:s18], $0x4000  }
0x45: {  	s23 =	simm.s32 $0x20;
	s24 =	simm.s32 $0x40;
	[sflag:s18] =	ssyncset.done $0x0  }
.LBB2_4:
0x46: {  	s25 =	sadd.s32 s23, s16  }
0x47: {  	[sflag:s18] =	ssyncadd.s32 $0xFFFFC000;
	s23 =	smov.u32 s24;
	s26 =	sadd.s32 $0x20, s24  }
0x48: {  	[tilespmem:s19], [sflag:$0x1] =	stream.linear.gather [hbm4b:s25+s3], $0x100, $0x38;
	[tilespmem:$0x17D00] =	vst v63  }
0x49: {  	p0 =	sne.s32 s24, $0x9E0;
	_ =	swait.ge [sflag:s18], $0x100  }
0x4a: {  	[sflag:s18] =	ssyncset.done $0x0  }
0x4b: {  	[sflag:s18] =	ssyncadd.s32 $0xFFFFFF00  }
0x4c: {  	[tilespmem:s17], [sflag:$0x1] =	stream.indirect.gather [hbm4b:s4+s20], $0x80, s19, s20, $0xb8;
	[tilespmem:$0x17D00] =	vst v63  }
0x4d: {  	_ =	swait.ge [sflag:s18], $0x4000  }
.Ltmp1:
0x4e: {  	[sflag:s18] =	ssyncset.done $0x0;
	(pc) =	sbr.rel @p0 .LBB2_4-.Ltmp1, $4  }
0x4f: {  	[sflag:s18] =	ssyncadd.s32 $0xFFFFC000  }
0x50: {  	[spmem:s2] =	stream.indirect.scatter.add.f32 [tilespmem:s17], [sflag:$0x1], $0x80, s21, s20, $0xb8;
	[tilespmem:$0x17D00] =	vst v63  }
0x51: {  	_ =	swait.ge [sflag:s18], $0x4000  }
0x52: {  	s24 =	smov.u32 s26;
	[sflag:s18] =	ssyncset.done $0x0  }
0x53: {  	s23 =	sadd.s32 s23, s16;
	[sflag:s18] =	ssyncadd.s32 $0xFFFFC000  }
0x54: {  	[tilespmem:s19], [sflag:$0x1] =	stream.linear.gather [hbm4b:s23+s3], $0x100, $0x38;
	[tilespmem:$0x17D00] =	vst v63  }
0x55: {  	_ =	swait.ge [sflag:s18], $0x100  }
0x56: {  	[sflag:s18] =	ssyncset.done $0x0  }
0x57: {  	[sflag:s18] =	ssyncadd.s32 $0xFFFFFF00  }
0x58: {  	[tilespmem:s17], [sflag:$0x1] =	stream.indirect.gather [hbm4b:s4+s20], $0x80, s19, s20, $0xb8;
	[tilespmem:$0x17D00] =	vst v63  }
0x59: {  	_ =	swait.ge [sflag:s18], $0x4000  }
0x5a: {  	[sflag:s18] =	ssyncset.done $0x0  }
0x5b: {  	[sflag:s18] =	ssyncadd.s32 $0xFFFFC000  }
0x5c: {  	[spmem:s2] =	stream.indirect.scatter.add.f32 [tilespmem:s17], [sflag:$0x1], $0x80, s21, s20, $0xb8;
	[tilespmem:$0x17D00] =	vst v63  }
0x5d: {  	_ =	swait.ge [sflag:s18], $0x4000  }
0x5e: {  	[sflag:s18] =	ssyncset.done $0x0  }
0x5f: {  	[sflag:s18] =	ssyncadd.s32 $0xFFFFC000  }
0x60: {  	[bflag:$0x0] =	sbarrier.arrive $0xFFFF  }
0x61: {  	[tilespmem:s17], [sflag:$0x1] =	stream.linear.gather [spmem:s5], $0x4000, $0x38;
	[tilespmem:$0x17D00] =	vst v63  }
0x62: {  	_ =	swait.ge [sflag:s18], $0x4000  }
0x63: {  	[sflag:s18] =	ssyncset.done $0x0  }
0x64: {  	[sflag:s18] =	ssyncadd.s32 $0xFFFFC000  }
0x65: {  	[hbm4b:s10+s3] =	stream.linear.scatter [tilespmem:s17], [sflag:$0x1], $0x4000, $0x38;
	[tilespmem:$0x17D00] =	vst v63  }
0x66: {  	_ =	swait.ge [sflag:s18], $0x4000  }
0x67: {  	[sflag:s18] =	ssyncset.done $0x0  }
0x68: {  	[sflag:s18] =	ssyncadd.s32 $0xFFFFC000  }
0x69: {  	[tilespmem:s17], [sflag:$0x1] =	stream.linear.gather [spmem:s6], $0x4000, $0x38;
	[tilespmem:$0x17D00] =	vst v63  }
0x6a: {  	_ =	swait.ge [sflag:s18], $0x4000  }
0x6b: {  	[sflag:s18] =	ssyncset.done $0x0  }
0x6c: {  	[sflag:s18] =	ssyncadd.s32 $0xFFFFC000  }
0x6d: {  	[hbm4b:s11+s3] =	stream.linear.scatter [tilespmem:s17], [sflag:$0x1], $0x4000, $0x38;
	[tilespmem:$0x17D00] =	vst v63  }
0x6e: {  	_ =	swait.ge [sflag:s18], $0x4000  }
0x6f: {  	[sflag:s18] =	ssyncset.done $0x0  }
0x70: {  	[sflag:s18] =	ssyncadd.s32 $0xFFFFC000  }
0x71: {  	[tilespmem:s17], [sflag:$0x1] =	stream.linear.gather [spmem:s7], $0x4000, $0x38;
	[tilespmem:$0x17D00] =	vst v63  }
0x72: {  	_ =	swait.ge [sflag:s18], $0x4000  }
0x73: {  	[sflag:s18] =	ssyncset.done $0x0  }
0x74: {  	[sflag:s18] =	ssyncadd.s32 $0xFFFFC000  }
0x75: {  	[hbm4b:s12+s3] =	stream.linear.scatter [tilespmem:s17], [sflag:$0x1], $0x4000, $0x38;
	[tilespmem:$0x17D00] =	vst v63  }
0x76: {  	_ =	swait.ge [sflag:s18], $0x4000  }
0x77: {  	[sflag:s18] =	ssyncset.done $0x0  }
0x78: {  	[sflag:s18] =	ssyncadd.s32 $0xFFFFC000  }
0x79: {  	[tilespmem:s17], [sflag:$0x1] =	stream.linear.gather [spmem:s8], $0x4000, $0x38;
	[tilespmem:$0x17D00] =	vst v63  }
0x7a: {  	_ =	swait.ge [sflag:s18], $0x4000  }
0x7b: {  	[sflag:s18] =	ssyncset.done $0x0  }
0x7c: {  	[sflag:s18] =	ssyncadd.s32 $0xFFFFC000  }
0x7d: {  	[hbm4b:s13+s3] =	stream.linear.scatter [tilespmem:s17], [sflag:$0x1], $0x4000, $0x38;
	[tilespmem:$0x17D00] =	vst v63  }
0x7e: {  	_ =	swait.ge [sflag:s18], $0x4000  }
0x7f: {  	[sflag:s18] =	ssyncset.done $0x0  }
0x80: {  	[sflag:s18] =	ssyncadd.s32 $0xFFFFC000  }
0x81: {  	[tilespmem:s17], [sflag:$0x1] =	stream.linear.gather [spmem:s9], $0x3C00, $0x38;
	[tilespmem:$0x17D00] =	vst v63  }
0x82: {  	s22 =	sadd.s32 $0x1, s22;
	_ =	swait.ge [sflag:s18], $0x3C00  }
0x83: {  	p0 =	sne.s32 s22, s15;
	[sflag:s18] =	ssyncset.done $0x0  }
.Ltmp2:
0x84: {  	[sflag:s18] =	ssyncadd.s32 $0xFFFFC400;
	(pc) =	sbr.rel @p0 .LBB2_1-.Ltmp2, $4  }
0x85: {  	[hbm4b:s14+s3] =	stream.linear.scatter [tilespmem:s17], [sflag:$0x1], $0x3C00, $0x38;
	[tilespmem:$0x17D00] =	vst v63  }
0x86: {  	_ =	swait.ge [sflag:s18], $0x3C00  }
0x87: {  	[sflag:s18] =	ssyncset.done $0x0  }
0x88: {  	[sflag:s18] =	ssyncadd.s32 $0xFFFFC400  }
0x89: {  	_ =	sfence.sel $0x180000  }
0x8a: {  	[bflag:$0x0] =	sbarrier.arrive $0xFFFF  }
0x8b: {  	p0 =	sne.s32 s1, $0x0;
	_ =	strace $0x9000004A  }
0x8c: {  	s0 =	sadd.s32 @!p0 $0x100000, s0;
	[bflag:$0x2] =	sbarrier.arrive $0xFFFF  }
0x8d: {  	[sflag:s0] =	ssyncadd.tile.s32 @!p0 $0x1;
	_ =	shalt  }
.Lfunc_end2:
_tile_overlayer_lowered:
.L_overlay_start_2:
0x8e: {  	(tag) =	ssettag $0x2  }
0x8f: {  	s0 =	rddreg [dreg:$0x0];
	s2 =	stileid.u32  }
0x90: {  	s1 =	rddreg [dreg:$0x1];
	p0 =	sne.s32 s2, $0x0  }
0x91: {  	s3 =	rddreg [dreg:$0x2];
	[bflag:$0x3] =	sbarrier.arrive $0xFFFF;
	s2 =	simm.s32 @!p0 $0x1C01  }
0x92: {  	[timem:s3], [sflag:s2] =	dma.local @!p0 [hbm:s0], s1  }
0x93: {  	s0 =	simm.s32 @!p0 $0x1  }
0x94: {  	_ =	swait.ge @!p0 [sflag:s0], s1  }
0x95: {  	s1 =	ssub.s32 @!p0 $0x0, s1;
	[sflag:s0] =	ssyncset.done @!p0 $0x0  }
0x96: {  	[sflag:s0] =	ssyncadd.s32 @!p0 s1  }
0x97: {  	[bflag:$0x3] =	sbarrier.arrive $0xFFFF  }
0x98: {  	_ =	shalt  }

// kernel: kernel.7.cloned.1.call-start
scs
__scs_entry_jumppad:
0x0: {  	(pc) =	sbr.rel $0x88, $3  }
0x1: {  	(tag) =	ssettag $0x0;
	lr =	simm.s32 $0x1  }
0x2: {  	[smem:$0x3F9D] =	sst lr;
	_ =	strace $0xD0000000  }
0x3: {  	_ = 	snop  }
0x4: {  	_ = 	snop  }
0x5: {  	_ = 	snop  }
0x6: {  	_ = 	snop  }
0x7: {  	_ = 	snop  }
__scs_overlays_trampoline_lowered:
0x8: {  	[smem:$0x3FAC] =	sst s0  }
0x9: {  	[smem:$0x3FAD] =	sst s1  }
0xa: {  	[smem:$0x3FAE] =	sst s2  }
0xb: {  	[smem:$0x3FAF] =	sst s3  }
0xc: {  	[smem:$0x3FB0] =	sst s4  }
0xd: {  	[smem:$0x3FB1] =	sst s5  }
0xe: {  	[smem:$0x3FB2] =	sst s6  }
0xf: {  	[smem:$0x3FB3] =	sst s7  }
0x10: {  	[smem:$0x3FB4] =	sst s8  }
0x11: {  	[smem:$0x3FB5] =	sst s9;
	s0 =	simm.s32 @!p0 $0x0  }
0x12: {  	s1 =	sld [smem:$0x3F9B];
	s0 =	simm.s32 @p0 $0x1  }
0x13: {  	[smem:$0x3FB6] =	sst s0;
	s0 =	simm.s32 @!p1 $0x0  }
0x14: {  	s2 =	sld [smem:$0x3F9A];
	s0 =	simm.s32 @p1 $0x1  }
0x15: {  	[smem:$0x3FB7] =	sst s0;
	s0 =	simm.s32 @!p2 $0x0  }
0x16: {  	s3 =	sld [smem:$0x3FDB];
	s0 =	simm.s32 @p2 $0x1  }
0x17: {  	s4 =	simm.s32 $0x1BF5;
	[smem:$0x3FB9] =	sst s0  }
0x18: {  	s0 =	sld [smem:$0x3F9C];
	_ =	swait.ge [sflag:s4], $0x0  }
0x19: {  	s7 =	sld [smem:$0x3F9D]  }
0x1a: {  	s8 =	sadd.s32 $0xFFFFE003, lr  }
0x1b: {  	s9 =	sadd.s32 $0xFFFFFEF7, lr;
	s5 =	simm.s32 $0xFFFFFFFF;
	p2 =	slt.u32 s8, $0xFFFFF086  }
0x1c: {  	p1 =	slt.u32 s9, $0xF7A;
	s5 =	simm.s32 @!p2 $0x0  }
0x1d: {  	s5 =	simm.s32 @p1 $0x1;
	p0 =	seq.s32 s7, s2  }
0x1e: {  	s7 =	smul.u32 @!p0 $0xF7A, s2;
	p2 =	seq.s32 @!p0 s5, $0x0  }
0x1f: {  	s9 =	smul.u32 $0xF7A, s1;
	s8 =	simm.s32 @!p0 $0x1BF5;
	p2 =	por !p2, p0  }
0x20: {  	[sflag:s8] =	ssyncset.s32 @!p0 $0xFFFFF086;
	s6 =	sadd.s32 @!p0 s3, s7;
	s7 =	simm.s32 @!p0 $0x108  }
0x21: {  	s3 =	sadd.s32 s3, s9;
	s6 =	sadd.s32 @!p0 $0x88, s6;
	s7 =	simm.s32 @p2 $0x1082  }
0x22: {  	[simem:s7], [sflag:s8] =	dma.local @!p0 [hbm:s6], $0xF7A  }
0x23: {  	s9 =	sor.u32 $0xD0000000, s2;
	s6 =	simm.s32 $0x108;
	_ =	swait.ge @!p0 [sflag:s8], $0x0  }
0x24: {  	s3 =	sadd.s32 $0x88, s3;
	s6 =	simm.s32 @!p1 $0x1082;
	[sflag:s4] =	ssyncset.s32 $0xFFFFF086  }
0x25: {  	[simem:s6], [sflag:s4] =	dma.local [hbm:s3], $0xF7A  }
0x26: {  	[smem:$0x3F9D] =	sst s1;
	(tag) =	ssettag s2;
	_ =	strace s9  }
0x27: {  	s1 =	sld [smem:$0x3FAD]  }
0x28: {  	s2 =	sld [smem:$0x3FAE]  }
0x29: {  	s4 =	sld [smem:$0x3FB0]  }
0x2a: {  	p0 =	seq.s32 s5, $0x0;
	s5 =	sld [smem:$0x3FB1]  }
0x2b: {  	s6 =	sld [smem:$0x3FB2]  }
0x2c: {  	s7 =	sld [smem:$0x3FB3]  }
0x2d: {  	s3 =	simm.s32 $0x108;
	s8 =	sld [smem:$0x3FB4]  }
0x2e: {  	s3 =	simm.s32 @!p0 $0x1082;
	s9 =	sld [smem:$0x3FB5]  }
0x2f: {  	lr =	sadd.s32 s0, s3;
	s0 =	sld [smem:$0x3FAC]  }
0x30: {  	s3 =	sld [smem:$0x3FAF]  }
0x31: {  	[smem:$0x3FB8] =	sst s10  }
0x32: {  	s10 =	sld [smem:$0x3FB6];
	_ =	sdelay $0x3  }
0x33: {  	p0 =	seq.s32 s10, $0x1;
	s10 =	sld [smem:$0x3FB8];
	_ =	sdelay $0x3  }
0x34: {  	[smem:$0x3FB8] =	sst s10  }
0x35: {  	s10 =	sld [smem:$0x3FB7];
	_ =	sdelay $0x3  }
0x36: {  	p1 =	seq.s32 s10, $0x1;
	s10 =	sld [smem:$0x3FB8];
	_ =	sdelay $0x3  }
0x37: {  	[smem:$0x3FB8] =	sst s10  }
0x38: {  	s10 =	sld [smem:$0x3FB9]  }
0x39: {  	_ = 	snop;
	(pc) =	sbr.ind lr, $3  }
0x3a: {  	_ = 	snop  }
0x3b: {  	_ = 	snop  }
0x3c: {  	p2 =	seq.s32 s10, $0x1;
	s10 =	sld [smem:$0x3FB8]  }
0x3d: {  	_ =	shalt  }
0x3e: {  	_ =	shalt  }
0x3f: {  	_ =	shalt  }
0x40: {  	_ =	shalt  }
0x41: {  	_ =	shalt  }
0x42: {  	_ =	shalt  }
0x43: {  	_ =	shalt  }
0x44: {  	_ =	shalt  }
0x45: {  	_ =	shalt  }
0x46: {  	_ =	shalt  }
0x47: {  	_ =	shalt  }
0x48: {  	_ =	shalt  }
0x49: {  	_ =	shalt  }
0x4a: {  	_ =	shalt  }
0x4b: {  	_ =	shalt  }
0x4c: {  	_ =	shalt  }
0x4d: {  	_ =	shalt  }
0x4e: {  	_ =	shalt  }
0x4f: {  	_ =	shalt  }
0x50: {  	_ =	shalt  }
0x51: {  	_ =	shalt  }
0x52: {  	_ =	shalt  }
0x53: {  	_ =	shalt  }
0x54: {  	_ =	shalt  }
0x55: {  	_ =	shalt  }
0x56: {  	_ =	shalt  }
0x57: {  	_ =	shalt  }
0x58: {  	_ =	shalt  }
0x59: {  	_ =	shalt  }
0x5a: {  	_ =	shalt  }
0x5b: {  	_ =	shalt  }
0x5c: {  	_ =	shalt  }
0x5d: {  	_ =	shalt  }
0x5e: {  	_ =	shalt  }
0x5f: {  	_ =	shalt  }
0x60: {  	_ =	shalt  }
0x61: {  	_ =	shalt  }
0x62: {  	_ =	shalt  }
0x63: {  	_ =	shalt  }
0x64: {  	_ =	shalt  }
0x65: {  	_ =	shalt  }
0x66: {  	_ =	shalt  }
0x67: {  	_ =	shalt  }
0x68: {  	_ =	shalt  }
0x69: {  	_ =	shalt  }
0x6a: {  	_ =	shalt  }
0x6b: {  	_ =	shalt  }
0x6c: {  	_ =	shalt  }
0x6d: {  	_ =	shalt  }
0x6e: {  	_ =	shalt  }
0x6f: {  	_ =	shalt  }
0x70: {  	_ =	shalt  }
0x71: {  	_ =	shalt  }
0x72: {  	_ =	shalt  }
0x73: {  	_ =	shalt  }
0x74: {  	_ =	shalt  }
0x75: {  	_ =	shalt  }
0x76: {  	_ =	shalt  }
0x77: {  	_ =	shalt  }
0x78: {  	_ =	shalt  }
0x79: {  	_ =	shalt  }
0x7a: {  	_ =	shalt  }
0x7b: {  	_ =	shalt  }
0x7c: {  	_ =	shalt  }
0x7d: {  	_ =	shalt  }
0x7e: {  	_ =	shalt  }
0x7f: {  	_ =	shalt  }
0x80: {  	_ =	shalt  }
0x81: {  	_ =	shalt  }
0x82: {  	_ =	shalt  }
0x83: {  	_ =	shalt  }
0x84: {  	_ =	shalt  }
0x85: {  	_ =	shalt  }
0x86: {  	_ =	shalt  }
0x87: {  	_ =	shalt  }
.Lfunc_end0:
.L_simem_size_0:
called_computation_lowered:
.L_overlay_start_0:
0x88: {  	s2 =	sld [smem:$0x3FD9]  }
0x89: {  	s3 =	sld [smem:$0x3FFE];
	_ =	sdelay $0x1  }
0x8a: {  	s1 =	srdreg.scid  }
0x8b: {  	s0 =	sand.u32 $0x1, s1  }
0x8c: {  	s17 =	sshll.u32 s0, $0xA;
	s2 =	sadd.s32 s3, s2  }
0x8d: {  	s2 =	sadd.s32 s2, s17  }
0x8e: {  	[smem:$0x3FC4] =	sst s2  }
0x8f: {  	_ = 	snop  }
0x90: {  	s2 =	sld [smem:$0x3FD0];
	(tm) =	ssettm $0x1  }
0x91: {  	s18 =	sld [smem:$0x3FFB];
	_ =	sdelay $0x3  }
0x92: {  	_ =	strace s18  }
0x93: {  	s3 =	sld [smem:$0x3FFC];
	_ =	sdelay $0x3  }
0x94: {  	_ =	strace s3  }
0x95: {  	s3 =	sld [smem:$0x3FFD];
	_ =	sdelay $0x3  }
0x96: {  	_ =	strace s3  }
0x97: {  	_ =	strace $0x8FFFFFFF  }
0x98: {  	s19 =	sld [smem:$0x3FDB];
	_ =	sdelay $0x1  }
0x99: {  	s4 =	simm.s32 $_scs_section_size  }
0x9a: {  	s5 =	simm.s32 $_size__tile_overlayer_lowered;
	s6 =	simm.s32 $_tile_overlayer_lowered  }
0x9b: {  	s22 =	simm.s32 $0x1BFF;
	s21 =	sshll.u32 s6, $0x1;
	s3 =	sadd.s32 s4, s19  }
0x9c: {  	s7 =	simm.s32 $0x0;
	s20 =	sshll.u32 s5, $0x1;
	s5 =	sadd.s32 s21, s3  }
0x9d: {  	[timem:s7], [sflag:s22] =	dma.local [hbm:s5], s20  }
0x9e: {  	_ =	swait.ge [sflag:s22], s20  }
0x9f: {  	s4 =	ssub.s32 $0x0, s20;
	[sflag:s22] =	ssyncset.done $0x0  }
0xa0: {  	[sflag:s22] =	ssyncadd.s32 s4;
	_ =	sdelay $0x1  }
0xa1: {  	s23 =	simm.s32 $0x1B8B  }
0xa2: {  	_ =	swait.ge [sflag:s23], $0x1  }
0xa3: {  	[sflag:s23] =	ssyncset.done $0x0  }
0xa4: {  	s25 =	simm.s32 $0x1B8E;
	s24 =	sld [smem:$0x3FFE];
	[sflag:s23] =	ssyncadd.s32 $0xFFFFFFFF  }
0xa5: {  	s26 =	simm.s32 $execute0_lowered;
	[smem:$0x3FD2] =	sst s25  }
0xa6: {  	s5 =	sshll.u32 s26, $0x1;
	_ =	strace $0x80000046;
	[dreg:$0x1] =	wrdreg $0xFFFFFFFF  }
0xa7: {  	s28 =	simm.s32 $_size_execute0_lowered;
	s3 =	sadd.s32 s3, s5;
	[dreg:$0x0] =	wrdreg $0x0  }
0xa8: {  	s5 =	sshll.u32 s28, $0x1;
	[dreg:$0x2] =	wrdreg s3  }
0xa9: {  	[dreg:$0x3] =	wrdreg s5  }
0xaa: {  	[dreg:$0x4] =	wrdreg $0xC0  }
0xab: {  	_ =	task [dreg:s7], $0x5FFFF  }
0xac: {  	[dreg:$0x1] =	wrdreg $0xFFFFFFFF  }
0xad: {  	[dreg:$0x0] =	wrdreg $0x60  }
0xae: {  	[dreg:$0x2] =	wrdreg s24  }
0xaf: {  	[dreg:$0x3] =	wrdreg s2  }
0xb0: {  	[dreg:$0x4] =	wrdreg $0x0  }
0xb1: {  	[dreg:$0x5] =	wrdreg $0x185000  }
0xb2: {  	[dreg:$0x6] =	wrdreg $0x9  }
0xb3: {  	_ =	task.clear_ibuf [dreg:s7], $0x7FFFF;
	_ =	strace $0x90000046  }
0xb4: {  	s29 =	simm.s32 $0x9;
	_ =	strace $0x80000048  }
0xb5: {  	_ =	swait.ge [sflag:s29], $0x1  }
0xb6: {  	[sflag:s29] =	ssyncadd.s32 $0xFFFFFFFF  }
0xb7: {  	_ =	strace $0x90000048  }
0xb8: {  	_ =	sfence  }
0xb9: {  	s30 =	sld [smem:$0x0];
	_ =	sdelay $0x2  }
0xba: {  	s31 =	sshll.u32 s1, $0xD;
	s1 =	sshrl.u32 s1, $0x2  }
0xbb: {  	s3 =	sand.u32 $0x4000, s31;
	s1 =	sadd.s32 s1, s30  }
0xbc: {  	s0 =	sor.u32 s3, s0;
	s1 =	sshll.u32 s1, $0x11  }
0xbd: {  	s0 =	sor.u32 s1, s0  }
0xbe: {  	s0 =	sadd.s32 $0x8F2B, s0  }
0xbf: {  	[sflag:s0] =	ssyncadd.remote.s32 $0x1  }
0xc0: {  	_ =	sfence.sel $0xFFFF  }
0xc1: {  	[dreg:$0x0] =	wrdreg $0xFFFFFFFF;
	(pc) =	sbr.abs _section_cstart, $3  }
0xc2: {  	[dreg:$0x1] =	wrdreg $0xFFFFFFFF  }
0xc3: {  	_ =	task.clear_ibuf [dreg:s7], $0x2FFFF;
	_ =	strace $0x9FFFFFFF  }
0xc4: {  	(tm) =	ssettm $0x7FFFFFFF  }
0xc5: {  	_ =	shalt  }
tec
execute0_lowered:
.L_overlay_start_1:
0x0: {  	(tag) =	ssettag $0x1  }
0x1: {  	s0 =	rddreg [dreg:$0x0]  }
0x2: {  	s3 =	rddreg [dreg:$0x1];
	s13 =	stileid.u32  }
0x3: {  	s2 =	srdreg.scid;
	s1 =	simm.s32 $0x0;
	s5 =	smul.u32 $0x278, s13  }
0x4: {  	s29 =	simm.s32 $0x13D00;
	s30 =	simm.s32 $0x1;
	s17 =	smul.u32 $0x13C00, s13  }
0x5: {  	s31 =	simm.s32 $0x17D00;
	s4 =	sand.u32 $0x1, s2;
	s22 =	smul.u32 $0x2780, s13  }
0x6: {  	[smem:$0x7FF] =	sst s1;
	s6 =	sadd.s32 $0x29400, s0;
	s11 =	smul.u32 $0x13C000, s4  }
0x7: {  	s10 =	sadd.s32 $0x78400, s0;
	s2 =	ssub.s32 $0x2, s4;
	s12 =	smul.u32 $0x27800, s4  }
0x8: {  	s4 =	smul.u32 $0xA00, s4;
	s7 =	sshrl.u32 s2, $0x1;
	s14 =	sadd.s32 $0x80, s5  }
0x9: {  	s8 =	sadd.s32 $0x100, s5;
	s9 =	sadd.s32 $0x180, s5;
	s5 =	sadd.s32 $0x200, s5  }
0xa: {  	s2 =	ssub.s32 s2, s7;
	s18 =	sshll.u32 s14, $0x7;
	s19 =	sshll.u32 s8, $0x7  }
0xb: {  	s20 =	sshll.u32 s9, $0x7;
	s21 =	sshll.u32 s5, $0x7;
	s23 =	sshll.u32 s14, $0x4  }
0xc: {  	s24 =	sshll.u32 s8, $0x4;
	s15 =	sadd.s32 s17, s11;
	s25 =	sshll.u32 s9, $0x4  }
0xd: {  	s5 =	sshll.u32 s5, $0x4;
	s7 =	sshrl.u32 s15, $0x3;
	s16 =	sadd.s32 s11, s18  }
0xe: {  	s26 =	sadd.s32 s11, s19;
	s14 =	sadd.s32 s11, s20;
	s15 =	sadd.s32 s11, s21  }
0xf: {  	s11 =	sadd.s32 s12, s24;
	s7 =	sadd.s32 s6, s7;
	s8 =	sshrl.u32 s26, $0x3  }
0x10: {  	s26 =	smul.u32 $0x1400, s13;
	s13 =	sshrl.u32 s11, $0x3;
	s11 =	rddreg [dreg:$0x2]  }
0x11: {  	s28 =	smax.u32 s2, $0x1;
	s2 =	simm.s32 $0x13C80;
	[dreg:$0x5] =	wrdreg s7  }
0x12: {  	s7 =	sshrl.u32 s16, $0x3;
	s9 =	sadd.s32 s6, s8;
	s16 =	sadd.s32 s22, s12  }
0x13: {  	s8 =	sshrl.u32 s15, $0x3;
	s17 =	sadd.s32 s17, s11;
	s18 =	sadd.s32 s18, s11  }
0x14: {  	s19 =	sadd.s32 s19, s11;
	s20 =	sadd.s32 s20, s11;
	s21 =	sadd.s32 s21, s11  }
0x15: {  	s7 =	sadd.s32 s6, s7;
	[dreg:$0x7] =	wrdreg s9;
	s9 =	sshrl.u32 s16, $0x3  }
0x16: {  	s3 =	sadd.s32 s26, s3;
	s16 =	sadd.s32 s12, s5;
	[dreg:$0x6] =	wrdreg s7  }
0x17: {  	s7 =	sshrl.u32 s14, $0x3;
	s14 =	sadd.s32 s12, s25;
	s26 =	sshrl.u32 s16, $0x3  }
0x18: {  	s16 =	sadd.s32 $0x1C00, s0;
	s0 =	simm.s32 $0x80;
	s7 =	sadd.s32 s6, s7  }
0x19: {  	s6 =	sadd.s32 s6, s8;
	s8 =	sadd.s32 s10, s9;
	[dreg:$0x8] =	wrdreg s7  }
0x1a: {  	s9 =	sadd.s32 s12, s23;
	s15 =	sshrl.u32 s14, $0x3;
	[dreg:$0x9] =	wrdreg s6  }
0x1b: {  	s14 =	sadd.s32 s10, s26;
	[dreg:$0xa] =	wrdreg s8;
	s6 =	sshrl.u32 s9, $0x3  }
0x1c: {  	s9 =	sadd.s32 s10, s13;
	s12 =	sadd.s32 s10, s15;
	s13 =	rddreg [dreg:$0x3]  }
0x1d: {  	s15 =	sadd.s32 s4, s3;
	s3 =	simm.s32 $0x1AC80;
	s4 =	simm.s32 $0x0  }
0x1e: {  	s6 =	sadd.s32 s10, s6;
	s22 =	sadd.s32 s22, s13;
	s23 =	sadd.s32 s23, s13  }
0x1f: {  	s24 =	sadd.s32 s24, s13;
	s25 =	sadd.s32 s25, s13;
	[dreg:$0xb] =	wrdreg s6  }
0x20: {  	v0 =	vimm.f32 $0.0e+00;
	v1 =	vimm.f32 $1.000000000e+00;
	s26 =	sadd.s32 s5, s13;
	s10 =	simm.s32 $0x13C00;
	_ =	strace $0x80000047  }
.LBB2_1:
0x21: {  	s5 =	simm.s32 $0x0;
	s6 =	simm.s32 $0x200  }
.LBB2_2:
0x22: {  	p0 =	sne.s32 s6, $0xFE00;
	[tilespmem:s5+$0x13D70] =	vst v0  }
0x23: {  	[tilespmem:s5+$0x13D00] =	vst v0  }
0x24: {  	[tilespmem:s5+$0x13D10] =	vst v0  }
.Ltmp0:
0x25: {  	[tilespmem:s5+$0x13D20] =	vst v0;
	(pc) =	sbr.rel @p0 .LBB2_2-.Ltmp0, $4  }
0x26: {  	[tilespmem:s5+$0x13D30] =	vst v0  }
0x27: {  	[tilespmem:s5+$0x13D40] =	vst v0  }
0x28: {  	[tilespmem:s5+$0x13D50] =	vst v0  }
0x29: {  	[tilespmem:s5+$0x13D60] =	vst v0;
	s5 =	sshra.s32 s6, $0x2;
	s6 =	sadd.s32 $0x200, s6  }
0x2a: {  	[tilespmem:s5+$0x13D70] =	vst v0  }
0x2b: {  	[tilespmem:s5+$0x13D00] =	vst v0  }
0x2c: {  	[tilespmem:s5+$0x13D10] =	vst v0  }
0x2d: {  	[tilespmem:s5+$0x13D20] =	vst v0  }
0x2e: {  	[tilespmem:s5+$0x13D30] =	vst v0  }
0x2f: {  	[tilespmem:s5+$0x13D40] =	vst v0  }
0x30: {  	[tilespmem:s5+$0x13D50] =	vst v0  }
0x31: {  	[tilespmem:s5+$0x13D60] =	vst v0  }
0x32: {  	[spmem:s17] =	stream.linear.scatter [tilespmem:s29], [sflag:$0x1], $0x4000, $0x38;
	[tilespmem:$0x1B480] =	vst v63  }
0x33: {  	_ =	swait.ge [sflag:s30], $0x4000  }
0x34: {  	[sflag:s30] =	ssyncset.done $0x0  }
0x35: {  	[sflag:s30] =	ssyncadd.s32 $0xFFFFC000  }
0x36: {  	[spmem:s18] =	stream.linear.scatter [tilespmem:s29], [sflag:$0x1], $0x4000, $0x38;
	[tilespmem:$0x1B480] =	vst v63  }
0x37: {  	_ =	swait.ge [sflag:s30], $0x4000  }
0x38: {  	[sflag:s30] =	ssyncset.done $0x0  }
0x39: {  	[sflag:s30] =	ssyncadd.s32 $0xFFFFC000  }
0x3a: {  	[spmem:s19] =	stream.linear.scatter [tilespmem:s29], [sflag:$0x1], $0x4000, $0x38;
	[tilespmem:$0x1B480] =	vst v63  }
0x3b: {  	_ =	swait.ge [sflag:s30], $0x4000  }
0x3c: {  	[sflag:s30] =	ssyncset.done $0x0  }
0x3d: {  	[sflag:s30] =	ssyncadd.s32 $0xFFFFC000  }
0x3e: {  	[spmem:s20] =	stream.linear.scatter [tilespmem:s29], [sflag:$0x1], $0x4000, $0x38;
	[tilespmem:$0x1B480] =	vst v63  }
0x3f: {  	_ =	swait.ge [sflag:s30], $0x4000  }
0x40: {  	[sflag:s30] =	ssyncset.done $0x0  }
0x41: {  	[sflag:s30] =	ssyncadd.s32 $0xFFFFC000  }
0x42: {  	[spmem:s21] =	stream.linear.scatter [tilespmem:s29], [sflag:$0x1], $0x3C00, $0x38;
	[tilespmem:$0x1B480] =	vst v63  }
0x43: {  	_ =	swait.ge [sflag:s30], $0x3C00  }
0x44: {  	[sflag:s30] =	ssyncset.done $0x0  }
0x45: {  	s5 =	simm.s32 $0x40;
	s6 =	simm.s32 $0x0;
	[sflag:s30] =	ssyncadd.s32 $0xFFFFC400  }
.LBB2_4:
0x46: {  	p0 =	sne.s32 s5, $0x1FC0;
	[tilespmem:s6+$0x17D00] =	vst v0;
	s6 =	smov.u32 s5;
	s5 =	sadd.s32 $0x40, s5  }
.Ltmp1:
0x47: {  	(pc) =	sbr.rel @p0 .LBB2_4-.Ltmp1, $2  }
0x48: {  	_ =	sdelay $0x2  }
0x49: {  	s6 =	sshra.s32 s6, $0x2  }
0x4a: {  	[tilespmem:s6+$0x17D00] =	vst v0;
	s5 =	simm.s32 $0x40;
	s6 =	simm.s32 $0x0  }
.LBB2_6:
0x4b: {  	p0 =	sne.s32 s5, $0x1FC0;
	[tilespmem:s6+$0x1AC80] =	vst v1;
	s6 =	smov.u32 s5;
	s5 =	sadd.s32 $0x40, s5  }
.Ltmp2:
0x4c: {  	(pc) =	sbr.rel @p0 .LBB2_6-.Ltmp2, $2  }
0x4d: {  	_ =	sdelay $0x2  }
0x4e: {  	s6 =	sshra.s32 s6, $0x2  }
0x4f: {  	[tilespmem:s6+$0x1AC80] =	vst v1  }
0x50: {  	[spmem:s22] =	stream.linear.scatter [tilespmem:s31], [sflag:$0x1], $0x800, $0x38;
	[tilespmem:$0x1B480] =	vst v63  }
0x51: {  	_ =	swait.ge [sflag:s30], $0x800  }
0x52: {  	[sflag:s30] =	ssyncset.done $0x0  }
0x53: {  	[sflag:s30] =	ssyncadd.s32 $0xFFFFF800  }
0x54: {  	[spmem:s23] =	stream.linear.scatter [tilespmem:s31], [sflag:$0x1], $0x800, $0x38;
	[tilespmem:$0x1B480] =	vst v63  }
0x55: {  	_ =	swait.ge [sflag:s30], $0x800  }
0x56: {  	[sflag:s30] =	ssyncset.done $0x0  }
0x57: {  	[sflag:s30] =	ssyncadd.s32 $0xFFFFF800  }
0x58: {  	[spmem:s24] =	stream.linear.scatter [tilespmem:s31], [sflag:$0x1], $0x800, $0x38;
	[tilespmem:$0x1B480] =	vst v63  }
0x59: {  	_ =	swait.ge [sflag:s30], $0x800  }
0x5a: {  	[sflag:s30] =	ssyncset.done $0x0  }
0x5b: {  	[sflag:s30] =	ssyncadd.s32 $0xFFFFF800  }
0x5c: {  	[spmem:s25] =	stream.linear.scatter [tilespmem:s31], [sflag:$0x1], $0x800, $0x38;
	[tilespmem:$0x1B480] =	vst v63  }
0x5d: {  	_ =	swait.ge [sflag:s30], $0x800  }
0x5e: {  	[sflag:s30] =	ssyncset.done $0x0  }
0x5f: {  	[sflag:s30] =	ssyncadd.s32 $0xFFFFF800  }
0x60: {  	[spmem:s26] =	stream.linear.scatter [tilespmem:s31], [sflag:$0x1], $0x780, $0x38;
	[tilespmem:$0x1B480] =	vst v63  }
0x61: {  	_ =	swait.ge [sflag:s30], $0x780  }
0x62: {  	[sflag:s30] =	ssyncset.done $0x0  }
0x63: {  	[sflag:s30] =	ssyncadd.s32 $0xFFFFF880  }
0x64: {  	s5 =	sadd.s32 $0x0, s15;
	[bflag:$0x0] =	sbarrier.arrive $0xFFFF  }
0x65: {  	[tilespmem:s10], [sflag:$0x1] =	stream.linear.gather [hbm4b:s5+s1], $0x100, $0x38;
	[tilespmem:$0x1B480] =	vst v63  }
0x66: {  	_ =	swait.ge [sflag:s30], $0x100  }
0x67: {  	[sflag:s30] =	ssyncset.done $0x0  }
0x68: {  	[sflag:s30] =	ssyncadd.s32 $0xFFFFFF00  }
0x69: {  	[tilespmem:s29], [sflag:$0x1] =	stream.indirect.gather [hbm4b:s16+s0], $0x80, s10, s0, $0xb8;
	[tilespmem:$0x1B480] =	vst v63  }
0x6a: {  	_ =	swait.ge [sflag:s30], $0x4000  }
0x6b: {  	[sflag:s30] =	ssyncset.done $0x0  }
0x6c: {  	[sflag:s30] =	ssyncadd.s32 $0xFFFFC000  }
0x6d: {  	[spmem:s11] =	stream.indirect.scatter.add.f32 [tilespmem:s29], [sflag:$0x1], $0x80, s2, s0, $0xb8;
	[tilespmem:$0x1B480] =	vst v63  }
0x6e: {  	_ =	swait.ge [sflag:s30], $0x4000  }
0x6f: {  	[sflag:s30] =	ssyncset.done $0x0  }
0x70: {  	[sflag:s30] =	ssyncadd.s32 $0xFFFFC000  }
0x71: {  	[spmem:s13] =	stream.indirect.scatter.add.f32 [tilespmem:s3], [sflag:$0x1], $0x10, s2, s0, $0xb8;
	[tilespmem:$0x1B480] =	vst v63  }
0x72: {  	_ =	swait.ge [sflag:s30], $0x800  }
0x73: {  	s6 =	simm.s32 $0x40;
	s5 =	simm.s32 $0x20;
	[sflag:s30] =	ssyncset.done $0x0  }
.LBB2_8:
0x74: {  	s7 =	sadd.s32 s5, s15  }
0x75: {  	[sflag:s30] =	ssyncadd.s32 $0xFFFFF800;
	s5 =	smov.u32 s6;
	s8 =	sadd.s32 $0x20, s6  }
0x76: {  	[tilespmem:s10], [sflag:$0x1] =	stream.linear.gather [hbm4b:s7+s1], $0x100, $0x38;
	[tilespmem:$0x1B480] =	vst v63  }
0x77: {  	p0 =	sne.s32 s6, $0x9E0;
	_ =	swait.ge [sflag:s30], $0x100  }
0x78: {  	[sflag:s30] =	ssyncset.done $0x0  }
0x79: {  	[sflag:s30] =	ssyncadd.s32 $0xFFFFFF00  }
0x7a: {  	[tilespmem:s29], [sflag:$0x1] =	stream.indirect.gather [hbm4b:s16+s0], $0x80, s10, s0, $0xb8;
	[tilespmem:$0x1B480] =	vst v63  }
0x7b: {  	_ =	swait.ge [sflag:s30], $0x4000  }
0x7c: {  	[sflag:s30] =	ssyncset.done $0x0  }
0x7d: {  	[sflag:s30] =	ssyncadd.s32 $0xFFFFC000  }
0x7e: {  	[spmem:s11] =	stream.indirect.scatter.add.f32 [tilespmem:s29], [sflag:$0x1], $0x80, s2, s0, $0xb8;
	[tilespmem:$0x1B480] =	vst v63  }
0x7f: {  	_ =	swait.ge [sflag:s30], $0x4000  }
.Ltmp3:
0x80: {  	[sflag:s30] =	ssyncset.done $0x0;
	(pc) =	sbr.rel @p0 .LBB2_8-.Ltmp3, $4  }
0x81: {  	[sflag:s30] =	ssyncadd.s32 $0xFFFFC000  }
0x82: {  	[spmem:s13] =	stream.indirect.scatter.add.f32 [tilespmem:s3], [sflag:$0x1], $0x10, s2, s0, $0xb8;
	[tilespmem:$0x1B480] =	vst v63  }
0x83: {  	_ =	swait.ge [sflag:s30], $0x800  }
0x84: {  	s6 =	smov.u32 s8;
	[sflag:s30] =	ssyncset.done $0x0  }
0x85: {  	s5 =	sadd.s32 s5, s15;
	[sflag:s30] =	ssyncadd.s32 $0xFFFFF800  }
0x86: {  	[tilespmem:s10], [sflag:$0x1] =	stream.linear.gather [hbm4b:s5+s1], $0x100, $0x38;
	[tilespmem:$0x1B480] =	vst v63  }
0x87: {  	_ =	swait.ge [sflag:s30], $0x100  }
0x88: {  	[sflag:s30] =	ssyncset.done $0x0  }
0x89: {  	[sflag:s30] =	ssyncadd.s32 $0xFFFFFF00  }
0x8a: {  	[tilespmem:s29], [sflag:$0x1] =	stream.indirect.gather [hbm4b:s16+s0], $0x80, s10, s0, $0xb8;
	[tilespmem:$0x1B480] =	vst v63  }
0x8b: {  	_ =	swait.ge [sflag:s30], $0x4000  }
0x8c: {  	[sflag:s30] =	ssyncset.done $0x0  }
0x8d: {  	[sflag:s30] =	ssyncadd.s32 $0xFFFFC000  }
0x8e: {  	[spmem:s11] =	stream.indirect.scatter.add.f32 [tilespmem:s29], [sflag:$0x1], $0x80, s2, s0, $0xb8;
	[tilespmem:$0x1B480] =	vst v63  }
0x8f: {  	_ =	swait.ge [sflag:s30], $0x4000  }
0x90: {  	[sflag:s30] =	ssyncset.done $0x0  }
0x91: {  	[sflag:s30] =	ssyncadd.s32 $0xFFFFC000  }
0x92: {  	[spmem:s13] =	stream.indirect.scatter.add.f32 [tilespmem:s3], [sflag:$0x1], $0x10, s2, s0, $0xb8;
	[tilespmem:$0x1B480] =	vst v63  }
0x93: {  	_ =	swait.ge [sflag:s30], $0x800  }
0x94: {  	[sflag:s30] =	ssyncset.done $0x0  }
0x95: {  	[sflag:s30] =	ssyncadd.s32 $0xFFFFF800  }
0x96: {  	[bflag:$0x0] =	sbarrier.arrive $0xFFFF  }
0x97: {  	[tilespmem:s29], [sflag:$0x1] =	stream.linear.gather [spmem:s17], $0x4000, $0x38;
	[tilespmem:$0x1B480] =	vst v63  }
0x98: {  	_ =	swait.ge [sflag:s30], $0x4000  }
0x99: {  	[sflag:s30] =	ssyncset.done $0x0  }
0x9a: {  	s8 =	rddreg [dreg:$0x5];
	[sflag:s30] =	ssyncadd.s32 $0xFFFFC000  }
0x9b: {  	[hbm4b:s8+s1] =	stream.linear.scatter [tilespmem:s29], [sflag:$0x1], $0x4000, $0x38;
	[tilespmem:$0x1B480] =	vst v63  }
0x9c: {  	_ =	swait.ge [sflag:s30], $0x4000  }
0x9d: {  	[sflag:s30] =	ssyncset.done $0x0  }
0x9e: {  	[sflag:s30] =	ssyncadd.s32 $0xFFFFC000  }
0x9f: {  	[tilespmem:s29], [sflag:$0x1] =	stream.linear.gather [spmem:s18], $0x4000, $0x38;
	[tilespmem:$0x1B480] =	vst v63  }
0xa0: {  	_ =	swait.ge [sflag:s30], $0x4000  }
0xa1: {  	[sflag:s30] =	ssyncset.done $0x0  }
0xa2: {  	s6 =	rddreg [dreg:$0x6];
	[sflag:s30] =	ssyncadd.s32 $0xFFFFC000  }
0xa3: {  	[hbm4b:s6+s1] =	stream.linear.scatter [tilespmem:s29], [sflag:$0x1], $0x4000, $0x38;
	[tilespmem:$0x1B480] =	vst v63  }
0xa4: {  	_ =	swait.ge [sflag:s30], $0x4000  }
0xa5: {  	[sflag:s30] =	ssyncset.done $0x0  }
0xa6: {  	[sflag:s30] =	ssyncadd.s32 $0xFFFFC000  }
0xa7: {  	[tilespmem:s29], [sflag:$0x1] =	stream.linear.gather [spmem:s19], $0x4000, $0x38;
	[tilespmem:$0x1B480] =	vst v63  }
0xa8: {  	_ =	swait.ge [sflag:s30], $0x4000  }
0xa9: {  	[sflag:s30] =	ssyncset.done $0x0  }
0xaa: {  	s7 =	rddreg [dreg:$0x7];
	[sflag:s30] =	ssyncadd.s32 $0xFFFFC000  }
0xab: {  	[hbm4b:s7+s1] =	stream.linear.scatter [tilespmem:s29], [sflag:$0x1], $0x4000, $0x38;
	[tilespmem:$0x1B480] =	vst v63  }
0xac: {  	_ =	swait.ge [sflag:s30], $0x4000  }
0xad: {  	[sflag:s30] =	ssyncset.done $0x0  }
0xae: {  	[sflag:s30] =	ssyncadd.s32 $0xFFFFC000  }
0xaf: {  	[tilespmem:s29], [sflag:$0x1] =	stream.linear.gather [spmem:s20], $0x4000, $0x38;
	[tilespmem:$0x1B480] =	vst v63  }
0xb0: {  	_ =	swait.ge [sflag:s30], $0x4000  }
0xb1: {  	[sflag:s30] =	ssyncset.done $0x0  }
0xb2: {  	s8 =	rddreg [dreg:$0x8];
	[sflag:s30] =	ssyncadd.s32 $0xFFFFC000  }
0xb3: {  	[hbm4b:s8+s1] =	stream.linear.scatter [tilespmem:s29], [sflag:$0x1], $0x4000, $0x38;
	[tilespmem:$0x1B480] =	vst v63  }
0xb4: {  	_ =	swait.ge [sflag:s30], $0x4000  }
0xb5: {  	[sflag:s30] =	ssyncset.done $0x0  }
0xb6: {  	[sflag:s30] =	ssyncadd.s32 $0xFFFFC000  }
0xb7: {  	[tilespmem:s29], [sflag:$0x1] =	stream.linear.gather [spmem:s21], $0x3C00, $0x38;
	[tilespmem:$0x1B480] =	vst v63  }
0xb8: {  	_ =	swait.ge [sflag:s30], $0x3C00  }
0xb9: {  	[sflag:s30] =	ssyncset.done $0x0  }
0xba: {  	s6 =	rddreg [dreg:$0x9];
	[sflag:s30] =	ssyncadd.s32 $0xFFFFC400  }
0xbb: {  	[hbm4b:s6+s1] =	stream.linear.scatter [tilespmem:s29], [sflag:$0x1], $0x3C00, $0x38;
	[tilespmem:$0x1B480] =	vst v63  }
0xbc: {  	_ =	swait.ge [sflag:s30], $0x3C00  }
0xbd: {  	[sflag:s30] =	ssyncset.done $0x0  }
0xbe: {  	[sflag:s30] =	ssyncadd.s32 $0xFFFFC400  }
0xbf: {  	[tilespmem:s31], [sflag:$0x1] =	stream.linear.gather [spmem:s22], $0x800, $0x38;
	[tilespmem:$0x1B480] =	vst v63  }
0xc0: {  	_ =	swait.ge [sflag:s30], $0x800  }
0xc1: {  	[sflag:s30] =	ssyncset.done $0x0  }
0xc2: {  	s7 =	rddreg [dreg:$0xa];
	[sflag:s30] =	ssyncadd.s32 $0xFFFFF800  }
0xc3: {  	[hbm4b:s7+s1] =	stream.linear.scatter [tilespmem:s31], [sflag:$0x1], $0x800, $0x38;
	[tilespmem:$0x1B480] =	vst v63  }
0xc4: {  	_ =	swait.ge [sflag:s30], $0x800  }
0xc5: {  	[sflag:s30] =	ssyncset.done $0x0  }
0xc6: {  	[sflag:s30] =	ssyncadd.s32 $0xFFFFF800  }
0xc7: {  	[tilespmem:s31], [sflag:$0x1] =	stream.linear.gather [spmem:s23], $0x800, $0x38;
	[tilespmem:$0x1B480] =	vst v63  }
0xc8: {  	_ =	swait.ge [sflag:s30], $0x800  }
0xc9: {  	[sflag:s30] =	ssyncset.done $0x0  }
0xca: {  	s8 =	rddreg [dreg:$0xb];
	[sflag:s30] =	ssyncadd.s32 $0xFFFFF800  }
0xcb: {  	[hbm4b:s8+s1] =	stream.linear.scatter [tilespmem:s31], [sflag:$0x1], $0x800, $0x38;
	[tilespmem:$0x1B480] =	vst v63  }
0xcc: {  	_ =	swait.ge [sflag:s30], $0x800  }
0xcd: {  	[sflag:s30] =	ssyncset.done $0x0  }
0xce: {  	[sflag:s30] =	ssyncadd.s32 $0xFFFFF800  }
0xcf: {  	[tilespmem:s31], [sflag:$0x1] =	stream.linear.gather [spmem:s24], $0x800, $0x38;
	[tilespmem:$0x1B480] =	vst v63  }
0xd0: {  	_ =	swait.ge [sflag:s30], $0x800  }
0xd1: {  	[sflag:s30] =	ssyncset.done $0x0  }
0xd2: {  	[sflag:s30] =	ssyncadd.s32 $0xFFFFF800  }
0xd3: {  	[hbm4b:s9+s1] =	stream.linear.scatter [tilespmem:s31], [sflag:$0x1], $0x800, $0x38;
	[tilespmem:$0x1B480] =	vst v63  }
0xd4: {  	_ =	swait.ge [sflag:s30], $0x800  }
0xd5: {  	[sflag:s30] =	ssyncset.done $0x0  }
0xd6: {  	[sflag:s30] =	ssyncadd.s32 $0xFFFFF800  }
0xd7: {  	[tilespmem:s31], [sflag:$0x1] =	stream.linear.gather [spmem:s25], $0x800, $0x38;
	[tilespmem:$0x1B480] =	vst v63  }
0xd8: {  	_ =	swait.ge [sflag:s30], $0x800  }
0xd9: {  	[sflag:s30] =	ssyncset.done $0x0  }
0xda: {  	[sflag:s30] =	ssyncadd.s32 $0xFFFFF800  }
0xdb: {  	[hbm4b:s12+s1] =	stream.linear.scatter [tilespmem:s31], [sflag:$0x1], $0x800, $0x38;
	[tilespmem:$0x1B480] =	vst v63  }
0xdc: {  	_ =	swait.ge [sflag:s30], $0x800  }
0xdd: {  	[sflag:s30] =	ssyncset.done $0x0  }
0xde: {  	[sflag:s30] =	ssyncadd.s32 $0xFFFFF800  }
0xdf: {  	[tilespmem:s31], [sflag:$0x1] =	stream.linear.gather [spmem:s26], $0x780, $0x38;
	[tilespmem:$0x1B480] =	vst v63  }
0xe0: {  	s4 =	sadd.s32 $0x1, s4;
	_ =	swait.ge [sflag:s30], $0x780  }
0xe1: {  	p0 =	sne.s32 s4, s28;
	[sflag:s30] =	ssyncset.done $0x0  }
.Ltmp4:
0xe2: {  	[sflag:s30] =	ssyncadd.s32 $0xFFFFF880;
	(pc) =	sbr.rel @p0 .LBB2_1-.Ltmp4, $4  }
0xe3: {  	[hbm4b:s14+s1] =	stream.linear.scatter [tilespmem:s31], [sflag:$0x1], $0x780, $0x38;
	[tilespmem:$0x1B480] =	vst v63  }
0xe4: {  	_ =	swait.ge [sflag:s30], $0x780  }
0xe5: {  	[sflag:s30] =	ssyncset.done $0x0  }
0xe6: {  	[sflag:s30] =	ssyncadd.s32 $0xFFFFF880  }
0xe7: {  	_ =	sfence.sel $0x180000  }
0xe8: {  	[bflag:$0x0] =	sbarrier.arrive $0xFFFF  }
0xe9: {  	_ =	strace $0x90000047  }
0xea: {  	s0 =	stileid.u32;
	[bflag:$0x2] =	sbarrier.arrive $0xFFFF  }
0xeb: {  	p0 =	sne.s32 s0, $0x0;
	s0 =	rddreg [dreg:$0x4]  }
0xec: {  	s0 =	sadd.s32 @!p0 $0x100000, s0  }
0xed: {  	[sflag:s0] =	ssyncadd.tile.s32 @!p0 $0x1;
	_ =	shalt  }
.Lfunc_end2:
_tile_overlayer_lowered:
.L_overlay_start_2:
0xee: {  	(tag) =	ssettag $0x2  }
0xef: {  	s0 =	rddreg [dreg:$0x0];
	s2 =	stileid.u32  }
0xf0: {  	s1 =	rddreg [dreg:$0x1];
	p0 =	sne.s32 s2, $0x0  }
0xf1: {  	s3 =	rddreg [dreg:$0x2];
	[bflag:$0x3] =	sbarrier.arrive $0xFFFF;
	s2 =	simm.s32 @!p0 $0x1C01  }
0xf2: {  	[timem:s3], [sflag:s2] =	dma.local @!p0 [hbm:s0], s1  }
0xf3: {  	s0 =	simm.s32 @!p0 $0x1  }
0xf4: {  	_ =	swait.ge @!p0 [sflag:s0], s1  }
0xf5: {  	s1 =	ssub.s32 @!p0 $0x0, s1;
	[sflag:s0] =	ssyncset.done @!p0 $0x0  }
0xf6: {  	[sflag:s0] =	ssyncadd.s32 @!p0 s1  }
0xf7: {  	[bflag:$0x3] =	sbarrier.arrive $0xFFFF  }
0xf8: {  	_ =	shalt  }

</sc_bundles>
